<compile_context>
chip_gen: v7x
topology: tpu7x:2x2x1
jax: 0.10.2.dev20260603
libtpu: 0.0.44.dev20260713+nightly
codegen_flags: <defaults>
</compile_context>

<pallas_src>
import functools

import numpy as np
import jax
import jax.numpy as jnp
from jax import lax
from jax.experimental import pallas as pl
from jax.experimental.pallas import tpu as pltpu
from jax.experimental.pallas import tpu_sc as plsc

B, C, H, W = 16, 192, 128, 128
HW = H * W
COUNTS = 1000
NSLOT = 1024
NBOX = COUNTS * 3 * 4

_scales_m, _ratios_m = np.meshgrid(np.array([64.0]), np.array([0.5, 1.0, 2.0]))
_scales_f = _scales_m.flatten()
_ratios_f = _ratios_m.flatten()
_HEIGHTS = np.asarray(_scales_f / np.sqrt(_ratios_f), dtype=np.float32)
_WIDTHS = np.asarray(_scales_f * np.sqrt(_ratios_f), dtype=np.float32)
_HH = [float(np.float32(0.5) * h) for h in _HEIGHTS]
_HW_ = [float(np.float32(0.5) * w) for w in _WIDTHS]
_INV512 = 1.0 / 512.0


def _tc_body(x_ref, heat_ref, thr_ref, rs_ref, mean_ref):
    b = pl.program_id(0)

    def p1(c, carry):
        plane = x_ref[0, c]
        rs_ref[c] = jnp.sum(plane, axis=0)
        return carry

    lax.fori_loop(0, C, p1, 0, unroll=16)
    s = jnp.sum(rs_ref[...], axis=1)
    mean_ref[...] = jnp.broadcast_to((s * (1.0 / HW))[:, None], (C, W))

    def chunk(k):
        def body(i, acc):
            c = k * 64 + i
            plane = x_ref[0, c]
            mrow = mean_ref[c]
            return acc + jnp.abs(plane - mrow[None, :])

        return lax.fori_loop(0, 64, body, jnp.zeros((H, W), jnp.float32),
                             unroll=16)

    heat = (chunk(0) + chunk(1)) + chunk(2)
    heat_ref[b] = heat

    @pl.when(b == B - 1)
    def _():
        pat = lax.bitcast_convert_type(heat_ref[...], jnp.int32)

        def sbody(j, acc):
            cand = acc | (jnp.int32(1) << (30 - j))
            m = (pat >= cand).astype(jnp.int32)
            cnt = jnp.sum(m, axis=(1, 2), keepdims=True)
            return jnp.where(cnt >= COUNTS, cand, acc)

        acc = lax.fori_loop(0, 31, sbody, jnp.zeros((B, 1, 1), jnp.int32))
        thrf = lax.bitcast_convert_type(acc, jnp.float32)
        thr_ref[...] = jnp.broadcast_to(thrf.reshape(B, 1), (B, 16))


_tc_call = pl.pallas_call(
    _tc_body,
    grid=(B,),
    in_specs=[pl.BlockSpec((1, C, H, W), lambda b: (b, 0, 0, 0))],
    out_specs=[
        pl.BlockSpec((B, H, W), lambda b: (0, 0, 0)),
        pl.BlockSpec((B, 16), lambda b: (0, 0)),
    ],
    out_shape=[
        jax.ShapeDtypeStruct((B, H, W), jnp.float32),
        jax.ShapeDtypeStruct((B, 16), jnp.float32),
    ],
    scratch_shapes=[
        pltpu.VMEM((C, W), jnp.float32),
        pltpu.VMEM((C, W), jnp.float32),
    ],
)


_NC, _NS = 2, 16
_sc_mesh = plsc.VectorSubcoreMesh(core_axis_name="c", subcore_axis_name="s")


@functools.partial(
    pl.kernel,
    out_type=jax.ShapeDtypeStruct((B * NBOX,), jnp.float32),
    mesh=_sc_mesh,
    compiler_params=pltpu.CompilerParams(needs_layout_passes=False),
    scratch_types=[
        pltpu.VMEM((HW,), jnp.float32),
        pltpu.VMEM((16,), jnp.float32),
        pltpu.VMEM((NSLOT,), jnp.int32),
        pltpu.VMEM((NBOX,), jnp.float32),
    ],
)
def _sc_kernel(heat_hbm, thr_hbm, out_hbm, heat_v, thr_v, idx_v, box_v):
    wid = lax.axis_index("s") * _NC + lax.axis_index("c")

    @pl.when(wid < B)
    def _():
        b = wid
        pltpu.sync_copy(heat_hbm.at[pl.ds(b * HW, HW)], heat_v)
        pltpu.sync_copy(thr_hbm.at[pl.ds(b * 16, 16)], thr_v)
        t = thr_v[...]
        iota = lax.iota(jnp.int32, 16)
        zero16 = jnp.zeros((16,), jnp.int32)

        def init(g, carry):
            idx_v[pl.ds(g * 16, 16)] = zero16
            return carry

        lax.fori_loop(0, NSLOT // 16, init, 0, unroll=8)

        def scan(i, cntv):
            base = i * 64
            vs = [heat_v[pl.ds(base + 16 * j, 16)] for j in range(4)]
            ms = [v >= t for v in vs]
            cs = [plsc.cumsum(jnp.where(m, 1, 0)) for m in ms]
            pops = [plsc.all_reduce_population_count(m) for m in ms]
            for j in range(4):
                pos = cntv + cs[j]
                wm = ms[j] & (pos <= COUNTS)
                slot = jnp.clip(pos - 1, 0, NSLOT - 1)
                plsc.store_scatter(idx_v, [slot], base + 16 * j + iota,
                                   mask=wm)
                cntv = cntv + pops[j]
            return cntv

        lax.fori_loop(0, HW // 64, scan, jnp.zeros((16,), jnp.int32),
                      unroll=2)

        def boxes(g, carry):
            n = g * 16 + iota
            bm = n < COUNTS
            fi = idx_v[pl.ds(g * 16, 16)]
            cy = (fi >> 7).astype(jnp.float32) * 4.0
            cx = (fi & 127).astype(jnp.float32) * 4.0
            base = n * 12
            for a in range(3):
                vals = (
                    jnp.clip((cy - _HH[a]) * _INV512, 0.0, 1.0),
                    jnp.clip((cx - _HW_[a]) * _INV512, 0.0, 1.0),
                    jnp.clip((cy + _HH[a]) * _INV512, 0.0, 1.0),
                    jnp.clip((cx + _HW_[a]) * _INV512, 0.0, 1.0),
                )
                for j, val in enumerate(vals):
                    tgt = jnp.clip(base + (a * 4 + j), 0, NBOX - 1)
                    plsc.store_scatter(box_v, [tgt], val, mask=bm)
            return carry

        lax.fori_loop(0, (COUNTS + 15) // 16, boxes, 0, unroll=2)
        pltpu.sync_copy(box_v, out_hbm.at[pl.ds(b * NBOX, NBOX)])


def kernel(x):
    heat, thr = _tc_call(x)
    boxes_flat = _sc_kernel(heat.reshape(-1), thr.reshape(-1))
    return boxes_flat.reshape(B, COUNTS * 3, 4)

# --- scband reference (transcript-rebuilt; emitter-appended) ---
"""Pipeline reference for scband-hot-anchor-layer-30339648978946 (READ-ONLY COPY).

The authoritative reference and input builder live on the scoring server;
editing this copy changes nothing except your own understanding.
"""

import jax, jax.numpy as jnp
import numpy as np

SCALES = [64.0]
RATIOS = [0.5, 1.0, 2.0]
COUNTS = 1000
IMAGE_SHAPE = (512, 512, 3)


def setup_inputs(seed: int = 0) -> dict:
    key = jax.random.key(seed)
    x = jax.random.normal(key, (16, 192, 128, 128), dtype=jnp.float32)
    return {"x": x}


def reference(x):
    B, C, H, W = x.shape
    strides = jnp.array([IMAGE_SHAPE[0] / H, IMAGE_SHAPE[1] / W], dtype=jnp.float32)

    def per_batch(fmap):
        # per-channel mean over (H, W), matching torch.mean(mean(fmap,1,True),2,True)
        mean = jnp.mean(fmap, axis=(1, 2), keepdims=True)
        heat = jnp.sum(jnp.abs(fmap - mean), axis=0)  # [H, W]
        kval = jax.lax.top_k(heat.reshape(-1), COUNTS)[0]
        thresh = kval[-1]
        mask = (heat >= thresh).reshape(-1)
        # np.where returns row-major order; nonzero(size=COUNTS) takes first COUNTS hits
        flat_idx = jnp.nonzero(mask, size=COUNTS, fill_value=0)[0]
        ys = (flat_idx // W).astype(jnp.float32)
        xs = (flat_idx % W).astype(jnp.float32)
        pts = jnp.stack([ys, xs], axis=1)  # [COUNTS, 2]
        return pts * strides

    centers = jax.vmap(per_batch)(x)  # [B, COUNTS, 2]

    scales_m, ratios_m = np.meshgrid(np.array(SCALES, dtype=np.float64), np.array(RATIOS, dtype=np.float64))
    scales_f = scales_m.flatten()
    ratios_f = ratios_m.flatten()
    heights = jnp.asarray(scales_f / np.sqrt(ratios_f), dtype=jnp.float32)  # [A]
    widths = jnp.asarray(scales_f * np.sqrt(ratios_f), dtype=jnp.float32)   # [A]
    A = heights.shape[0]

    cy = centers[..., 0]  # [B, N]
    cx = centers[..., 1]
    box_h = jnp.broadcast_to(heights[None, None, :], cy.shape + (A,))
    box_cy = jnp.broadcast_to(cy[..., None], cy.shape + (A,))
    box_w = jnp.broadcast_to(widths[None, None, :], cx.shape + (A,))
    box_cx = jnp.broadcast_to(cx[..., None], cx.shape + (A,))

    box_centers = jnp.stack([box_cy, box_cx], axis=-1).reshape(B, -1, 2)
    box_sizes = jnp.stack([box_h, box_w], axis=-1).reshape(B, -1, 2)
    boxes = jnp.concatenate([box_centers - 0.5 * box_sizes, box_centers + 0.5 * box_sizes], axis=-1)
    norm = jnp.array([IMAGE_SHAPE[0], IMAGE_SHAPE[1], IMAGE_SHAPE[0], IMAGE_SHAPE[1]], dtype=jnp.float32)
    boxes = jnp.clip(boxes / norm, 0.0, 1.0)
    return boxes  # [B, COUNTS*len(SCALES)*len(RATIOS), 4]

if __name__ == "__main__":
    import jax
    _d = setup_inputs()
    print(jax.jit(kernel)(*tuple(_d.values())))

</pallas_src>

<mosaic_0001>
#map = affine_map<(d0, d1) -> (0)>
module attributes {stable_mosaic.version = 14 : i64} {
  func.func @_sc_kernel(%arg0: i32, %arg1: i32, %arg2: memref<262144xf32, #tpu.memory_space<hbm>>, %arg3: memref<256xf32, #tpu.memory_space<hbm>>, %arg4: memref<192000xf32, #tpu.memory_space<hbm>>, %arg5: memref<16384xf32, #tpu.memory_space<vmem>>, %arg6: memref<16xf32, #tpu.memory_space<vmem>>, %arg7: memref<1024xi32, #tpu.memory_space<vmem>>, %arg8: memref<12000xf32, #tpu.memory_space<vmem>>) attributes {dimension_semantics = [#tpu.dimension_semantics<core_parallel>, #tpu.dimension_semantics<subcore_parallel>], iteration_bounds = array<i64: 2, 16>, scalar_prefetch = 0 : i64, scratch_operands = 4 : i64, tpu.core_type = #tpu.core_type<sc_vector_subcore>, window_params = [{transform_indices = #map}, {transform_indices = #map}, {transform_indices = #map}]} {
    %mul3A = arith.constant 2 : i32
    %mul3A_0 = arith.muli %arg1, %mul3A : i32
    %add3A = arith.addi %mul3A_0, %arg0 : i32
    %lt3A = arith.constant 16 : i32
    %lt3A_1 = arith.cmpi slt, %add3A, %lt3A : i32
    %convert_element_type3A = arith.extui %lt3A_1 : i1 to i32
    %cond3A = arith.constant 0 : i32
    %cond3A_2 = arith.cmpi ne, %convert_element_type3A, %cond3A : i32
    scf.if %cond3A_2 {
      %mul3A_3 = arith.constant 16384 : i32
      %mul3A_4 = arith.muli %add3A, %mul3A_3 : i32
      "tpu.region"() ({
        %run_scoped3A = tpu.sem_alloc : memref<!tpu.dma_semaphore, #tpu.memory_space<semaphore_mem>>
        %dma_start3A = tpu.memref_slice %arg2[%mul3A_4] : memref<262144xf32, #tpu.memory_space<hbm>> -> memref<16384xf32, #tpu.memory_space<hbm>>
        %dma_start3A_306 = tpu.memref_slice %arg2[%mul3A_4] : memref<262144xf32, #tpu.memory_space<hbm>> -> memref<16384xf32, #tpu.memory_space<hbm>>
        tpu.enqueue_dma source(%dma_start3A_306 : memref<16384xf32, #tpu.memory_space<hbm>>) target(%arg5 : memref<16384xf32, #tpu.memory_space<vmem>>) target_semaphore(%run_scoped3A : memref<!tpu.dma_semaphore, #tpu.memory_space<semaphore_mem>>)
        %dma_wait3A = tpu.memref_slice %arg2[%mul3A_4] : memref<262144xf32, #tpu.memory_space<hbm>> -> memref<16384xf32, #tpu.memory_space<hbm>>
        %dma_wait3A_307 = tpu.memref_slice %arg2[%mul3A_4] : memref<262144xf32, #tpu.memory_space<hbm>> -> memref<16384xf32, #tpu.memory_space<hbm>>
        tpu.wait_dma2 semaphore(%run_scoped3A : memref<!tpu.dma_semaphore, #tpu.memory_space<semaphore_mem>>) src(%dma_wait3A_307 : memref<16384xf32, #tpu.memory_space<hbm>>) dst(%arg5 : memref<16384xf32, #tpu.memory_space<vmem>>)
        tpu.yield
      }) : () -> ()
      %mul3A_5 = arith.constant 16 : i32
      %mul3A_6 = arith.muli %add3A, %mul3A_5 : i32
      "tpu.region"() ({
        %run_scoped3A = tpu.sem_alloc : memref<!tpu.dma_semaphore, #tpu.memory_space<semaphore_mem>>
        %dma_start3A = tpu.memref_slice %arg3[%mul3A_6] : memref<256xf32, #tpu.memory_space<hbm>> -> memref<16xf32, #tpu.memory_space<hbm>>
        %dma_start3A_306 = tpu.memref_slice %arg3[%mul3A_6] : memref<256xf32, #tpu.memory_space<hbm>> -> memref<16xf32, #tpu.memory_space<hbm>>
        tpu.enqueue_dma source(%dma_start3A_306 : memref<16xf32, #tpu.memory_space<hbm>>) target(%arg6 : memref<16xf32, #tpu.memory_space<vmem>>) target_semaphore(%run_scoped3A : memref<!tpu.dma_semaphore, #tpu.memory_space<semaphore_mem>>)
        %dma_wait3A = tpu.memref_slice %arg3[%mul3A_6] : memref<256xf32, #tpu.memory_space<hbm>> -> memref<16xf32, #tpu.memory_space<hbm>>
        %dma_wait3A_307 = tpu.memref_slice %arg3[%mul3A_6] : memref<256xf32, #tpu.memory_space<hbm>> -> memref<16xf32, #tpu.memory_space<hbm>>
        tpu.wait_dma2 semaphore(%run_scoped3A : memref<!tpu.dma_semaphore, #tpu.memory_space<semaphore_mem>>) src(%dma_wait3A_307 : memref<16xf32, #tpu.memory_space<hbm>>) dst(%arg6 : memref<16xf32, #tpu.memory_space<vmem>>)
        tpu.yield
      }) : () -> ()
      %get3A = arith.constant 0 : index
      %get3A_7 = tpu.vector_load %arg6[%get3A] {strides = array<i32>} : memref<16xf32, #tpu.memory_space<vmem>>, vector<16xf32>,
      %iota3A = tpu.iota {dimensions = array<i32: 0>} : vector<16xi32>
      %broadcast_in_dim3A = arith.constant 0 : i32
      %broadcast_in_dim3A_8 = vector.broadcast %broadcast_in_dim3A : i32 to vector<16xi32>
      %scan3A = arith.constant 0 : i32
      %scan3A_9 = arith.constant 0 : i32
      %scan3A_10 = arith.constant 64 : i32
      %scan3A_11 = arith.addi %scan3A_9, %scan3A_10 : i32
      %scan3A_12 = arith.constant 8 : i32
      scf.for %scan3A_306 = %scan3A_9 to %scan3A_11 step %scan3A_12  : i32 {
        %mul3A_307 = arith.constant 16 : i32
        %mul3A_308 = arith.muli %scan3A_306, %mul3A_307 : i32
        %swap3A = arith.index_cast %mul3A_308 : i32 to index
        %swap3A_309 = tpu.vector_load %arg7[%swap3A] {strides = array<i32>} : memref<1024xi32, #tpu.memory_space<vmem>>, vector<16xi32>,
        tpu.vector_store %arg7[%swap3A], %broadcast_in_dim3A_8 {strides = array<i32>} : memref<1024xi32, #tpu.memory_space<vmem>>, vector<16xi32>,
        %scan3A_310 = arith.constant 1 : i32
        %scan3A_311 = arith.addi %scan3A_306, %scan3A_310 : i32
        %mul3A_312 = arith.constant 16 : i32
        %mul3A_313 = arith.muli %scan3A_311, %mul3A_312 : i32
        %swap3A_314 = arith.index_cast %mul3A_313 : i32 to index
        %swap3A_315 = tpu.vector_load %arg7[%swap3A_314] {strides = array<i32>} : memref<1024xi32, #tpu.memory_space<vmem>>, vector<16xi32>,
        tpu.vector_store %arg7[%swap3A_314], %broadcast_in_dim3A_8 {strides = array<i32>} : memref<1024xi32, #tpu.memory_space<vmem>>, vector<16xi32>,
        %scan3A_316 = arith.constant 2 : i32
        %scan3A_317 = arith.addi %scan3A_306, %scan3A_316 : i32
        %mul3A_318 = arith.constant 16 : i32
        %mul3A_319 = arith.muli %scan3A_317, %mul3A_318 : i32
        %swap3A_320 = arith.index_cast %mul3A_319 : i32 to index
        %swap3A_321 = tpu.vector_load %arg7[%swap3A_320] {strides = array<i32>} : memref<1024xi32, #tpu.memory_space<vmem>>, vector<16xi32>,
        tpu.vector_store %arg7[%swap3A_320], %broadcast_in_dim3A_8 {strides = array<i32>} : memref<1024xi32, #tpu.memory_space<vmem>>, vector<16xi32>,
        %scan3A_322 = arith.constant 3 : i32
        %scan3A_323 = arith.addi %scan3A_306, %scan3A_322 : i32
        %mul3A_324 = arith.constant 16 : i32
        %mul3A_325 = arith.muli %scan3A_323, %mul3A_324 : i32
        %swap3A_326 = arith.index_cast %mul3A_325 : i32 to index
        %swap3A_327 = tpu.vector_load %arg7[%swap3A_326] {strides = array<i32>} : memref<1024xi32, #tpu.memory_space<vmem>>, vector<16xi32>,
        tpu.vector_store %arg7[%swap3A_326], %broadcast_in_dim3A_8 {strides = array<i32>} : memref<1024xi32, #tpu.memory_space<vmem>>, vector<16xi32>,
        %scan3A_328 = arith.constant 4 : i32
        %scan3A_329 = arith.addi %scan3A_306, %scan3A_328 : i32
        %mul3A_330 = arith.constant 16 : i32
        %mul3A_331 = arith.muli %scan3A_329, %mul3A_330 : i32
        %swap3A_332 = arith.index_cast %mul3A_331 : i32 to index
        %swap3A_333 = tpu.vector_load %arg7[%swap3A_332] {strides = array<i32>} : memref<1024xi32, #tpu.memory_space<vmem>>, vector<16xi32>,
        tpu.vector_store %arg7[%swap3A_332], %broadcast_in_dim3A_8 {strides = array<i32>} : memref<1024xi32, #tpu.memory_space<vmem>>, vector<16xi32>,
        %scan3A_334 = arith.constant 5 : i32
        %scan3A_335 = arith.addi %scan3A_306, %scan3A_334 : i32
        %mul3A_336 = arith.constant 16 : i32
        %mul3A_337 = arith.muli %scan3A_335, %mul3A_336 : i32
        %swap3A_338 = arith.index_cast %mul3A_337 : i32 to index
        %swap3A_339 = tpu.vector_load %arg7[%swap3A_338] {strides = array<i32>} : memref<1024xi32, #tpu.memory_space<vmem>>, vector<16xi32>,
        tpu.vector_store %arg7[%swap3A_338], %broadcast_in_dim3A_8 {strides = array<i32>} : memref<1024xi32, #tpu.memory_space<vmem>>, vector<16xi32>,
        %scan3A_340 = arith.constant 6 : i32
        %scan3A_341 = arith.addi %scan3A_306, %scan3A_340 : i32
        %mul3A_342 = arith.constant 16 : i32
        %mul3A_343 = arith.muli %scan3A_341, %mul3A_342 : i32
        %swap3A_344 = arith.index_cast %mul3A_343 : i32 to index
        %swap3A_345 = tpu.vector_load %arg7[%swap3A_344] {strides = array<i32>} : memref<1024xi32, #tpu.memory_space<vmem>>, vector<16xi32>,
        tpu.vector_store %arg7[%swap3A_344], %broadcast_in_dim3A_8 {strides = array<i32>} : memref<1024xi32, #tpu.memory_space<vmem>>, vector<16xi32>,
        %scan3A_346 = arith.constant 7 : i32
        %scan3A_347 = arith.addi %scan3A_306, %scan3A_346 : i32
        %mul3A_348 = arith.constant 16 : i32
        %mul3A_349 = arith.muli %scan3A_347, %mul3A_348 : i32
        %swap3A_350 = arith.index_cast %mul3A_349 : i32 to index
        %swap3A_351 = tpu.vector_load %arg7[%swap3A_350] {strides = array<i32>} : memref<1024xi32, #tpu.memory_space<vmem>>, vector<16xi32>,
        tpu.vector_store %arg7[%swap3A_350], %broadcast_in_dim3A_8 {strides = array<i32>} : memref<1024xi32, #tpu.memory_space<vmem>>, vector<16xi32>,
      }
      %scan3A_13 = arith.constant 64 : i32
      %broadcast_in_dim3A_14 = arith.constant 0 : i32
      %broadcast_in_dim3A_15 = vector.broadcast %broadcast_in_dim3A_14 : i32 to vector<16xi32>
      %scan3A_16 = arith.constant 0 : i32
      %scan3A_17 = arith.constant 256 : i32
      %scan3A_18 = arith.addi %scan3A_16, %scan3A_17 : i32
      %scan3A_19 = arith.constant 2 : i32
      %scan3A_20 = scf.for %scan3A_306 = %scan3A_16 to %scan3A_18 step %scan3A_19 iter_args(%scan3A_307 = %broadcast_in_dim3A_15) -> (vector<16xi32>)  : i32 {
        %mul3A_308 = arith.constant 64 : i32
        %mul3A_309 = arith.muli %scan3A_306, %mul3A_308 : i32
        %add3A_310 = arith.constant 0 : i32
        %add3A_311 = arith.addi %mul3A_309, %add3A_310 : i32
        %get3A_312 = arith.index_cast %add3A_311 : i32 to index
        %get3A_313 = tpu.vector_load %arg5[%get3A_312] {strides = array<i32>} : memref<16384xf32, #tpu.memory_space<vmem>>, vector<16xf32>,
        %add3A_314 = arith.constant 16 : i32
        %add3A_315 = arith.addi %mul3A_309, %add3A_314 : i32
        %get3A_316 = arith.index_cast %add3A_315 : i32 to index
        %get3A_317 = tpu.vector_load %arg5[%get3A_316] {strides = array<i32>} : memref<16384xf32, #tpu.memory_space<vmem>>, vector<16xf32>,
        %add3A_318 = arith.constant 32 : i32
        %add3A_319 = arith.addi %mul3A_309, %add3A_318 : i32
        %get3A_320 = arith.index_cast %add3A_319 : i32 to index
        %get3A_321 = tpu.vector_load %arg5[%get3A_320] {strides = array<i32>} : memref<16384xf32, #tpu.memory_space<vmem>>, vector<16xf32>,
        %add3A_322 = arith.constant 48 : i32
        %add3A_323 = arith.addi %mul3A_309, %add3A_322 : i32
        %get3A_324 = arith.index_cast %add3A_323 : i32 to index
        %get3A_325 = tpu.vector_load %arg5[%get3A_324] {strides = array<i32>} : memref<16384xf32, #tpu.memory_space<vmem>>, vector<16xf32>,
        %ge3A = arith.cmpf oge, %get3A_313, %get3A_7 : vector<16xf32>
        %ge3A_326 = arith.cmpf oge, %get3A_317, %get3A_7 : vector<16xf32>
        %ge3A_327 = arith.cmpf oge, %get3A_321, %get3A_7 : vector<16xf32>
        %ge3A_328 = arith.cmpf oge, %get3A_325, %get3A_7 : vector<16xf32>
        %jit3A_329 = arith.constant 1 : i32
        %jit3A_330 = arith.constant 0 : i32
        %broadcast_in_dim3A_331 = vector.broadcast %jit3A_329 : i32 to vector<16xi32>
        %broadcast_in_dim3A_332 = vector.broadcast %jit3A_330 : i32 to vector<16xi32>
        %select_n3A = arith.select %ge3A, %broadcast_in_dim3A_331, %broadcast_in_dim3A_332 : vector<16xi1>, vector<16xi32>
        %broadcast_in_dim3A_333 = arith.constant true
        %broadcast_in_dim3A_334 = vector.broadcast %broadcast_in_dim3A_333 : i1 to vector<16xi1>
        %masked_cumsum3A = tpu.scan <sum>, %select_n3A masked %broadcast_in_dim3A_334 : vector<16xi32>, vector<16xi1> -> vector<16xi32>
        %jit3A_335 = arith.constant 1 : i32
        %jit3A_336 = arith.constant 0 : i32
        %broadcast_in_dim3A_337 = vector.broadcast %jit3A_335 : i32 to vector<16xi32>
        %broadcast_in_dim3A_338 = vector.broadcast %jit3A_336 : i32 to vector<16xi32>
        %select_n3A_339 = arith.select %ge3A_326, %broadcast_in_dim3A_337, %broadcast_in_dim3A_338 : vector<16xi1>, vector<16xi32>
        %broadcast_in_dim3A_340 = arith.constant true
        %broadcast_in_dim3A_341 = vector.broadcast %broadcast_in_dim3A_340 : i1 to vector<16xi1>
        %masked_cumsum3A_342 = tpu.scan <sum>, %select_n3A_339 masked %broadcast_in_dim3A_341 : vector<16xi32>, vector<16xi1> -> vector<16xi32>
        %jit3A_343 = arith.constant 1 : i32
        %jit3A_344 = arith.constant 0 : i32
        %broadcast_in_dim3A_345 = vector.broadcast %jit3A_343 : i32 to vector<16xi32>
        %broadcast_in_dim3A_346 = vector.broadcast %jit3A_344 : i32 to vector<16xi32>
        %select_n3A_347 = arith.select %ge3A_327, %broadcast_in_dim3A_345, %broadcast_in_dim3A_346 : vector<16xi1>, vector<16xi32>
        %broadcast_in_dim3A_348 = arith.constant true
        %broadcast_in_dim3A_349 = vector.broadcast %broadcast_in_dim3A_348 : i1 to vector<16xi1>
        %masked_cumsum3A_350 = tpu.scan <sum>, %select_n3A_347 masked %broadcast_in_dim3A_349 : vector<16xi32>, vector<16xi1> -> vector<16xi32>
        %jit3A_351 = arith.constant 1 : i32
        %jit3A_352 = arith.constant 0 : i32
        %broadcast_in_dim3A_353 = vector.broadcast %jit3A_351 : i32 to vector<16xi32>
        %broadcast_in_dim3A_354 = vector.broadcast %jit3A_352 : i32 to vector<16xi32>
        %select_n3A_355 = arith.select %ge3A_328, %broadcast_in_dim3A_353, %broadcast_in_dim3A_354 : vector<16xi1>, vector<16xi32>
        %broadcast_in_dim3A_356 = arith.constant true
        %broadcast_in_dim3A_357 = vector.broadcast %broadcast_in_dim3A_356 : i1 to vector<16xi1>
        %masked_cumsum3A_358 = tpu.scan <sum>, %select_n3A_355 masked %broadcast_in_dim3A_357 : vector<16xi32>, vector<16xi1> -> vector<16xi32>
        %all_reduce_population_count3A = tpu.all_reduce %ge3A {dim = 0 : i64, kind = #tpu.reduction_kind<sum>} : vector<16xi1> -> vector<16xi32>
        %all_reduce_population_count3A_359 = tpu.all_reduce %ge3A_326 {dim = 0 : i64, kind = #tpu.reduction_kind<sum>} : vector<16xi1> -> vector<16xi32>
        %all_reduce_population_count3A_360 = tpu.all_reduce %ge3A_327 {dim = 0 : i64, kind = #tpu.reduction_kind<sum>} : vector<16xi1> -> vector<16xi32>
        %all_reduce_population_count3A_361 = tpu.all_reduce %ge3A_328 {dim = 0 : i64, kind = #tpu.reduction_kind<sum>} : vector<16xi1> -> vector<16xi32>
        %add3A_362 = arith.addi %scan3A_307, %masked_cumsum3A : vector<16xi32>
        %le3A = arith.constant 1000 : i32
        %le3A_363 = vector.broadcast %le3A : i32 to vector<16xi32>
        %le3A_364 = arith.cmpi sle, %add3A_362, %le3A_363 : vector<16xi32>
        %and3A_365 = arith.andi %ge3A, %le3A_364 : vector<16xi1>
        %sub3A_366 = arith.constant 1 : i32
        %sub3A_367 = vector.broadcast %sub3A_366 : i32 to vector<16xi32>
        %sub3A_368 = arith.subi %add3A_362, %sub3A_367 : vector<16xi32>
        %jit3A_369 = arith.constant 0 : i32
        %jit3A_370 = arith.constant 1023 : i32
        %max3A_371 = vector.broadcast %jit3A_369 : i32 to vector<16xi32>
        %max3A_372 = arith.maxsi %max3A_371, %sub3A_368 : vector<16xi32>
        %min3A_373 = vector.broadcast %jit3A_370 : i32 to vector<16xi32>
        %min3A_374 = arith.minsi %min3A_373, %max3A_372 : vector<16xi32>
        %add3A_375 = arith.constant 0 : i32
        %add3A_376 = arith.addi %mul3A_309, %add3A_375 : i32
        %add3A_377 = vector.broadcast %add3A_376 : i32 to vector<16xi32>
        %add3A_378 = arith.addi %add3A_377, %iota3A : vector<16xi32>
        tpu.vector_store_idx %arg7[%min3A_374], %add3A_378 masked %and3A_365 : memref<1024xi32, #tpu.memory_space<vmem>>[vector<16xi32>], vector<16xi32>, vector<16xi1>
        %add3A_379 = arith.addi %scan3A_307, %all_reduce_population_count3A : vector<16xi32>
        %add3A_380 = arith.addi %add3A_379, %masked_cumsum3A_342 : vector<16xi32>
        %le3A_381 = arith.constant 1000 : i32
        %le3A_382 = vector.broadcast %le3A_381 : i32 to vector<16xi32>
        %le3A_383 = arith.cmpi sle, %add3A_380, %le3A_382 : vector<16xi32>
        %and3A_384 = arith.andi %ge3A_326, %le3A_383 : vector<16xi1>
        %sub3A_385 = arith.constant 1 : i32
        %sub3A_386 = vector.broadcast %sub3A_385 : i32 to vector<16xi32>
        %sub3A_387 = arith.subi %add3A_380, %sub3A_386 : vector<16xi32>
        %jit3A_388 = arith.constant 0 : i32
        %jit3A_389 = arith.constant 1023 : i32
        %max3A_390 = vector.broadcast %jit3A_388 : i32 to vector<16xi32>
        %max3A_391 = arith.maxsi %max3A_390, %sub3A_387 : vector<16xi32>
        %min3A_392 = vector.broadcast %jit3A_389 : i32 to vector<16xi32>
        %min3A_393 = arith.minsi %min3A_392, %max3A_391 : vector<16xi32>
        %add3A_394 = arith.constant 16 : i32
        %add3A_395 = arith.addi %mul3A_309, %add3A_394 : i32
        %add3A_396 = vector.broadcast %add3A_395 : i32 to vector<16xi32>
        %add3A_397 = arith.addi %add3A_396, %iota3A : vector<16xi32>
        tpu.vector_store_idx %arg7[%min3A_393], %add3A_397 masked %and3A_384 : memref<1024xi32, #tpu.memory_space<vmem>>[vector<16xi32>], vector<16xi32>, vector<16xi1>
        %add3A_398 = arith.addi %add3A_379, %all_reduce_population_count3A_359 : vector<16xi32>
        %add3A_399 = arith.addi %add3A_398, %masked_cumsum3A_350 : vector<16xi32>
        %le3A_400 = arith.constant 1000 : i32
        %le3A_401 = vector.broadcast %le3A_400 : i32 to vector<16xi32>
        %le3A_402 = arith.cmpi sle, %add3A_399, %le3A_401 : vector<16xi32>
        %and3A_403 = arith.andi %ge3A_327, %le3A_402 : vector<16xi1>
        %sub3A_404 = arith.constant 1 : i32
        %sub3A_405 = vector.broadcast %sub3A_404 : i32 to vector<16xi32>
        %sub3A_406 = arith.subi %add3A_399, %sub3A_405 : vector<16xi32>
        %jit3A_407 = arith.constant 0 : i32
        %jit3A_408 = arith.constant 1023 : i32
        %max3A_409 = vector.broadcast %jit3A_407 : i32 to vector<16xi32>
        %max3A_410 = arith.maxsi %max3A_409, %sub3A_406 : vector<16xi32>
        %min3A_411 = vector.broadcast %jit3A_408 : i32 to vector<16xi32>
        %min3A_412 = arith.minsi %min3A_411, %max3A_410 : vector<16xi32>
        %add3A_413 = arith.constant 32 : i32
        %add3A_414 = arith.addi %mul3A_309, %add3A_413 : i32
        %add3A_415 = vector.broadcast %add3A_414 : i32 to vector<16xi32>
        %add3A_416 = arith.addi %add3A_415, %iota3A : vector<16xi32>
        tpu.vector_store_idx %arg7[%min3A_412], %add3A_416 masked %and3A_403 : memref<1024xi32, #tpu.memory_space<vmem>>[vector<16xi32>], vector<16xi32>, vector<16xi1>
        %add3A_417 = arith.addi %add3A_398, %all_reduce_population_count3A_360 : vector<16xi32>
        %add3A_418 = arith.addi %add3A_417, %masked_cumsum3A_358 : vector<16xi32>
        %le3A_419 = arith.constant 1000 : i32
        %le3A_420 = vector.broadcast %le3A_419 : i32 to vector<16xi32>
        %le3A_421 = arith.cmpi sle, %add3A_418, %le3A_420 : vector<16xi32>
        %and3A_422 = arith.andi %ge3A_328, %le3A_421 : vector<16xi1>
        %sub3A_423 = arith.constant 1 : i32
        %sub3A_424 = vector.broadcast %sub3A_423 : i32 to vector<16xi32>
        %sub3A_425 = arith.subi %add3A_418, %sub3A_424 : vector<16xi32>
        %jit3A_426 = arith.constant 0 : i32
        %jit3A_427 = arith.constant 1023 : i32
        %max3A_428 = vector.broadcast %jit3A_426 : i32 to vector<16xi32>
        %max3A_429 = arith.maxsi %max3A_428, %sub3A_425 : vector<16xi32>
        %min3A_430 = vector.broadcast %jit3A_427 : i32 to vector<16xi32>
        %min3A_431 = arith.minsi %min3A_430, %max3A_429 : vector<16xi32>
        %add3A_432 = arith.constant 48 : i32
        %add3A_433 = arith.addi %mul3A_309, %add3A_432 : i32
        %add3A_434 = vector.broadcast %add3A_433 : i32 to vector<16xi32>
        %add3A_435 = arith.addi %add3A_434, %iota3A : vector<16xi32>
        tpu.vector_store_idx %arg7[%min3A_431], %add3A_435 masked %and3A_422 : memref<1024xi32, #tpu.memory_space<vmem>>[vector<16xi32>], vector<16xi32>, vector<16xi1>
        %add3A_436 = arith.addi %add3A_417, %all_reduce_population_count3A_361 : vector<16xi32>
        %scan3A_437 = arith.constant 1 : i32
        %scan3A_438 = arith.addi %scan3A_306, %scan3A_437 : i32
        %mul3A_439 = arith.constant 64 : i32
        %mul3A_440 = arith.muli %scan3A_438, %mul3A_439 : i32
        %add3A_441 = arith.constant 0 : i32
        %add3A_442 = arith.addi %mul3A_440, %add3A_441 : i32
        %get3A_443 = arith.index_cast %add3A_442 : i32 to index
        %get3A_444 = tpu.vector_load %arg5[%get3A_443] {strides = array<i32>} : memref<16384xf32, #tpu.memory_space<vmem>>, vector<16xf32>,
        %add3A_445 = arith.constant 16 : i32
        %add3A_446 = arith.addi %mul3A_440, %add3A_445 : i32
        %get3A_447 = arith.index_cast %add3A_446 : i32 to index
        %get3A_448 = tpu.vector_load %arg5[%get3A_447] {strides = array<i32>} : memref<16384xf32, #tpu.memory_space<vmem>>, vector<16xf32>,
        %add3A_449 = arith.constant 32 : i32
        %add3A_450 = arith.addi %mul3A_440, %add3A_449 : i32
        %get3A_451 = arith.index_cast %add3A_450 : i32 to index
        %get3A_452 = tpu.vector_load %arg5[%get3A_451] {strides = array<i32>} : memref<16384xf32, #tpu.memory_space<vmem>>, vector<16xf32>,
        %add3A_453 = arith.constant 48 : i32
        %add3A_454 = arith.addi %mul3A_440, %add3A_453 : i32
        %get3A_455 = arith.index_cast %add3A_454 : i32 to index
        %get3A_456 = tpu.vector_load %arg5[%get3A_455] {strides = array<i32>} : memref<16384xf32, #tpu.memory_space<vmem>>, vector<16xf32>,
        %ge3A_457 = arith.cmpf oge, %get3A_444, %get3A_7 : vector<16xf32>
        %ge3A_458 = arith.cmpf oge, %get3A_448, %get3A_7 : vector<16xf32>
        %ge3A_459 = arith.cmpf oge, %get3A_452, %get3A_7 : vector<16xf32>
        %ge3A_460 = arith.cmpf oge, %get3A_456, %get3A_7 : vector<16xf32>
        %jit3A_461 = arith.constant 1 : i32
        %jit3A_462 = arith.constant 0 : i32
        %broadcast_in_dim3A_463 = vector.broadcast %jit3A_461 : i32 to vector<16xi32>
        %broadcast_in_dim3A_464 = vector.broadcast %jit3A_462 : i32 to vector<16xi32>
        %select_n3A_465 = arith.select %ge3A_457, %broadcast_in_dim3A_463, %broadcast_in_dim3A_464 : vector<16xi1>, vector<16xi32>
        %broadcast_in_dim3A_466 = arith.constant true
        %broadcast_in_dim3A_467 = vector.broadcast %broadcast_in_dim3A_466 : i1 to vector<16xi1>
        %masked_cumsum3A_468 = tpu.scan <sum>, %select_n3A_465 masked %broadcast_in_dim3A_467 : vector<16xi32>, vector<16xi1> -> vector<16xi32>
        %jit3A_469 = arith.constant 1 : i32
        %jit3A_470 = arith.constant 0 : i32
        %broadcast_in_dim3A_471 = vector.broadcast %jit3A_469 : i32 to vector<16xi32>
        %broadcast_in_dim3A_472 = vector.broadcast %jit3A_470 : i32 to vector<16xi32>
        %select_n3A_473 = arith.select %ge3A_458, %broadcast_in_dim3A_471, %broadcast_in_dim3A_472 : vector<16xi1>, vector<16xi32>
        %broadcast_in_dim3A_474 = arith.constant true
        %broadcast_in_dim3A_475 = vector.broadcast %broadcast_in_dim3A_474 : i1 to vector<16xi1>
        %masked_cumsum3A_476 = tpu.scan <sum>, %select_n3A_473 masked %broadcast_in_dim3A_475 : vector<16xi32>, vector<16xi1> -> vector<16xi32>
        %jit3A_477 = arith.constant 1 : i32
        %jit3A_478 = arith.constant 0 : i32
        %broadcast_in_dim3A_479 = vector.broadcast %jit3A_477 : i32 to vector<16xi32>
        %broadcast_in_dim3A_480 = vector.broadcast %jit3A_478 : i32 to vector<16xi32>
        %select_n3A_481 = arith.select %ge3A_459, %broadcast_in_dim3A_479, %broadcast_in_dim3A_480 : vector<16xi1>, vector<16xi32>
        %broadcast_in_dim3A_482 = arith.constant true
        %broadcast_in_dim3A_483 = vector.broadcast %broadcast_in_dim3A_482 : i1 to vector<16xi1>
        %masked_cumsum3A_484 = tpu.scan <sum>, %select_n3A_481 masked %broadcast_in_dim3A_483 : vector<16xi32>, vector<16xi1> -> vector<16xi32>
        %jit3A_485 = arith.constant 1 : i32
        %jit3A_486 = arith.constant 0 : i32
        %broadcast_in_dim3A_487 = vector.broadcast %jit3A_485 : i32 to vector<16xi32>
        %broadcast_in_dim3A_488 = vector.broadcast %jit3A_486 : i32 to vector<16xi32>
        %select_n3A_489 = arith.select %ge3A_460, %broadcast_in_dim3A_487, %broadcast_in_dim3A_488 : vector<16xi1>, vector<16xi32>
        %broadcast_in_dim3A_490 = arith.constant true
        %broadcast_in_dim3A_491 = vector.broadcast %broadcast_in_dim3A_490 : i1 to vector<16xi1>
        %masked_cumsum3A_492 = tpu.scan <sum>, %select_n3A_489 masked %broadcast_in_dim3A_491 : vector<16xi32>, vector<16xi1> -> vector<16xi32>
        %all_reduce_population_count3A_493 = tpu.all_reduce %ge3A_457 {dim = 0 : i64, kind = #tpu.reduction_kind<sum>} : vector<16xi1> -> vector<16xi32>
        %all_reduce_population_count3A_494 = tpu.all_reduce %ge3A_458 {dim = 0 : i64, kind = #tpu.reduction_kind<sum>} : vector<16xi1> -> vector<16xi32>
        %all_reduce_population_count3A_495 = tpu.all_reduce %ge3A_459 {dim = 0 : i64, kind = #tpu.reduction_kind<sum>} : vector<16xi1> -> vector<16xi32>
        %all_reduce_population_count3A_496 = tpu.all_reduce %ge3A_460 {dim = 0 : i64, kind = #tpu.reduction_kind<sum>} : vector<16xi1> -> vector<16xi32>
        %add3A_497 = arith.addi %add3A_436, %masked_cumsum3A_468 : vector<16xi32>
        %le3A_498 = arith.constant 1000 : i32
        %le3A_499 = vector.broadcast %le3A_498 : i32 to vector<16xi32>
        %le3A_500 = arith.cmpi sle, %add3A_497, %le3A_499 : vector<16xi32>
        %and3A_501 = arith.andi %ge3A_457, %le3A_500 : vector<16xi1>
        %sub3A_502 = arith.constant 1 : i32
        %sub3A_503 = vector.broadcast %sub3A_502 : i32 to vector<16xi32>
        %sub3A_504 = arith.subi %add3A_497, %sub3A_503 : vector<16xi32>
        %jit3A_505 = arith.constant 0 : i32
        %jit3A_506 = arith.constant 1023 : i32
        %max3A_507 = vector.broadcast %jit3A_505 : i32 to vector<16xi32>
        %max3A_508 = arith.maxsi %max3A_507, %sub3A_504 : vector<16xi32>
        %min3A_509 = vector.broadcast %jit3A_506 : i32 to vector<16xi32>
        %min3A_510 = arith.minsi %min3A_509, %max3A_508 : vector<16xi32>
        %add3A_511 = arith.constant 0 : i32
        %add3A_512 = arith.addi %mul3A_440, %add3A_511 : i32
        %add3A_513 = vector.broadcast %add3A_512 : i32 to vector<16xi32>
        %add3A_514 = arith.addi %add3A_513, %iota3A : vector<16xi32>
        tpu.vector_store_idx %arg7[%min3A_510], %add3A_514 masked %and3A_501 : memref<1024xi32, #tpu.memory_space<vmem>>[vector<16xi32>], vector<16xi32>, vector<16xi1>
        %add3A_515 = arith.addi %add3A_436, %all_reduce_population_count3A_493 : vector<16xi32>
        %add3A_516 = arith.addi %add3A_515, %masked_cumsum3A_476 : vector<16xi32>
        %le3A_517 = arith.constant 1000 : i32
        %le3A_518 = vector.broadcast %le3A_517 : i32 to vector<16xi32>
        %le3A_519 = arith.cmpi sle, %add3A_516, %le3A_518 : vector<16xi32>
        %and3A_520 = arith.andi %ge3A_458, %le3A_519 : vector<16xi1>
        %sub3A_521 = arith.constant 1 : i32
        %sub3A_522 = vector.broadcast %sub3A_521 : i32 to vector<16xi32>
        %sub3A_523 = arith.subi %add3A_516, %sub3A_522 : vector<16xi32>
        %jit3A_524 = arith.constant 0 : i32
        %jit3A_525 = arith.constant 1023 : i32
        %max3A_526 = vector.broadcast %jit3A_524 : i32 to vector<16xi32>
        %max3A_527 = arith.maxsi %max3A_526, %sub3A_523 : vector<16xi32>
        %min3A_528 = vector.broadcast %jit3A_525 : i32 to vector<16xi32>
        %min3A_529 = arith.minsi %min3A_528, %max3A_527 : vector<16xi32>
        %add3A_530 = arith.constant 16 : i32
        %add3A_531 = arith.addi %mul3A_440, %add3A_530 : i32
        %add3A_532 = vector.broadcast %add3A_531 : i32 to vector<16xi32>
        %add3A_533 = arith.addi %add3A_532, %iota3A : vector<16xi32>
        tpu.vector_store_idx %arg7[%min3A_529], %add3A_533 masked %and3A_520 : memref<1024xi32, #tpu.memory_space<vmem>>[vector<16xi32>], vector<16xi32>, vector<16xi1>
        %add3A_534 = arith.addi %add3A_515, %all_reduce_population_count3A_494 : vector<16xi32>
        %add3A_535 = arith.addi %add3A_534, %masked_cumsum3A_484 : vector<16xi32>
        %le3A_536 = arith.constant 1000 : i32
        %le3A_537 = vector.broadcast %le3A_536 : i32 to vector<16xi32>
        %le3A_538 = arith.cmpi sle, %add3A_535, %le3A_537 : vector<16xi32>
        %and3A_539 = arith.andi %ge3A_459, %le3A_538 : vector<16xi1>
        %sub3A_540 = arith.constant 1 : i32
        %sub3A_541 = vector.broadcast %sub3A_540 : i32 to vector<16xi32>
        %sub3A_542 = arith.subi %add3A_535, %sub3A_541 : vector<16xi32>
        %jit3A_543 = arith.constant 0 : i32
        %jit3A_544 = arith.constant 1023 : i32
        %max3A_545 = vector.broadcast %jit3A_543 : i32 to vector<16xi32>
        %max3A_546 = arith.maxsi %max3A_545, %sub3A_542 : vector<16xi32>
        %min3A_547 = vector.broadcast %jit3A_544 : i32 to vector<16xi32>
        %min3A_548 = arith.minsi %min3A_547, %max3A_546 : vector<16xi32>
        %add3A_549 = arith.constant 32 : i32
        %add3A_550 = arith.addi %mul3A_440, %add3A_549 : i32
        %add3A_551 = vector.broadcast %add3A_550 : i32 to vector<16xi32>
        %add3A_552 = arith.addi %add3A_551, %iota3A : vector<16xi32>
        tpu.vector_store_idx %arg7[%min3A_548], %add3A_552 masked %and3A_539 : memref<1024xi32, #tpu.memory_space<vmem>>[vector<16xi32>], vector<16xi32>, vector<16xi1>
        %add3A_553 = arith.addi %add3A_534, %all_reduce_population_count3A_495 : vector<16xi32>
        %add3A_554 = arith.addi %add3A_553, %masked_cumsum3A_492 : vector<16xi32>
        %le3A_555 = arith.constant 1000 : i32
        %le3A_556 = vector.broadcast %le3A_555 : i32 to vector<16xi32>
        %le3A_557 = arith.cmpi sle, %add3A_554, %le3A_556 : vector<16xi32>
        %and3A_558 = arith.andi %ge3A_460, %le3A_557 : vector<16xi1>
        %sub3A_559 = arith.constant 1 : i32
        %sub3A_560 = vector.broadcast %sub3A_559 : i32 to vector<16xi32>
        %sub3A_561 = arith.subi %add3A_554, %sub3A_560 : vector<16xi32>
        %jit3A_562 = arith.constant 0 : i32
        %jit3A_563 = arith.constant 1023 : i32
        %max3A_564 = vector.broadcast %jit3A_562 : i32 to vector<16xi32>
        %max3A_565 = arith.maxsi %max3A_564, %sub3A_561 : vector<16xi32>
        %min3A_566 = vector.broadcast %jit3A_563 : i32 to vector<16xi32>
        %min3A_567 = arith.minsi %min3A_566, %max3A_565 : vector<16xi32>
        %add3A_568 = arith.constant 48 : i32
        %add3A_569 = arith.addi %mul3A_440, %add3A_568 : i32
        %add3A_570 = vector.broadcast %add3A_569 : i32 to vector<16xi32>
        %add3A_571 = arith.addi %add3A_570, %iota3A : vector<16xi32>
        tpu.vector_store_idx %arg7[%min3A_567], %add3A_571 masked %and3A_558 : memref<1024xi32, #tpu.memory_space<vmem>>[vector<16xi32>], vector<16xi32>, vector<16xi1>
        %add3A_572 = arith.addi %add3A_553, %all_reduce_population_count3A_496 : vector<16xi32>
        scf.yield %add3A_572 : vector<16xi32>
      }
      %scan3A_21 = arith.constant 256 : i32
      %scan3A_22 = arith.constant 0 : i32
      %scan3A_23 = arith.constant 0 : i32
      %scan3A_24 = arith.constant 62 : i32
      %scan3A_25 = arith.addi %scan3A_23, %scan3A_24 : i32
      %scan3A_26 = arith.constant 2 : i32
      scf.for %scan3A_306 = %scan3A_23 to %scan3A_25 step %scan3A_26  : i32 {
        %mul3A_307 = arith.constant 16 : i32
        %mul3A_308 = arith.muli %scan3A_306, %mul3A_307 : i32
        %add3A_309 = vector.broadcast %mul3A_308 : i32 to vector<16xi32>
        %add3A_310 = arith.addi %add3A_309, %iota3A : vector<16xi32>
        %lt3A_311 = arith.constant 1000 : i32
        %lt3A_312 = vector.broadcast %lt3A_311 : i32 to vector<16xi32>
        %lt3A_313 = arith.cmpi slt, %add3A_310, %lt3A_312 : vector<16xi32>
        %mul3A_314 = arith.constant 16 : i32
        %mul3A_315 = arith.muli %scan3A_306, %mul3A_314 : i32
        %get3A_316 = arith.index_cast %mul3A_315 : i32 to index
        %get3A_317 = tpu.vector_load %arg7[%get3A_316] {strides = array<i32>} : memref<1024xi32, #tpu.memory_space<vmem>>, vector<16xi32>,
        %shift_right_arithmetic3A_318 = arith.constant 7 : i32
        %shift_right_arithmetic3A_319 = vector.broadcast %shift_right_arithmetic3A_318 : i32 to vector<16xi32>
        %shift_right_arithmetic3A_320 = arith.shrsi %get3A_317, %shift_right_arithmetic3A_319 : vector<16xi32>
        %convert_element_type3A_321 = arith.sitofp %shift_right_arithmetic3A_320 : vector<16xi32> to vector<16xf32>
        %mul3A_322 = arith.constant 4.000000e+00 : f32
        %mul3A_323 = vector.broadcast %mul3A_322 : f32 to vector<16xf32>
        %mul3A_324 = arith.mulf %convert_element_type3A_321, %mul3A_323 : vector<16xf32>
        %and3A_325 = arith.constant 127 : i32
        %and3A_326 = vector.broadcast %and3A_325 : i32 to vector<16xi32>
        %and3A_327 = arith.andi %get3A_317, %and3A_326 : vector<16xi32>
        %convert_element_type3A_328 = arith.sitofp %and3A_327 : vector<16xi32> to vector<16xf32>
        %mul3A_329 = arith.constant 4.000000e+00 : f32
        %mul3A_330 = vector.broadcast %mul3A_329 : f32 to vector<16xf32>
        %mul3A_331 = arith.mulf %convert_element_type3A_328, %mul3A_330 : vector<16xf32>
        %mul3A_332 = arith.constant 12 : i32
        %mul3A_333 = vector.broadcast %mul3A_332 : i32 to vector<16xi32>
        %mul3A_334 = arith.muli %add3A_310, %mul3A_333 : vector<16xi32>
        %sub3A_335 = arith.constant 45.2548332 : f32
        %sub3A_336 = vector.broadcast %sub3A_335 : f32 to vector<16xf32>
        %sub3A_337 = arith.subf %mul3A_324, %sub3A_336 : vector<16xf32>
        %mul3A_338 = arith.constant 0.001953125 : f32
        %mul3A_339 = vector.broadcast %mul3A_338 : f32 to vector<16xf32>
        %mul3A_340 = arith.mulf %sub3A_337, %mul3A_339 : vector<16xf32>
        %jit3A_341 = arith.constant 0.000000e+00 : f32
        %jit3A_342 = arith.constant 1.000000e+00 : f32
        %max3A_343 = vector.broadcast %jit3A_341 : f32 to vector<16xf32>
        %max3A_344 = arith.maximumf %max3A_343, %mul3A_340 : vector<16xf32>
        %min3A_345 = vector.broadcast %jit3A_342 : f32 to vector<16xf32>
        %min3A_346 = arith.minimumf %min3A_345, %max3A_344 : vector<16xf32>
        %sub3A_347 = arith.constant 22.6274166 : f32
        %sub3A_348 = vector.broadcast %sub3A_347 : f32 to vector<16xf32>
        %sub3A_349 = arith.subf %mul3A_331, %sub3A_348 : vector<16xf32>
        %mul3A_350 = arith.constant 0.001953125 : f32
        %mul3A_351 = vector.broadcast %mul3A_350 : f32 to vector<16xf32>
        %mul3A_352 = arith.mulf %sub3A_349, %mul3A_351 : vector<16xf32>
        %jit3A_353 = arith.constant 0.000000e+00 : f32
        %jit3A_354 = arith.constant 1.000000e+00 : f32
        %max3A_355 = vector.broadcast %jit3A_353 : f32 to vector<16xf32>
        %max3A_356 = arith.maximumf %max3A_355, %mul3A_352 : vector<16xf32>
        %min3A_357 = vector.broadcast %jit3A_354 : f32 to vector<16xf32>
        %min3A_358 = arith.minimumf %min3A_357, %max3A_356 : vector<16xf32>
        %add3A_359 = arith.constant 45.2548332 : f32
        %add3A_360 = vector.broadcast %add3A_359 : f32 to vector<16xf32>
        %add3A_361 = arith.addf %mul3A_324, %add3A_360 : vector<16xf32>
        %mul3A_362 = arith.constant 0.001953125 : f32
        %mul3A_363 = vector.broadcast %mul3A_362 : f32 to vector<16xf32>
        %mul3A_364 = arith.mulf %add3A_361, %mul3A_363 : vector<16xf32>
        %jit3A_365 = arith.constant 0.000000e+00 : f32
        %jit3A_366 = arith.constant 1.000000e+00 : f32
        %max3A_367 = vector.broadcast %jit3A_365 : f32 to vector<16xf32>
        %max3A_368 = arith.maximumf %max3A_367, %mul3A_364 : vector<16xf32>
        %min3A_369 = vector.broadcast %jit3A_366 : f32 to vector<16xf32>
        %min3A_370 = arith.minimumf %min3A_369, %max3A_368 : vector<16xf32>
        %add3A_371 = arith.constant 22.6274166 : f32
        %add3A_372 = vector.broadcast %add3A_371 : f32 to vector<16xf32>
        %add3A_373 = arith.addf %mul3A_331, %add3A_372 : vector<16xf32>
        %mul3A_374 = arith.constant 0.001953125 : f32
        %mul3A_375 = vector.broadcast %mul3A_374 : f32 to vector<16xf32>
        %mul3A_376 = arith.mulf %add3A_373, %mul3A_375 : vector<16xf32>
        %jit3A_377 = arith.constant 0.000000e+00 : f32
        %jit3A_378 = arith.constant 1.000000e+00 : f32
        %max3A_379 = vector.broadcast %jit3A_377 : f32 to vector<16xf32>
        %max3A_380 = arith.maximumf %max3A_379, %mul3A_376 : vector<16xf32>
        %min3A_381 = vector.broadcast %jit3A_378 : f32 to vector<16xf32>
        %min3A_382 = arith.minimumf %min3A_381, %max3A_380 : vector<16xf32>
        %add3A_383 = arith.constant 0 : i32
        %add3A_384 = vector.broadcast %add3A_383 : i32 to vector<16xi32>
        %add3A_385 = arith.addi %mul3A_334, %add3A_384 : vector<16xi32>
        %jit3A_386 = arith.constant 0 : i32
        %jit3A_387 = arith.constant 11999 : i32
        %max3A_388 = vector.broadcast %jit3A_386 : i32 to vector<16xi32>
        %max3A_389 = arith.maxsi %max3A_388, %add3A_385 : vector<16xi32>
        %min3A_390 = vector.broadcast %jit3A_387 : i32 to vector<16xi32>
        %min3A_391 = arith.minsi %min3A_390, %max3A_389 : vector<16xi32>
        tpu.vector_store_idx %arg8[%min3A_391], %min3A_346 masked %lt3A_313 : memref<12000xf32, #tpu.memory_space<vmem>>[vector<16xi32>], vector<16xf32>, vector<16xi1>
        %add3A_392 = arith.constant 1 : i32
        %add3A_393 = vector.broadcast %add3A_392 : i32 to vector<16xi32>
        %add3A_394 = arith.addi %mul3A_334, %add3A_393 : vector<16xi32>
        %jit3A_395 = arith.constant 0 : i32
        %jit3A_396 = arith.constant 11999 : i32
        %max3A_397 = vector.broadcast %jit3A_395 : i32 to vector<16xi32>
        %max3A_398 = arith.maxsi %max3A_397, %add3A_394 : vector<16xi32>
        %min3A_399 = vector.broadcast %jit3A_396 : i32 to vector<16xi32>
        %min3A_400 = arith.minsi %min3A_399, %max3A_398 : vector<16xi32>
        tpu.vector_store_idx %arg8[%min3A_400], %min3A_358 masked %lt3A_313 : memref<12000xf32, #tpu.memory_space<vmem>>[vector<16xi32>], vector<16xf32>, vector<16xi1>
        %add3A_401 = arith.constant 2 : i32
        %add3A_402 = vector.broadcast %add3A_401 : i32 to vector<16xi32>
        %add3A_403 = arith.addi %mul3A_334, %add3A_402 : vector<16xi32>
        %jit3A_404 = arith.constant 0 : i32
        %jit3A_405 = arith.constant 11999 : i32
        %max3A_406 = vector.broadcast %jit3A_404 : i32 to vector<16xi32>
        %max3A_407 = arith.maxsi %max3A_406, %add3A_403 : vector<16xi32>
        %min3A_408 = vector.broadcast %jit3A_405 : i32 to vector<16xi32>
        %min3A_409 = arith.minsi %min3A_408, %max3A_407 : vector<16xi32>
        tpu.vector_store_idx %arg8[%min3A_409], %min3A_370 masked %lt3A_313 : memref<12000xf32, #tpu.memory_space<vmem>>[vector<16xi32>], vector<16xf32>, vector<16xi1>
        %add3A_410 = arith.constant 3 : i32
        %add3A_411 = vector.broadcast %add3A_410 : i32 to vector<16xi32>
        %add3A_412 = arith.addi %mul3A_334, %add3A_411 : vector<16xi32>
        %jit3A_413 = arith.constant 0 : i32
        %jit3A_414 = arith.constant 11999 : i32
        %max3A_415 = vector.broadcast %jit3A_413 : i32 to vector<16xi32>
        %max3A_416 = arith.maxsi %max3A_415, %add3A_412 : vector<16xi32>
        %min3A_417 = vector.broadcast %jit3A_414 : i32 to vector<16xi32>
        %min3A_418 = arith.minsi %min3A_417, %max3A_416 : vector<16xi32>
        tpu.vector_store_idx %arg8[%min3A_418], %min3A_382 masked %lt3A_313 : memref<12000xf32, #tpu.memory_space<vmem>>[vector<16xi32>], vector<16xf32>, vector<16xi1>
        %sub3A_419 = arith.constant 3.200000e+01 : f32
        %sub3A_420 = vector.broadcast %sub3A_419 : f32 to vector<16xf32>
        %sub3A_421 = arith.subf %mul3A_324, %sub3A_420 : vector<16xf32>
        %mul3A_422 = arith.constant 0.001953125 : f32
        %mul3A_423 = vector.broadcast %mul3A_422 : f32 to vector<16xf32>
        %mul3A_424 = arith.mulf %sub3A_421, %mul3A_423 : vector<16xf32>
        %jit3A_425 = arith.constant 0.000000e+00 : f32
        %jit3A_426 = arith.constant 1.000000e+00 : f32
        %max3A_427 = vector.broadcast %jit3A_425 : f32 to vector<16xf32>
        %max3A_428 = arith.maximumf %max3A_427, %mul3A_424 : vector<16xf32>
        %min3A_429 = vector.broadcast %jit3A_426 : f32 to vector<16xf32>
        %min3A_430 = arith.minimumf %min3A_429, %max3A_428 : vector<16xf32>
        %sub3A_431 = arith.constant 3.200000e+01 : f32
        %sub3A_432 = vector.broadcast %sub3A_431 : f32 to vector<16xf32>
        %sub3A_433 = arith.subf %mul3A_331, %sub3A_432 : vector<16xf32>
        %mul3A_434 = arith.constant 0.001953125 : f32
        %mul3A_435 = vector.broadcast %mul3A_434 : f32 to vector<16xf32>
        %mul3A_436 = arith.mulf %sub3A_433, %mul3A_435 : vector<16xf32>
        %jit3A_437 = arith.constant 0.000000e+00 : f32
        %jit3A_438 = arith.constant 1.000000e+00 : f32
        %max3A_439 = vector.broadcast %jit3A_437 : f32 to vector<16xf32>
        %max3A_440 = arith.maximumf %max3A_439, %mul3A_436 : vector<16xf32>
        %min3A_441 = vector.broadcast %jit3A_438 : f32 to vector<16xf32>
        %min3A_442 = arith.minimumf %min3A_441, %max3A_440 : vector<16xf32>
        %add3A_443 = arith.constant 3.200000e+01 : f32
        %add3A_444 = vector.broadcast %add3A_443 : f32 to vector<16xf32>
        %add3A_445 = arith.addf %mul3A_324, %add3A_444 : vector<16xf32>
        %mul3A_446 = arith.constant 0.001953125 : f32
        %mul3A_447 = vector.broadcast %mul3A_446 : f32 to vector<16xf32>
        %mul3A_448 = arith.mulf %add3A_445, %mul3A_447 : vector<16xf32>
        %jit3A_449 = arith.constant 0.000000e+00 : f32
        %jit3A_450 = arith.constant 1.000000e+00 : f32
        %max3A_451 = vector.broadcast %jit3A_449 : f32 to vector<16xf32>
        %max3A_452 = arith.maximumf %max3A_451, %mul3A_448 : vector<16xf32>
        %min3A_453 = vector.broadcast %jit3A_450 : f32 to vector<16xf32>
        %min3A_454 = arith.minimumf %min3A_453, %max3A_452 : vector<16xf32>
        %add3A_455 = arith.constant 3.200000e+01 : f32
        %add3A_456 = vector.broadcast %add3A_455 : f32 to vector<16xf32>
        %add3A_457 = arith.addf %mul3A_331, %add3A_456 : vector<16xf32>
        %mul3A_458 = arith.constant 0.001953125 : f32
        %mul3A_459 = vector.broadcast %mul3A_458 : f32 to vector<16xf32>
        %mul3A_460 = arith.mulf %add3A_457, %mul3A_459 : vector<16xf32>
        %jit3A_461 = arith.constant 0.000000e+00 : f32
        %jit3A_462 = arith.constant 1.000000e+00 : f32
        %max3A_463 = vector.broadcast %jit3A_461 : f32 to vector<16xf32>
        %max3A_464 = arith.maximumf %max3A_463, %mul3A_460 : vector<16xf32>
        %min3A_465 = vector.broadcast %jit3A_462 : f32 to vector<16xf32>
        %min3A_466 = arith.minimumf %min3A_465, %max3A_464 : vector<16xf32>
        %add3A_467 = arith.constant 4 : i32
        %add3A_468 = vector.broadcast %add3A_467 : i32 to vector<16xi32>
        %add3A_469 = arith.addi %mul3A_334, %add3A_468 : vector<16xi32>
        %jit3A_470 = arith.constant 0 : i32
        %jit3A_471 = arith.constant 11999 : i32
        %max3A_472 = vector.broadcast %jit3A_470 : i32 to vector<16xi32>
        %max3A_473 = arith.maxsi %max3A_472, %add3A_469 : vector<16xi32>
        %min3A_474 = vector.broadcast %jit3A_471 : i32 to vector<16xi32>
        %min3A_475 = arith.minsi %min3A_474, %max3A_473 : vector<16xi32>
        tpu.vector_store_idx %arg8[%min3A_475], %min3A_430 masked %lt3A_313 : memref<12000xf32, #tpu.memory_space<vmem>>[vector<16xi32>], vector<16xf32>, vector<16xi1>
        %add3A_476 = arith.constant 5 : i32
        %add3A_477 = vector.broadcast %add3A_476 : i32 to vector<16xi32>
        %add3A_478 = arith.addi %mul3A_334, %add3A_477 : vector<16xi32>
        %jit3A_479 = arith.constant 0 : i32
        %jit3A_480 = arith.constant 11999 : i32
        %max3A_481 = vector.broadcast %jit3A_479 : i32 to vector<16xi32>
        %max3A_482 = arith.maxsi %max3A_481, %add3A_478 : vector<16xi32>
        %min3A_483 = vector.broadcast %jit3A_480 : i32 to vector<16xi32>
        %min3A_484 = arith.minsi %min3A_483, %max3A_482 : vector<16xi32>
        tpu.vector_store_idx %arg8[%min3A_484], %min3A_442 masked %lt3A_313 : memref<12000xf32, #tpu.memory_space<vmem>>[vector<16xi32>], vector<16xf32>, vector<16xi1>
        %add3A_485 = arith.constant 6 : i32
        %add3A_486 = vector.broadcast %add3A_485 : i32 to vector<16xi32>
        %add3A_487 = arith.addi %mul3A_334, %add3A_486 : vector<16xi32>
        %jit3A_488 = arith.constant 0 : i32
        %jit3A_489 = arith.constant 11999 : i32
        %max3A_490 = vector.broadcast %jit3A_488 : i32 to vector<16xi32>
        %max3A_491 = arith.maxsi %max3A_490, %add3A_487 : vector<16xi32>
        %min3A_492 = vector.broadcast %jit3A_489 : i32 to vector<16xi32>
        %min3A_493 = arith.minsi %min3A_492, %max3A_491 : vector<16xi32>
        tpu.vector_store_idx %arg8[%min3A_493], %min3A_454 masked %lt3A_313 : memref<12000xf32, #tpu.memory_space<vmem>>[vector<16xi32>], vector<16xf32>, vector<16xi1>
        %add3A_494 = arith.constant 7 : i32
        %add3A_495 = vector.broadcast %add3A_494 : i32 to vector<16xi32>
        %add3A_496 = arith.addi %mul3A_334, %add3A_495 : vector<16xi32>
        %jit3A_497 = arith.constant 0 : i32
        %jit3A_498 = arith.constant 11999 : i32
        %max3A_499 = vector.broadcast %jit3A_497 : i32 to vector<16xi32>
        %max3A_500 = arith.maxsi %max3A_499, %add3A_496 : vector<16xi32>
        %min3A_501 = vector.broadcast %jit3A_498 : i32 to vector<16xi32>
        %min3A_502 = arith.minsi %min3A_501, %max3A_500 : vector<16xi32>
        tpu.vector_store_idx %arg8[%min3A_502], %min3A_466 masked %lt3A_313 : memref<12000xf32, #tpu.memory_space<vmem>>[vector<16xi32>], vector<16xf32>, vector<16xi1>
        %sub3A_503 = arith.constant 22.6274166 : f32
        %sub3A_504 = vector.broadcast %sub3A_503 : f32 to vector<16xf32>
        %sub3A_505 = arith.subf %mul3A_324, %sub3A_504 : vector<16xf32>
        %mul3A_506 = arith.constant 0.001953125 : f32
        %mul3A_507 = vector.broadcast %mul3A_506 : f32 to vector<16xf32>
        %mul3A_508 = arith.mulf %sub3A_505, %mul3A_507 : vector<16xf32>
        %jit3A_509 = arith.constant 0.000000e+00 : f32
        %jit3A_510 = arith.constant 1.000000e+00 : f32
        %max3A_511 = vector.broadcast %jit3A_509 : f32 to vector<16xf32>
        %max3A_512 = arith.maximumf %max3A_511, %mul3A_508 : vector<16xf32>
        %min3A_513 = vector.broadcast %jit3A_510 : f32 to vector<16xf32>
        %min3A_514 = arith.minimumf %min3A_513, %max3A_512 : vector<16xf32>
        %sub3A_515 = arith.constant 45.2548332 : f32
        %sub3A_516 = vector.broadcast %sub3A_515 : f32 to vector<16xf32>
        %sub3A_517 = arith.subf %mul3A_331, %sub3A_516 : vector<16xf32>
        %mul3A_518 = arith.constant 0.001953125 : f32
        %mul3A_519 = vector.broadcast %mul3A_518 : f32 to vector<16xf32>
        %mul3A_520 = arith.mulf %sub3A_517, %mul3A_519 : vector<16xf32>
        %jit3A_521 = arith.constant 0.000000e+00 : f32
        %jit3A_522 = arith.constant 1.000000e+00 : f32
        %max3A_523 = vector.broadcast %jit3A_521 : f32 to vector<16xf32>
        %max3A_524 = arith.maximumf %max3A_523, %mul3A_520 : vector<16xf32>
        %min3A_525 = vector.broadcast %jit3A_522 : f32 to vector<16xf32>
        %min3A_526 = arith.minimumf %min3A_525, %max3A_524 : vector<16xf32>
        %add3A_527 = arith.constant 22.6274166 : f32
        %add3A_528 = vector.broadcast %add3A_527 : f32 to vector<16xf32>
        %add3A_529 = arith.addf %mul3A_324, %add3A_528 : vector<16xf32>
        %mul3A_530 = arith.constant 0.001953125 : f32
        %mul3A_531 = vector.broadcast %mul3A_530 : f32 to vector<16xf32>
        %mul3A_532 = arith.mulf %add3A_529, %mul3A_531 : vector<16xf32>
        %jit3A_533 = arith.constant 0.000000e+00 : f32
        %jit3A_534 = arith.constant 1.000000e+00 : f32
        %max3A_535 = vector.broadcast %jit3A_533 : f32 to vector<16xf32>
        %max3A_536 = arith.maximumf %max3A_535, %mul3A_532 : vector<16xf32>
        %min3A_537 = vector.broadcast %jit3A_534 : f32 to vector<16xf32>
        %min3A_538 = arith.minimumf %min3A_537, %max3A_536 : vector<16xf32>
        %add3A_539 = arith.constant 45.2548332 : f32
        %add3A_540 = vector.broadcast %add3A_539 : f32 to vector<16xf32>
        %add3A_541 = arith.addf %mul3A_331, %add3A_540 : vector<16xf32>
        %mul3A_542 = arith.constant 0.001953125 : f32
        %mul3A_543 = vector.broadcast %mul3A_542 : f32 to vector<16xf32>
        %mul3A_544 = arith.mulf %add3A_541, %mul3A_543 : vector<16xf32>
        %jit3A_545 = arith.constant 0.000000e+00 : f32
        %jit3A_546 = arith.constant 1.000000e+00 : f32
        %max3A_547 = vector.broadcast %jit3A_545 : f32 to vector<16xf32>
        %max3A_548 = arith.maximumf %max3A_547, %mul3A_544 : vector<16xf32>
        %min3A_549 = vector.broadcast %jit3A_546 : f32 to vector<16xf32>
        %min3A_550 = arith.minimumf %min3A_549, %max3A_548 : vector<16xf32>
        %add3A_551 = arith.constant 8 : i32
        %add3A_552 = vector.broadcast %add3A_551 : i32 to vector<16xi32>
        %add3A_553 = arith.addi %mul3A_334, %add3A_552 : vector<16xi32>
        %jit3A_554 = arith.constant 0 : i32
        %jit3A_555 = arith.constant 11999 : i32
        %max3A_556 = vector.broadcast %jit3A_554 : i32 to vector<16xi32>
        %max3A_557 = arith.maxsi %max3A_556, %add3A_553 : vector<16xi32>
        %min3A_558 = vector.broadcast %jit3A_555 : i32 to vector<16xi32>
        %min3A_559 = arith.minsi %min3A_558, %max3A_557 : vector<16xi32>
        tpu.vector_store_idx %arg8[%min3A_559], %min3A_514 masked %lt3A_313 : memref<12000xf32, #tpu.memory_space<vmem>>[vector<16xi32>], vector<16xf32>, vector<16xi1>
        %add3A_560 = arith.constant 9 : i32
        %add3A_561 = vector.broadcast %add3A_560 : i32 to vector<16xi32>
        %add3A_562 = arith.addi %mul3A_334, %add3A_561 : vector<16xi32>
        %jit3A_563 = arith.constant 0 : i32
        %jit3A_564 = arith.constant 11999 : i32
        %max3A_565 = vector.broadcast %jit3A_563 : i32 to vector<16xi32>
        %max3A_566 = arith.maxsi %max3A_565, %add3A_562 : vector<16xi32>
        %min3A_567 = vector.broadcast %jit3A_564 : i32 to vector<16xi32>
        %min3A_568 = arith.minsi %min3A_567, %max3A_566 : vector<16xi32>
        tpu.vector_store_idx %arg8[%min3A_568], %min3A_526 masked %lt3A_313 : memref<12000xf32, #tpu.memory_space<vmem>>[vector<16xi32>], vector<16xf32>, vector<16xi1>
        %add3A_569 = arith.constant 10 : i32
        %add3A_570 = vector.broadcast %add3A_569 : i32 to vector<16xi32>
        %add3A_571 = arith.addi %mul3A_334, %add3A_570 : vector<16xi32>
        %jit3A_572 = arith.constant 0 : i32
        %jit3A_573 = arith.constant 11999 : i32
        %max3A_574 = vector.broadcast %jit3A_572 : i32 to vector<16xi32>
        %max3A_575 = arith.maxsi %max3A_574, %add3A_571 : vector<16xi32>
        %min3A_576 = vector.broadcast %jit3A_573 : i32 to vector<16xi32>
        %min3A_577 = arith.minsi %min3A_576, %max3A_575 : vector<16xi32>
        tpu.vector_store_idx %arg8[%min3A_577], %min3A_538 masked %lt3A_313 : memref<12000xf32, #tpu.memory_space<vmem>>[vector<16xi32>], vector<16xf32>, vector<16xi1>
        %add3A_578 = arith.constant 11 : i32
        %add3A_579 = vector.broadcast %add3A_578 : i32 to vector<16xi32>
        %add3A_580 = arith.addi %mul3A_334, %add3A_579 : vector<16xi32>
        %jit3A_581 = arith.constant 0 : i32
        %jit3A_582 = arith.constant 11999 : i32
        %max3A_583 = vector.broadcast %jit3A_581 : i32 to vector<16xi32>
        %max3A_584 = arith.maxsi %max3A_583, %add3A_580 : vector<16xi32>
        %min3A_585 = vector.broadcast %jit3A_582 : i32 to vector<16xi32>
        %min3A_586 = arith.minsi %min3A_585, %max3A_584 : vector<16xi32>
        tpu.vector_store_idx %arg8[%min3A_586], %min3A_550 masked %lt3A_313 : memref<12000xf32, #tpu.memory_space<vmem>>[vector<16xi32>], vector<16xf32>, vector<16xi1>
        %scan3A_587 = arith.constant 1 : i32
        %scan3A_588 = arith.addi %scan3A_306, %scan3A_587 : i32
        %mul3A_589 = arith.constant 16 : i32
        %mul3A_590 = arith.muli %scan3A_588, %mul3A_589 : i32
        %add3A_591 = vector.broadcast %mul3A_590 : i32 to vector<16xi32>
        %add3A_592 = arith.addi %add3A_591, %iota3A : vector<16xi32>
        %lt3A_593 = arith.constant 1000 : i32
        %lt3A_594 = vector.broadcast %lt3A_593 : i32 to vector<16xi32>
        %lt3A_595 = arith.cmpi slt, %add3A_592, %lt3A_594 : vector<16xi32>
        %mul3A_596 = arith.constant 16 : i32
        %mul3A_597 = arith.muli %scan3A_588, %mul3A_596 : i32
        %get3A_598 = arith.index_cast %mul3A_597 : i32 to index
        %get3A_599 = tpu.vector_load %arg7[%get3A_598] {strides = array<i32>} : memref<1024xi32, #tpu.memory_space<vmem>>, vector<16xi32>,
        %shift_right_arithmetic3A_600 = arith.constant 7 : i32
        %shift_right_arithmetic3A_601 = vector.broadcast %shift_right_arithmetic3A_600 : i32 to vector<16xi32>
        %shift_right_arithmetic3A_602 = arith.shrsi %get3A_599, %shift_right_arithmetic3A_601 : vector<16xi32>
        %convert_element_type3A_603 = arith.sitofp %shift_right_arithmetic3A_602 : vector<16xi32> to vector<16xf32>
        %mul3A_604 = arith.constant 4.000000e+00 : f32
        %mul3A_605 = vector.broadcast %mul3A_604 : f32 to vector<16xf32>
        %mul3A_606 = arith.mulf %convert_element_type3A_603, %mul3A_605 : vector<16xf32>
        %and3A_607 = arith.constant 127 : i32
        %and3A_608 = vector.broadcast %and3A_607 : i32 to vector<16xi32>
        %and3A_609 = arith.andi %get3A_599, %and3A_608 : vector<16xi32>
        %convert_element_type3A_610 = arith.sitofp %and3A_609 : vector<16xi32> to vector<16xf32>
        %mul3A_611 = arith.constant 4.000000e+00 : f32
        %mul3A_612 = vector.broadcast %mul3A_611 : f32 to vector<16xf32>
        %mul3A_613 = arith.mulf %convert_element_type3A_610, %mul3A_612 : vector<16xf32>
        %mul3A_614 = arith.constant 12 : i32
        %mul3A_615 = vector.broadcast %mul3A_614 : i32 to vector<16xi32>
        %mul3A_616 = arith.muli %add3A_592, %mul3A_615 : vector<16xi32>
        %sub3A_617 = arith.constant 45.2548332 : f32
        %sub3A_618 = vector.broadcast %sub3A_617 : f32 to vector<16xf32>
        %sub3A_619 = arith.subf %mul3A_606, %sub3A_618 : vector<16xf32>
        %mul3A_620 = arith.constant 0.001953125 : f32
        %mul3A_621 = vector.broadcast %mul3A_620 : f32 to vector<16xf32>
        %mul3A_622 = arith.mulf %sub3A_619, %mul3A_621 : vector<16xf32>
        %jit3A_623 = arith.constant 0.000000e+00 : f32
        %jit3A_624 = arith.constant 1.000000e+00 : f32
        %max3A_625 = vector.broadcast %jit3A_623 : f32 to vector<16xf32>
        %max3A_626 = arith.maximumf %max3A_625, %mul3A_622 : vector<16xf32>
        %min3A_627 = vector.broadcast %jit3A_624 : f32 to vector<16xf32>
        %min3A_628 = arith.minimumf %min3A_627, %max3A_626 : vector<16xf32>
        %sub3A_629 = arith.constant 22.6274166 : f32
        %sub3A_630 = vector.broadcast %sub3A_629 : f32 to vector<16xf32>
        %sub3A_631 = arith.subf %mul3A_613, %sub3A_630 : vector<16xf32>
        %mul3A_632 = arith.constant 0.001953125 : f32
        %mul3A_633 = vector.broadcast %mul3A_632 : f32 to vector<16xf32>
        %mul3A_634 = arith.mulf %sub3A_631, %mul3A_633 : vector<16xf32>
        %jit3A_635 = arith.constant 0.000000e+00 : f32
        %jit3A_636 = arith.constant 1.000000e+00 : f32
        %max3A_637 = vector.broadcast %jit3A_635 : f32 to vector<16xf32>
        %max3A_638 = arith.maximumf %max3A_637, %mul3A_634 : vector<16xf32>
        %min3A_639 = vector.broadcast %jit3A_636 : f32 to vector<16xf32>
        %min3A_640 = arith.minimumf %min3A_639, %max3A_638 : vector<16xf32>
        %add3A_641 = arith.constant 45.2548332 : f32
        %add3A_642 = vector.broadcast %add3A_641 : f32 to vector<16xf32>
        %add3A_643 = arith.addf %mul3A_606, %add3A_642 : vector<16xf32>
        %mul3A_644 = arith.constant 0.001953125 : f32
        %mul3A_645 = vector.broadcast %mul3A_644 : f32 to vector<16xf32>
        %mul3A_646 = arith.mulf %add3A_643, %mul3A_645 : vector<16xf32>
        %jit3A_647 = arith.constant 0.000000e+00 : f32
        %jit3A_648 = arith.constant 1.000000e+00 : f32
        %max3A_649 = vector.broadcast %jit3A_647 : f32 to vector<16xf32>
        %max3A_650 = arith.maximumf %max3A_649, %mul3A_646 : vector<16xf32>
        %min3A_651 = vector.broadcast %jit3A_648 : f32 to vector<16xf32>
        %min3A_652 = arith.minimumf %min3A_651, %max3A_650 : vector<16xf32>
        %add3A_653 = arith.constant 22.6274166 : f32
        %add3A_654 = vector.broadcast %add3A_653 : f32 to vector<16xf32>
        %add3A_655 = arith.addf %mul3A_613, %add3A_654 : vector<16xf32>
        %mul3A_656 = arith.constant 0.001953125 : f32
        %mul3A_657 = vector.broadcast %mul3A_656 : f32 to vector<16xf32>
        %mul3A_658 = arith.mulf %add3A_655, %mul3A_657 : vector<16xf32>
        %jit3A_659 = arith.constant 0.000000e+00 : f32
        %jit3A_660 = arith.constant 1.000000e+00 : f32
        %max3A_661 = vector.broadcast %jit3A_659 : f32 to vector<16xf32>
        %max3A_662 = arith.maximumf %max3A_661, %mul3A_658 : vector<16xf32>
        %min3A_663 = vector.broadcast %jit3A_660 : f32 to vector<16xf32>
        %min3A_664 = arith.minimumf %min3A_663, %max3A_662 : vector<16xf32>
        %add3A_665 = arith.constant 0 : i32
        %add3A_666 = vector.broadcast %add3A_665 : i32 to vector<16xi32>
        %add3A_667 = arith.addi %mul3A_616, %add3A_666 : vector<16xi32>
        %jit3A_668 = arith.constant 0 : i32
        %jit3A_669 = arith.constant 11999 : i32
        %max3A_670 = vector.broadcast %jit3A_668 : i32 to vector<16xi32>
        %max3A_671 = arith.maxsi %max3A_670, %add3A_667 : vector<16xi32>
        %min3A_672 = vector.broadcast %jit3A_669 : i32 to vector<16xi32>
        %min3A_673 = arith.minsi %min3A_672, %max3A_671 : vector<16xi32>
        tpu.vector_store_idx %arg8[%min3A_673], %min3A_628 masked %lt3A_595 : memref<12000xf32, #tpu.memory_space<vmem>>[vector<16xi32>], vector<16xf32>, vector<16xi1>
        %add3A_674 = arith.constant 1 : i32
        %add3A_675 = vector.broadcast %add3A_674 : i32 to vector<16xi32>
        %add3A_676 = arith.addi %mul3A_616, %add3A_675 : vector<16xi32>
        %jit3A_677 = arith.constant 0 : i32
        %jit3A_678 = arith.constant 11999 : i32
        %max3A_679 = vector.broadcast %jit3A_677 : i32 to vector<16xi32>
        %max3A_680 = arith.maxsi %max3A_679, %add3A_676 : vector<16xi32>
        %min3A_681 = vector.broadcast %jit3A_678 : i32 to vector<16xi32>
        %min3A_682 = arith.minsi %min3A_681, %max3A_680 : vector<16xi32>
        tpu.vector_store_idx %arg8[%min3A_682], %min3A_640 masked %lt3A_595 : memref<12000xf32, #tpu.memory_space<vmem>>[vector<16xi32>], vector<16xf32>, vector<16xi1>
        %add3A_683 = arith.constant 2 : i32
        %add3A_684 = vector.broadcast %add3A_683 : i32 to vector<16xi32>
        %add3A_685 = arith.addi %mul3A_616, %add3A_684 : vector<16xi32>
        %jit3A_686 = arith.constant 0 : i32
        %jit3A_687 = arith.constant 11999 : i32
        %max3A_688 = vector.broadcast %jit3A_686 : i32 to vector<16xi32>
        %max3A_689 = arith.maxsi %max3A_688, %add3A_685 : vector<16xi32>
        %min3A_690 = vector.broadcast %jit3A_687 : i32 to vector<16xi32>
        %min3A_691 = arith.minsi %min3A_690, %max3A_689 : vector<16xi32>
        tpu.vector_store_idx %arg8[%min3A_691], %min3A_652 masked %lt3A_595 : memref<12000xf32, #tpu.memory_space<vmem>>[vector<16xi32>], vector<16xf32>, vector<16xi1>
        %add3A_692 = arith.constant 3 : i32
        %add3A_693 = vector.broadcast %add3A_692 : i32 to vector<16xi32>
        %add3A_694 = arith.addi %mul3A_616, %add3A_693 : vector<16xi32>
        %jit3A_695 = arith.constant 0 : i32
        %jit3A_696 = arith.constant 11999 : i32
        %max3A_697 = vector.broadcast %jit3A_695 : i32 to vector<16xi32>
        %max3A_698 = arith.maxsi %max3A_697, %add3A_694 : vector<16xi32>
        %min3A_699 = vector.broadcast %jit3A_696 : i32 to vector<16xi32>
        %min3A_700 = arith.minsi %min3A_699, %max3A_698 : vector<16xi32>
        tpu.vector_store_idx %arg8[%min3A_700], %min3A_664 masked %lt3A_595 : memref<12000xf32, #tpu.memory_space<vmem>>[vector<16xi32>], vector<16xf32>, vector<16xi1>
        %sub3A_701 = arith.constant 3.200000e+01 : f32
        %sub3A_702 = vector.broadcast %sub3A_701 : f32 to vector<16xf32>
        %sub3A_703 = arith.subf %mul3A_606, %sub3A_702 : vector<16xf32>
        %mul3A_704 = arith.constant 0.001953125 : f32
        %mul3A_705 = vector.broadcast %mul3A_704 : f32 to vector<16xf32>
        %mul3A_706 = arith.mulf %sub3A_703, %mul3A_705 : vector<16xf32>
        %jit3A_707 = arith.constant 0.000000e+00 : f32
        %jit3A_708 = arith.constant 1.000000e+00 : f32
        %max3A_709 = vector.broadcast %jit3A_707 : f32 to vector<16xf32>
        %max3A_710 = arith.maximumf %max3A_709, %mul3A_706 : vector<16xf32>
        %min3A_711 = vector.broadcast %jit3A_708 : f32 to vector<16xf32>
        %min3A_712 = arith.minimumf %min3A_711, %max3A_710 : vector<16xf32>
        %sub3A_713 = arith.constant 3.200000e+01 : f32
        %sub3A_714 = vector.broadcast %sub3A_713 : f32 to vector<16xf32>
        %sub3A_715 = arith.subf %mul3A_613, %sub3A_714 : vector<16xf32>
        %mul3A_716 = arith.constant 0.001953125 : f32
        %mul3A_717 = vector.broadcast %mul3A_716 : f32 to vector<16xf32>
        %mul3A_718 = arith.mulf %sub3A_715, %mul3A_717 : vector<16xf32>
        %jit3A_719 = arith.constant 0.000000e+00 : f32
        %jit3A_720 = arith.constant 1.000000e+00 : f32
        %max3A_721 = vector.broadcast %jit3A_719 : f32 to vector<16xf32>
        %max3A_722 = arith.maximumf %max3A_721, %mul3A_718 : vector<16xf32>
        %min3A_723 = vector.broadcast %jit3A_720 : f32 to vector<16xf32>
        %min3A_724 = arith.minimumf %min3A_723, %max3A_722 : vector<16xf32>
        %add3A_725 = arith.constant 3.200000e+01 : f32
        %add3A_726 = vector.broadcast %add3A_725 : f32 to vector<16xf32>
        %add3A_727 = arith.addf %mul3A_606, %add3A_726 : vector<16xf32>
        %mul3A_728 = arith.constant 0.001953125 : f32
        %mul3A_729 = vector.broadcast %mul3A_728 : f32 to vector<16xf32>
        %mul3A_730 = arith.mulf %add3A_727, %mul3A_729 : vector<16xf32>
        %jit3A_731 = arith.constant 0.000000e+00 : f32
        %jit3A_732 = arith.constant 1.000000e+00 : f32
        %max3A_733 = vector.broadcast %jit3A_731 : f32 to vector<16xf32>
        %max3A_734 = arith.maximumf %max3A_733, %mul3A_730 : vector<16xf32>
        %min3A_735 = vector.broadcast %jit3A_732 : f32 to vector<16xf32>
        %min3A_736 = arith.minimumf %min3A_735, %max3A_734 : vector<16xf32>
        %add3A_737 = arith.constant 3.200000e+01 : f32
        %add3A_738 = vector.broadcast %add3A_737 : f32 to vector<16xf32>
        %add3A_739 = arith.addf %mul3A_613, %add3A_738 : vector<16xf32>
        %mul3A_740 = arith.constant 0.001953125 : f32
        %mul3A_741 = vector.broadcast %mul3A_740 : f32 to vector<16xf32>
        %mul3A_742 = arith.mulf %add3A_739, %mul3A_741 : vector<16xf32>
        %jit3A_743 = arith.constant 0.000000e+00 : f32
        %jit3A_744 = arith.constant 1.000000e+00 : f32
        %max3A_745 = vector.broadcast %jit3A_743 : f32 to vector<16xf32>
        %max3A_746 = arith.maximumf %max3A_745, %mul3A_742 : vector<16xf32>
        %min3A_747 = vector.broadcast %jit3A_744 : f32 to vector<16xf32>
        %min3A_748 = arith.minimumf %min3A_747, %max3A_746 : vector<16xf32>
        %add3A_749 = arith.constant 4 : i32
        %add3A_750 = vector.broadcast %add3A_749 : i32 to vector<16xi32>
        %add3A_751 = arith.addi %mul3A_616, %add3A_750 : vector<16xi32>
        %jit3A_752 = arith.constant 0 : i32
        %jit3A_753 = arith.constant 11999 : i32
        %max3A_754 = vector.broadcast %jit3A_752 : i32 to vector<16xi32>
        %max3A_755 = arith.maxsi %max3A_754, %add3A_751 : vector<16xi32>
        %min3A_756 = vector.broadcast %jit3A_753 : i32 to vector<16xi32>
        %min3A_757 = arith.minsi %min3A_756, %max3A_755 : vector<16xi32>
        tpu.vector_store_idx %arg8[%min3A_757], %min3A_712 masked %lt3A_595 : memref<12000xf32, #tpu.memory_space<vmem>>[vector<16xi32>], vector<16xf32>, vector<16xi1>
        %add3A_758 = arith.constant 5 : i32
        %add3A_759 = vector.broadcast %add3A_758 : i32 to vector<16xi32>
        %add3A_760 = arith.addi %mul3A_616, %add3A_759 : vector<16xi32>
        %jit3A_761 = arith.constant 0 : i32
        %jit3A_762 = arith.constant 11999 : i32
        %max3A_763 = vector.broadcast %jit3A_761 : i32 to vector<16xi32>
        %max3A_764 = arith.maxsi %max3A_763, %add3A_760 : vector<16xi32>
        %min3A_765 = vector.broadcast %jit3A_762 : i32 to vector<16xi32>
        %min3A_766 = arith.minsi %min3A_765, %max3A_764 : vector<16xi32>
        tpu.vector_store_idx %arg8[%min3A_766], %min3A_724 masked %lt3A_595 : memref<12000xf32, #tpu.memory_space<vmem>>[vector<16xi32>], vector<16xf32>, vector<16xi1>
        %add3A_767 = arith.constant 6 : i32
        %add3A_768 = vector.broadcast %add3A_767 : i32 to vector<16xi32>
        %add3A_769 = arith.addi %mul3A_616, %add3A_768 : vector<16xi32>
        %jit3A_770 = arith.constant 0 : i32
        %jit3A_771 = arith.constant 11999 : i32
        %max3A_772 = vector.broadcast %jit3A_770 : i32 to vector<16xi32>
        %max3A_773 = arith.maxsi %max3A_772, %add3A_769 : vector<16xi32>
        %min3A_774 = vector.broadcast %jit3A_771 : i32 to vector<16xi32>
        %min3A_775 = arith.minsi %min3A_774, %max3A_773 : vector<16xi32>
        tpu.vector_store_idx %arg8[%min3A_775], %min3A_736 masked %lt3A_595 : memref<12000xf32, #tpu.memory_space<vmem>>[vector<16xi32>], vector<16xf32>, vector<16xi1>
        %add3A_776 = arith.constant 7 : i32
        %add3A_777 = vector.broadcast %add3A_776 : i32 to vector<16xi32>
        %add3A_778 = arith.addi %mul3A_616, %add3A_777 : vector<16xi32>
        %jit3A_779 = arith.constant 0 : i32
        %jit3A_780 = arith.constant 11999 : i32
        %max3A_781 = vector.broadcast %jit3A_779 : i32 to vector<16xi32>
        %max3A_782 = arith.maxsi %max3A_781, %add3A_778 : vector<16xi32>
        %min3A_783 = vector.broadcast %jit3A_780 : i32 to vector<16xi32>
        %min3A_784 = arith.minsi %min3A_783, %max3A_782 : vector<16xi32>
        tpu.vector_store_idx %arg8[%min3A_784], %min3A_748 masked %lt3A_595 : memref<12000xf32, #tpu.memory_space<vmem>>[vector<16xi32>], vector<16xf32>, vector<16xi1>
        %sub3A_785 = arith.constant 22.6274166 : f32
        %sub3A_786 = vector.broadcast %sub3A_785 : f32 to vector<16xf32>
        %sub3A_787 = arith.subf %mul3A_606, %sub3A_786 : vector<16xf32>
        %mul3A_788 = arith.constant 0.001953125 : f32
        %mul3A_789 = vector.broadcast %mul3A_788 : f32 to vector<16xf32>
        %mul3A_790 = arith.mulf %sub3A_787, %mul3A_789 : vector<16xf32>
        %jit3A_791 = arith.constant 0.000000e+00 : f32
        %jit3A_792 = arith.constant 1.000000e+00 : f32
        %max3A_793 = vector.broadcast %jit3A_791 : f32 to vector<16xf32>
        %max3A_794 = arith.maximumf %max3A_793, %mul3A_790 : vector<16xf32>
        %min3A_795 = vector.broadcast %jit3A_792 : f32 to vector<16xf32>
        %min3A_796 = arith.minimumf %min3A_795, %max3A_794 : vector<16xf32>
        %sub3A_797 = arith.constant 45.2548332 : f32
        %sub3A_798 = vector.broadcast %sub3A_797 : f32 to vector<16xf32>
        %sub3A_799 = arith.subf %mul3A_613, %sub3A_798 : vector<16xf32>
        %mul3A_800 = arith.constant 0.001953125 : f32
        %mul3A_801 = vector.broadcast %mul3A_800 : f32 to vector<16xf32>
        %mul3A_802 = arith.mulf %sub3A_799, %mul3A_801 : vector<16xf32>
        %jit3A_803 = arith.constant 0.000000e+00 : f32
        %jit3A_804 = arith.constant 1.000000e+00 : f32
        %max3A_805 = vector.broadcast %jit3A_803 : f32 to vector<16xf32>
        %max3A_806 = arith.maximumf %max3A_805, %mul3A_802 : vector<16xf32>
        %min3A_807 = vector.broadcast %jit3A_804 : f32 to vector<16xf32>
        %min3A_808 = arith.minimumf %min3A_807, %max3A_806 : vector<16xf32>
        %add3A_809 = arith.constant 22.6274166 : f32
        %add3A_810 = vector.broadcast %add3A_809 : f32 to vector<16xf32>
        %add3A_811 = arith.addf %mul3A_606, %add3A_810 : vector<16xf32>
        %mul3A_812 = arith.constant 0.001953125 : f32
        %mul3A_813 = vector.broadcast %mul3A_812 : f32 to vector<16xf32>
        %mul3A_814 = arith.mulf %add3A_811, %mul3A_813 : vector<16xf32>
        %jit3A_815 = arith.constant 0.000000e+00 : f32
        %jit3A_816 = arith.constant 1.000000e+00 : f32
        %max3A_817 = vector.broadcast %jit3A_815 : f32 to vector<16xf32>
        %max3A_818 = arith.maximumf %max3A_817, %mul3A_814 : vector<16xf32>
        %min3A_819 = vector.broadcast %jit3A_816 : f32 to vector<16xf32>
        %min3A_820 = arith.minimumf %min3A_819, %max3A_818 : vector<16xf32>
        %add3A_821 = arith.constant 45.2548332 : f32
        %add3A_822 = vector.broadcast %add3A_821 : f32 to vector<16xf32>
        %add3A_823 = arith.addf %mul3A_613, %add3A_822 : vector<16xf32>
        %mul3A_824 = arith.constant 0.001953125 : f32
        %mul3A_825 = vector.broadcast %mul3A_824 : f32 to vector<16xf32>
        %mul3A_826 = arith.mulf %add3A_823, %mul3A_825 : vector<16xf32>
        %jit3A_827 = arith.constant 0.000000e+00 : f32
        %jit3A_828 = arith.constant 1.000000e+00 : f32
        %max3A_829 = vector.broadcast %jit3A_827 : f32 to vector<16xf32>
        %max3A_830 = arith.maximumf %max3A_829, %mul3A_826 : vector<16xf32>
        %min3A_831 = vector.broadcast %jit3A_828 : f32 to vector<16xf32>
        %min3A_832 = arith.minimumf %min3A_831, %max3A_830 : vector<16xf32>
        %add3A_833 = arith.constant 8 : i32
        %add3A_834 = vector.broadcast %add3A_833 : i32 to vector<16xi32>
        %add3A_835 = arith.addi %mul3A_616, %add3A_834 : vector<16xi32>
        %jit3A_836 = arith.constant 0 : i32
        %jit3A_837 = arith.constant 11999 : i32
        %max3A_838 = vector.broadcast %jit3A_836 : i32 to vector<16xi32>
        %max3A_839 = arith.maxsi %max3A_838, %add3A_835 : vector<16xi32>
        %min3A_840 = vector.broadcast %jit3A_837 : i32 to vector<16xi32>
        %min3A_841 = arith.minsi %min3A_840, %max3A_839 : vector<16xi32>
        tpu.vector_store_idx %arg8[%min3A_841], %min3A_796 masked %lt3A_595 : memref<12000xf32, #tpu.memory_space<vmem>>[vector<16xi32>], vector<16xf32>, vector<16xi1>
        %add3A_842 = arith.constant 9 : i32
        %add3A_843 = vector.broadcast %add3A_842 : i32 to vector<16xi32>
        %add3A_844 = arith.addi %mul3A_616, %add3A_843 : vector<16xi32>
        %jit3A_845 = arith.constant 0 : i32
        %jit3A_846 = arith.constant 11999 : i32
        %max3A_847 = vector.broadcast %jit3A_845 : i32 to vector<16xi32>
        %max3A_848 = arith.maxsi %max3A_847, %add3A_844 : vector<16xi32>
        %min3A_849 = vector.broadcast %jit3A_846 : i32 to vector<16xi32>
        %min3A_850 = arith.minsi %min3A_849, %max3A_848 : vector<16xi32>
        tpu.vector_store_idx %arg8[%min3A_850], %min3A_808 masked %lt3A_595 : memref<12000xf32, #tpu.memory_space<vmem>>[vector<16xi32>], vector<16xf32>, vector<16xi1>
        %add3A_851 = arith.constant 10 : i32
        %add3A_852 = vector.broadcast %add3A_851 : i32 to vector<16xi32>
        %add3A_853 = arith.addi %mul3A_616, %add3A_852 : vector<16xi32>
        %jit3A_854 = arith.constant 0 : i32
        %jit3A_855 = arith.constant 11999 : i32
        %max3A_856 = vector.broadcast %jit3A_854 : i32 to vector<16xi32>
        %max3A_857 = arith.maxsi %max3A_856, %add3A_853 : vector<16xi32>
        %min3A_858 = vector.broadcast %jit3A_855 : i32 to vector<16xi32>
        %min3A_859 = arith.minsi %min3A_858, %max3A_857 : vector<16xi32>
        tpu.vector_store_idx %arg8[%min3A_859], %min3A_820 masked %lt3A_595 : memref<12000xf32, #tpu.memory_space<vmem>>[vector<16xi32>], vector<16xf32>, vector<16xi1>
        %add3A_860 = arith.constant 11 : i32
        %add3A_861 = vector.broadcast %add3A_860 : i32 to vector<16xi32>
        %add3A_862 = arith.addi %mul3A_616, %add3A_861 : vector<16xi32>
        %jit3A_863 = arith.constant 0 : i32
        %jit3A_864 = arith.constant 11999 : i32
        %max3A_865 = vector.broadcast %jit3A_863 : i32 to vector<16xi32>
        %max3A_866 = arith.maxsi %max3A_865, %add3A_862 : vector<16xi32>
        %min3A_867 = vector.broadcast %jit3A_864 : i32 to vector<16xi32>
        %min3A_868 = arith.minsi %min3A_867, %max3A_866 : vector<16xi32>
        tpu.vector_store_idx %arg8[%min3A_868], %min3A_832 masked %lt3A_595 : memref<12000xf32, #tpu.memory_space<vmem>>[vector<16xi32>], vector<16xf32>, vector<16xi1>
      }
      %scan3A_27 = arith.constant 62 : i32
      %scan3A_28 = arith.addi %scan3A_23, %scan3A_27 : i32
      %mul3A_29 = arith.constant 16 : i32
      %mul3A_30 = arith.muli %scan3A_28, %mul3A_29 : i32
      %add3A_31 = vector.broadcast %mul3A_30 : i32 to vector<16xi32>
      %add3A_32 = arith.addi %add3A_31, %iota3A : vector<16xi32>
      %lt3A_33 = arith.constant 1000 : i32
      %lt3A_34 = vector.broadcast %lt3A_33 : i32 to vector<16xi32>
      %lt3A_35 = arith.cmpi slt, %add3A_32, %lt3A_34 : vector<16xi32>
      %mul3A_36 = arith.constant 16 : i32
      %mul3A_37 = arith.muli %scan3A_28, %mul3A_36 : i32
      %get3A_38 = arith.index_cast %mul3A_37 : i32 to index
      %get3A_39 = tpu.vector_load %arg7[%get3A_38] {strides = array<i32>} : memref<1024xi32, #tpu.memory_space<vmem>>, vector<16xi32>,
      %shift_right_arithmetic3A = arith.constant 7 : i32
      %shift_right_arithmetic3A_40 = vector.broadcast %shift_right_arithmetic3A : i32 to vector<16xi32>
      %shift_right_arithmetic3A_41 = arith.shrsi %get3A_39, %shift_right_arithmetic3A_40 : vector<16xi32>
      %convert_element_type3A_42 = arith.sitofp %shift_right_arithmetic3A_41 : vector<16xi32> to vector<16xf32>
      %mul3A_43 = arith.constant 4.000000e+00 : f32
      %mul3A_44 = vector.broadcast %mul3A_43 : f32 to vector<16xf32>
      %mul3A_45 = arith.mulf %convert_element_type3A_42, %mul3A_44 : vector<16xf32>
      %and3A = arith.constant 127 : i32
      %and3A_46 = vector.broadcast %and3A : i32 to vector<16xi32>
      %and3A_47 = arith.andi %get3A_39, %and3A_46 : vector<16xi32>
      %convert_element_type3A_48 = arith.sitofp %and3A_47 : vector<16xi32> to vector<16xf32>
      %mul3A_49 = arith.constant 4.000000e+00 : f32
      %mul3A_50 = vector.broadcast %mul3A_49 : f32 to vector<16xf32>
      %mul3A_51 = arith.mulf %convert_element_type3A_48, %mul3A_50 : vector<16xf32>
      %mul3A_52 = arith.constant 12 : i32
      %mul3A_53 = vector.broadcast %mul3A_52 : i32 to vector<16xi32>
      %mul3A_54 = arith.muli %add3A_32, %mul3A_53 : vector<16xi32>
      %sub3A = arith.constant 45.2548332 : f32
      %sub3A_55 = vector.broadcast %sub3A : f32 to vector<16xf32>
      %sub3A_56 = arith.subf %mul3A_45, %sub3A_55 : vector<16xf32>
      %mul3A_57 = arith.constant 0.001953125 : f32
      %mul3A_58 = vector.broadcast %mul3A_57 : f32 to vector<16xf32>
      %mul3A_59 = arith.mulf %sub3A_56, %mul3A_58 : vector<16xf32>
      %jit3A = arith.constant 0.000000e+00 : f32
      %jit3A_60 = arith.constant 1.000000e+00 : f32
      %max3A = vector.broadcast %jit3A : f32 to vector<16xf32>
      %max3A_61 = arith.maximumf %max3A, %mul3A_59 : vector<16xf32>
      %min3A = vector.broadcast %jit3A_60 : f32 to vector<16xf32>
      %min3A_62 = arith.minimumf %min3A, %max3A_61 : vector<16xf32>
      %sub3A_63 = arith.constant 22.6274166 : f32
      %sub3A_64 = vector.broadcast %sub3A_63 : f32 to vector<16xf32>
      %sub3A_65 = arith.subf %mul3A_51, %sub3A_64 : vector<16xf32>
      %mul3A_66 = arith.constant 0.001953125 : f32
      %mul3A_67 = vector.broadcast %mul3A_66 : f32 to vector<16xf32>
      %mul3A_68 = arith.mulf %sub3A_65, %mul3A_67 : vector<16xf32>
      %jit3A_69 = arith.constant 0.000000e+00 : f32
      %jit3A_70 = arith.constant 1.000000e+00 : f32
      %max3A_71 = vector.broadcast %jit3A_69 : f32 to vector<16xf32>
      %max3A_72 = arith.maximumf %max3A_71, %mul3A_68 : vector<16xf32>
      %min3A_73 = vector.broadcast %jit3A_70 : f32 to vector<16xf32>
      %min3A_74 = arith.minimumf %min3A_73, %max3A_72 : vector<16xf32>
      %add3A_75 = arith.constant 45.2548332 : f32
      %add3A_76 = vector.broadcast %add3A_75 : f32 to vector<16xf32>
      %add3A_77 = arith.addf %mul3A_45, %add3A_76 : vector<16xf32>
      %mul3A_78 = arith.constant 0.001953125 : f32
      %mul3A_79 = vector.broadcast %mul3A_78 : f32 to vector<16xf32>
      %mul3A_80 = arith.mulf %add3A_77, %mul3A_79 : vector<16xf32>
      %jit3A_81 = arith.constant 0.000000e+00 : f32
      %jit3A_82 = arith.constant 1.000000e+00 : f32
      %max3A_83 = vector.broadcast %jit3A_81 : f32 to vector<16xf32>
      %max3A_84 = arith.maximumf %max3A_83, %mul3A_80 : vector<16xf32>
      %min3A_85 = vector.broadcast %jit3A_82 : f32 to vector<16xf32>
      %min3A_86 = arith.minimumf %min3A_85, %max3A_84 : vector<16xf32>
      %add3A_87 = arith.constant 22.6274166 : f32
      %add3A_88 = vector.broadcast %add3A_87 : f32 to vector<16xf32>
      %add3A_89 = arith.addf %mul3A_51, %add3A_88 : vector<16xf32>
      %mul3A_90 = arith.constant 0.001953125 : f32
      %mul3A_91 = vector.broadcast %mul3A_90 : f32 to vector<16xf32>
      %mul3A_92 = arith.mulf %add3A_89, %mul3A_91 : vector<16xf32>
      %jit3A_93 = arith.constant 0.000000e+00 : f32
      %jit3A_94 = arith.constant 1.000000e+00 : f32
      %max3A_95 = vector.broadcast %jit3A_93 : f32 to vector<16xf32>
      %max3A_96 = arith.maximumf %max3A_95, %mul3A_92 : vector<16xf32>
      %min3A_97 = vector.broadcast %jit3A_94 : f32 to vector<16xf32>
      %min3A_98 = arith.minimumf %min3A_97, %max3A_96 : vector<16xf32>
      %add3A_99 = arith.constant 0 : i32
      %add3A_100 = vector.broadcast %add3A_99 : i32 to vector<16xi32>
      %add3A_101 = arith.addi %mul3A_54, %add3A_100 : vector<16xi32>
      %jit3A_102 = arith.constant 0 : i32
      %jit3A_103 = arith.constant 11999 : i32
      %max3A_104 = vector.broadcast %jit3A_102 : i32 to vector<16xi32>
      %max3A_105 = arith.maxsi %max3A_104, %add3A_101 : vector<16xi32>
      %min3A_106 = vector.broadcast %jit3A_103 : i32 to vector<16xi32>
      %min3A_107 = arith.minsi %min3A_106, %max3A_105 : vector<16xi32>
      tpu.vector_store_idx %arg8[%min3A_107], %min3A_62 masked %lt3A_35 : memref<12000xf32, #tpu.memory_space<vmem>>[vector<16xi32>], vector<16xf32>, vector<16xi1>
      %add3A_108 = arith.constant 1 : i32
      %add3A_109 = vector.broadcast %add3A_108 : i32 to vector<16xi32>
      %add3A_110 = arith.addi %mul3A_54, %add3A_109 : vector<16xi32>
      %jit3A_111 = arith.constant 0 : i32
      %jit3A_112 = arith.constant 11999 : i32
      %max3A_113 = vector.broadcast %jit3A_111 : i32 to vector<16xi32>
      %max3A_114 = arith.maxsi %max3A_113, %add3A_110 : vector<16xi32>
      %min3A_115 = vector.broadcast %jit3A_112 : i32 to vector<16xi32>
      %min3A_116 = arith.minsi %min3A_115, %max3A_114 : vector<16xi32>
      tpu.vector_store_idx %arg8[%min3A_116], %min3A_74 masked %lt3A_35 : memref<12000xf32, #tpu.memory_space<vmem>>[vector<16xi32>], vector<16xf32>, vector<16xi1>
      %add3A_117 = arith.constant 2 : i32
      %add3A_118 = vector.broadcast %add3A_117 : i32 to vector<16xi32>
      %add3A_119 = arith.addi %mul3A_54, %add3A_118 : vector<16xi32>
      %jit3A_120 = arith.constant 0 : i32
      %jit3A_121 = arith.constant 11999 : i32
      %max3A_122 = vector.broadcast %jit3A_120 : i32 to vector<16xi32>
      %max3A_123 = arith.maxsi %max3A_122, %add3A_119 : vector<16xi32>
      %min3A_124 = vector.broadcast %jit3A_121 : i32 to vector<16xi32>
      %min3A_125 = arith.minsi %min3A_124, %max3A_123 : vector<16xi32>
      tpu.vector_store_idx %arg8[%min3A_125], %min3A_86 masked %lt3A_35 : memref<12000xf32, #tpu.memory_space<vmem>>[vector<16xi32>], vector<16xf32>, vector<16xi1>
      %add3A_126 = arith.constant 3 : i32
      %add3A_127 = vector.broadcast %add3A_126 : i32 to vector<16xi32>
      %add3A_128 = arith.addi %mul3A_54, %add3A_127 : vector<16xi32>
      %jit3A_129 = arith.constant 0 : i32
      %jit3A_130 = arith.constant 11999 : i32
      %max3A_131 = vector.broadcast %jit3A_129 : i32 to vector<16xi32>
      %max3A_132 = arith.maxsi %max3A_131, %add3A_128 : vector<16xi32>
      %min3A_133 = vector.broadcast %jit3A_130 : i32 to vector<16xi32>
      %min3A_134 = arith.minsi %min3A_133, %max3A_132 : vector<16xi32>
      tpu.vector_store_idx %arg8[%min3A_134], %min3A_98 masked %lt3A_35 : memref<12000xf32, #tpu.memory_space<vmem>>[vector<16xi32>], vector<16xf32>, vector<16xi1>
      %sub3A_135 = arith.constant 3.200000e+01 : f32
      %sub3A_136 = vector.broadcast %sub3A_135 : f32 to vector<16xf32>
      %sub3A_137 = arith.subf %mul3A_45, %sub3A_136 : vector<16xf32>
      %mul3A_138 = arith.constant 0.001953125 : f32
      %mul3A_139 = vector.broadcast %mul3A_138 : f32 to vector<16xf32>
      %mul3A_140 = arith.mulf %sub3A_137, %mul3A_139 : vector<16xf32>
      %jit3A_141 = arith.constant 0.000000e+00 : f32
      %jit3A_142 = arith.constant 1.000000e+00 : f32
      %max3A_143 = vector.broadcast %jit3A_141 : f32 to vector<16xf32>
      %max3A_144 = arith.maximumf %max3A_143, %mul3A_140 : vector<16xf32>
      %min3A_145 = vector.broadcast %jit3A_142 : f32 to vector<16xf32>
      %min3A_146 = arith.minimumf %min3A_145, %max3A_144 : vector<16xf32>
      %sub3A_147 = arith.constant 3.200000e+01 : f32
      %sub3A_148 = vector.broadcast %sub3A_147 : f32 to vector<16xf32>
      %sub3A_149 = arith.subf %mul3A_51, %sub3A_148 : vector<16xf32>
      %mul3A_150 = arith.constant 0.001953125 : f32
      %mul3A_151 = vector.broadcast %mul3A_150 : f32 to vector<16xf32>
      %mul3A_152 = arith.mulf %sub3A_149, %mul3A_151 : vector<16xf32>
      %jit3A_153 = arith.constant 0.000000e+00 : f32
      %jit3A_154 = arith.constant 1.000000e+00 : f32
      %max3A_155 = vector.broadcast %jit3A_153 : f32 to vector<16xf32>
      %max3A_156 = arith.maximumf %max3A_155, %mul3A_152 : vector<16xf32>
      %min3A_157 = vector.broadcast %jit3A_154 : f32 to vector<16xf32>
      %min3A_158 = arith.minimumf %min3A_157, %max3A_156 : vector<16xf32>
      %add3A_159 = arith.constant 3.200000e+01 : f32
      %add3A_160 = vector.broadcast %add3A_159 : f32 to vector<16xf32>
      %add3A_161 = arith.addf %mul3A_45, %add3A_160 : vector<16xf32>
      %mul3A_162 = arith.constant 0.001953125 : f32
      %mul3A_163 = vector.broadcast %mul3A_162 : f32 to vector<16xf32>
      %mul3A_164 = arith.mulf %add3A_161, %mul3A_163 : vector<16xf32>
      %jit3A_165 = arith.constant 0.000000e+00 : f32
      %jit3A_166 = arith.constant 1.000000e+00 : f32
      %max3A_167 = vector.broadcast %jit3A_165 : f32 to vector<16xf32>
      %max3A_168 = arith.maximumf %max3A_167, %mul3A_164 : vector<16xf32>
      %min3A_169 = vector.broadcast %jit3A_166 : f32 to vector<16xf32>
      %min3A_170 = arith.minimumf %min3A_169, %max3A_168 : vector<16xf32>
      %add3A_171 = arith.constant 3.200000e+01 : f32
      %add3A_172 = vector.broadcast %add3A_171 : f32 to vector<16xf32>
      %add3A_173 = arith.addf %mul3A_51, %add3A_172 : vector<16xf32>
      %mul3A_174 = arith.constant 0.001953125 : f32
      %mul3A_175 = vector.broadcast %mul3A_174 : f32 to vector<16xf32>
      %mul3A_176 = arith.mulf %add3A_173, %mul3A_175 : vector<16xf32>
      %jit3A_177 = arith.constant 0.000000e+00 : f32
      %jit3A_178 = arith.constant 1.000000e+00 : f32
      %max3A_179 = vector.broadcast %jit3A_177 : f32 to vector<16xf32>
      %max3A_180 = arith.maximumf %max3A_179, %mul3A_176 : vector<16xf32>
      %min3A_181 = vector.broadcast %jit3A_178 : f32 to vector<16xf32>
      %min3A_182 = arith.minimumf %min3A_181, %max3A_180 : vector<16xf32>
      %add3A_183 = arith.constant 4 : i32
      %add3A_184 = vector.broadcast %add3A_183 : i32 to vector<16xi32>
      %add3A_185 = arith.addi %mul3A_54, %add3A_184 : vector<16xi32>
      %jit3A_186 = arith.constant 0 : i32
      %jit3A_187 = arith.constant 11999 : i32
      %max3A_188 = vector.broadcast %jit3A_186 : i32 to vector<16xi32>
      %max3A_189 = arith.maxsi %max3A_188, %add3A_185 : vector<16xi32>
      %min3A_190 = vector.broadcast %jit3A_187 : i32 to vector<16xi32>
      %min3A_191 = arith.minsi %min3A_190, %max3A_189 : vector<16xi32>
      tpu.vector_store_idx %arg8[%min3A_191], %min3A_146 masked %lt3A_35 : memref<12000xf32, #tpu.memory_space<vmem>>[vector<16xi32>], vector<16xf32>, vector<16xi1>
      %add3A_192 = arith.constant 5 : i32
      %add3A_193 = vector.broadcast %add3A_192 : i32 to vector<16xi32>
      %add3A_194 = arith.addi %mul3A_54, %add3A_193 : vector<16xi32>
      %jit3A_195 = arith.constant 0 : i32
      %jit3A_196 = arith.constant 11999 : i32
      %max3A_197 = vector.broadcast %jit3A_195 : i32 to vector<16xi32>
      %max3A_198 = arith.maxsi %max3A_197, %add3A_194 : vector<16xi32>
      %min3A_199 = vector.broadcast %jit3A_196 : i32 to vector<16xi32>
      %min3A_200 = arith.minsi %min3A_199, %max3A_198 : vector<16xi32>
      tpu.vector_store_idx %arg8[%min3A_200], %min3A_158 masked %lt3A_35 : memref<12000xf32, #tpu.memory_space<vmem>>[vector<16xi32>], vector<16xf32>, vector<16xi1>
      %add3A_201 = arith.constant 6 : i32
      %add3A_202 = vector.broadcast %add3A_201 : i32 to vector<16xi32>
      %add3A_203 = arith.addi %mul3A_54, %add3A_202 : vector<16xi32>
      %jit3A_204 = arith.constant 0 : i32
      %jit3A_205 = arith.constant 11999 : i32
      %max3A_206 = vector.broadcast %jit3A_204 : i32 to vector<16xi32>
      %max3A_207 = arith.maxsi %max3A_206, %add3A_203 : vector<16xi32>
      %min3A_208 = vector.broadcast %jit3A_205 : i32 to vector<16xi32>
      %min3A_209 = arith.minsi %min3A_208, %max3A_207 : vector<16xi32>
      tpu.vector_store_idx %arg8[%min3A_209], %min3A_170 masked %lt3A_35 : memref<12000xf32, #tpu.memory_space<vmem>>[vector<16xi32>], vector<16xf32>, vector<16xi1>
      %add3A_210 = arith.constant 7 : i32
      %add3A_211 = vector.broadcast %add3A_210 : i32 to vector<16xi32>
      %add3A_212 = arith.addi %mul3A_54, %add3A_211 : vector<16xi32>
      %jit3A_213 = arith.constant 0 : i32
      %jit3A_214 = arith.constant 11999 : i32
      %max3A_215 = vector.broadcast %jit3A_213 : i32 to vector<16xi32>
      %max3A_216 = arith.maxsi %max3A_215, %add3A_212 : vector<16xi32>
      %min3A_217 = vector.broadcast %jit3A_214 : i32 to vector<16xi32>
      %min3A_218 = arith.minsi %min3A_217, %max3A_216 : vector<16xi32>
      tpu.vector_store_idx %arg8[%min3A_218], %min3A_182 masked %lt3A_35 : memref<12000xf32, #tpu.memory_space<vmem>>[vector<16xi32>], vector<16xf32>, vector<16xi1>
      %sub3A_219 = arith.constant 22.6274166 : f32
      %sub3A_220 = vector.broadcast %sub3A_219 : f32 to vector<16xf32>
      %sub3A_221 = arith.subf %mul3A_45, %sub3A_220 : vector<16xf32>
      %mul3A_222 = arith.constant 0.001953125 : f32
      %mul3A_223 = vector.broadcast %mul3A_222 : f32 to vector<16xf32>
      %mul3A_224 = arith.mulf %sub3A_221, %mul3A_223 : vector<16xf32>
      %jit3A_225 = arith.constant 0.000000e+00 : f32
      %jit3A_226 = arith.constant 1.000000e+00 : f32
      %max3A_227 = vector.broadcast %jit3A_225 : f32 to vector<16xf32>
      %max3A_228 = arith.maximumf %max3A_227, %mul3A_224 : vector<16xf32>
      %min3A_229 = vector.broadcast %jit3A_226 : f32 to vector<16xf32>
      %min3A_230 = arith.minimumf %min3A_229, %max3A_228 : vector<16xf32>
      %sub3A_231 = arith.constant 45.2548332 : f32
      %sub3A_232 = vector.broadcast %sub3A_231 : f32 to vector<16xf32>
      %sub3A_233 = arith.subf %mul3A_51, %sub3A_232 : vector<16xf32>
      %mul3A_234 = arith.constant 0.001953125 : f32
      %mul3A_235 = vector.broadcast %mul3A_234 : f32 to vector<16xf32>
      %mul3A_236 = arith.mulf %sub3A_233, %mul3A_235 : vector<16xf32>
      %jit3A_237 = arith.constant 0.000000e+00 : f32
      %jit3A_238 = arith.constant 1.000000e+00 : f32
      %max3A_239 = vector.broadcast %jit3A_237 : f32 to vector<16xf32>
      %max3A_240 = arith.maximumf %max3A_239, %mul3A_236 : vector<16xf32>
      %min3A_241 = vector.broadcast %jit3A_238 : f32 to vector<16xf32>
      %min3A_242 = arith.minimumf %min3A_241, %max3A_240 : vector<16xf32>
      %add3A_243 = arith.constant 22.6274166 : f32
      %add3A_244 = vector.broadcast %add3A_243 : f32 to vector<16xf32>
      %add3A_245 = arith.addf %mul3A_45, %add3A_244 : vector<16xf32>
      %mul3A_246 = arith.constant 0.001953125 : f32
      %mul3A_247 = vector.broadcast %mul3A_246 : f32 to vector<16xf32>
      %mul3A_248 = arith.mulf %add3A_245, %mul3A_247 : vector<16xf32>
      %jit3A_249 = arith.constant 0.000000e+00 : f32
      %jit3A_250 = arith.constant 1.000000e+00 : f32
      %max3A_251 = vector.broadcast %jit3A_249 : f32 to vector<16xf32>
      %max3A_252 = arith.maximumf %max3A_251, %mul3A_248 : vector<16xf32>
      %min3A_253 = vector.broadcast %jit3A_250 : f32 to vector<16xf32>
      %min3A_254 = arith.minimumf %min3A_253, %max3A_252 : vector<16xf32>
      %add3A_255 = arith.constant 45.2548332 : f32
      %add3A_256 = vector.broadcast %add3A_255 : f32 to vector<16xf32>
      %add3A_257 = arith.addf %mul3A_51, %add3A_256 : vector<16xf32>
      %mul3A_258 = arith.constant 0.001953125 : f32
      %mul3A_259 = vector.broadcast %mul3A_258 : f32 to vector<16xf32>
      %mul3A_260 = arith.mulf %add3A_257, %mul3A_259 : vector<16xf32>
      %jit3A_261 = arith.constant 0.000000e+00 : f32
      %jit3A_262 = arith.constant 1.000000e+00 : f32
      %max3A_263 = vector.broadcast %jit3A_261 : f32 to vector<16xf32>
      %max3A_264 = arith.maximumf %max3A_263, %mul3A_260 : vector<16xf32>
      %min3A_265 = vector.broadcast %jit3A_262 : f32 to vector<16xf32>
      %min3A_266 = arith.minimumf %min3A_265, %max3A_264 : vector<16xf32>
      %add3A_267 = arith.constant 8 : i32
      %add3A_268 = vector.broadcast %add3A_267 : i32 to vector<16xi32>
      %add3A_269 = arith.addi %mul3A_54, %add3A_268 : vector<16xi32>
      %jit3A_270 = arith.constant 0 : i32
      %jit3A_271 = arith.constant 11999 : i32
      %max3A_272 = vector.broadcast %jit3A_270 : i32 to vector<16xi32>
      %max3A_273 = arith.maxsi %max3A_272, %add3A_269 : vector<16xi32>
      %min3A_274 = vector.broadcast %jit3A_271 : i32 to vector<16xi32>
      %min3A_275 = arith.minsi %min3A_274, %max3A_273 : vector<16xi32>
      tpu.vector_store_idx %arg8[%min3A_275], %min3A_230 masked %lt3A_35 : memref<12000xf32, #tpu.memory_space<vmem>>[vector<16xi32>], vector<16xf32>, vector<16xi1>
      %add3A_276 = arith.constant 9 : i32
      %add3A_277 = vector.broadcast %add3A_276 : i32 to vector<16xi32>
      %add3A_278 = arith.addi %mul3A_54, %add3A_277 : vector<16xi32>
      %jit3A_279 = arith.constant 0 : i32
      %jit3A_280 = arith.constant 11999 : i32
      %max3A_281 = vector.broadcast %jit3A_279 : i32 to vector<16xi32>
      %max3A_282 = arith.maxsi %max3A_281, %add3A_278 : vector<16xi32>
      %min3A_283 = vector.broadcast %jit3A_280 : i32 to vector<16xi32>
      %min3A_284 = arith.minsi %min3A_283, %max3A_282 : vector<16xi32>
      tpu.vector_store_idx %arg8[%min3A_284], %min3A_242 masked %lt3A_35 : memref<12000xf32, #tpu.memory_space<vmem>>[vector<16xi32>], vector<16xf32>, vector<16xi1>
      %add3A_285 = arith.constant 10 : i32
      %add3A_286 = vector.broadcast %add3A_285 : i32 to vector<16xi32>
      %add3A_287 = arith.addi %mul3A_54, %add3A_286 : vector<16xi32>
      %jit3A_288 = arith.constant 0 : i32
      %jit3A_289 = arith.constant 11999 : i32
      %max3A_290 = vector.broadcast %jit3A_288 : i32 to vector<16xi32>
      %max3A_291 = arith.maxsi %max3A_290, %add3A_287 : vector<16xi32>
      %min3A_292 = vector.broadcast %jit3A_289 : i32 to vector<16xi32>
      %min3A_293 = arith.minsi %min3A_292, %max3A_291 : vector<16xi32>
      tpu.vector_store_idx %arg8[%min3A_293], %min3A_254 masked %lt3A_35 : memref<12000xf32, #tpu.memory_space<vmem>>[vector<16xi32>], vector<16xf32>, vector<16xi1>
      %add3A_294 = arith.constant 11 : i32
      %add3A_295 = vector.broadcast %add3A_294 : i32 to vector<16xi32>
      %add3A_296 = arith.addi %mul3A_54, %add3A_295 : vector<16xi32>
      %jit3A_297 = arith.constant 0 : i32
      %jit3A_298 = arith.constant 11999 : i32
      %max3A_299 = vector.broadcast %jit3A_297 : i32 to vector<16xi32>
      %max3A_300 = arith.maxsi %max3A_299, %add3A_296 : vector<16xi32>
      %min3A_301 = vector.broadcast %jit3A_298 : i32 to vector<16xi32>
      %min3A_302 = arith.minsi %min3A_301, %max3A_300 : vector<16xi32>
      tpu.vector_store_idx %arg8[%min3A_302], %min3A_266 masked %lt3A_35 : memref<12000xf32, #tpu.memory_space<vmem>>[vector<16xi32>], vector<16xf32>, vector<16xi1>
      %scan3A_303 = arith.constant 63 : i32
      %mul3A_304 = arith.constant 12000 : i32
      %mul3A_305 = arith.muli %add3A, %mul3A_304 : i32
      "tpu.region"() ({
        %run_scoped3A = tpu.sem_alloc : memref<!tpu.dma_semaphore, #tpu.memory_space<semaphore_mem>>
        %dma_start3A = tpu.memref_slice %arg4[%mul3A_305] : memref<192000xf32, #tpu.memory_space<hbm>> -> memref<12000xf32, #tpu.memory_space<hbm>>
        %dma_start3A_306 = tpu.memref_slice %arg4[%mul3A_305] : memref<192000xf32, #tpu.memory_space<hbm>> -> memref<12000xf32, #tpu.memory_space<hbm>>
        tpu.enqueue_dma source(%arg8 : memref<12000xf32, #tpu.memory_space<vmem>>) target(%dma_start3A_306 : memref<12000xf32, #tpu.memory_space<hbm>>) target_semaphore(%run_scoped3A : memref<!tpu.dma_semaphore, #tpu.memory_space<semaphore_mem>>)
        %dma_wait3A = tpu.memref_slice %arg4[%mul3A_305] : memref<192000xf32, #tpu.memory_space<hbm>> -> memref<12000xf32, #tpu.memory_space<hbm>>
        %dma_wait3A_307 = tpu.memref_slice %arg4[%mul3A_305] : memref<192000xf32, #tpu.memory_space<hbm>> -> memref<12000xf32, #tpu.memory_space<hbm>>
        tpu.wait_dma2 semaphore(%run_scoped3A : memref<!tpu.dma_semaphore, #tpu.memory_space<semaphore_mem>>) src(%arg8 : memref<12000xf32, #tpu.memory_space<vmem>>) dst(%dma_wait3A_307 : memref<12000xf32, #tpu.memory_space<hbm>>)
        tpu.yield
      }) : () -> ()
    } else {
    }
    return
  }
}

module attributes {stable_mosaic.version = 14 : i64} {
  func.func @_tc_body(%arg0: i32, %arg1: memref<1x192x128x128xf32, #tpu.memory_space<vmem>>, %arg2: memref<16x128x128xf32, #tpu.memory_space<vmem>>, %arg3: memref<16x16xf32, #tpu.memory_space<vmem>>, %arg4: memref<192x128xf32, #tpu.memory_space<vmem>>, %arg5: memref<192x128xf32, #tpu.memory_space<vmem>>) attributes {dimension_semantics = [#tpu.dimension_semantics<arbitrary>], iteration_bounds = array<i64: 16>, scalar_prefetch = 0 : i64, scratch_operands = 2 : i64, tpu.core_type = #tpu.core_type<tc>, window_params = [{transform_indices = @transform_0, window_bounds = array<i64: 1, 192, 128, 128>}, {pipeline_mode = #tpu.pipeline_mode<synchronous>, transform_indices = @transform_1, window_bounds = array<i64: 16, 128, 128>}, {pipeline_mode = #tpu.pipeline_mode<synchronous>, transform_indices = @transform_2, window_bounds = array<i64: 16, 16>}]} {
    %scan3A = arith.constant 0 : i32
    %scan3A_0 = arith.constant 192 : i32
    %scan3A_1 = arith.addi %scan3A, %scan3A_0 : i32
    %scan3A_2 = arith.constant 16 : i32
    scf.for %scan3A_46 = %scan3A to %scan3A_1 step %scan3A_2  : i32 {
      %get3A_47 = arith.constant 0 : index
      %get3A_48 = arith.index_cast %scan3A_46 : i32 to index
      %get3A_49 = arith.constant 0 : index
      %get3A_50 = arith.constant 0 : index
      %get3A_51 = vector.load %arg1[%get3A_47, %get3A_48, %get3A_49, %get3A_50] : memref<1x192x128x128xf32, #tpu.memory_space<vmem>>, vector<1x1x128x128xf32>
      %get3A_52 = vector.shape_cast %get3A_51 : vector<1x1x128x128xf32> to vector<128x128xf32>
      %reduce_sum3A_53 = arith.constant dense<0.000000e+00> : vector<128xf32>
      %reduce_sum3A_54 = vector.multi_reduction <add>, %get3A_52, %reduce_sum3A_53 [0] : vector<128x128xf32> to vector<128xf32>
      %swap3A_55 = arith.index_cast %scan3A_46 : i32 to index
      %swap3A_56 = arith.constant 0 : index
      %swap3A_57 = vector.load %arg4[%swap3A_55, %swap3A_56] : memref<192x128xf32, #tpu.memory_space<vmem>>, vector<1x128xf32>
      %swap3A_58 = vector.shape_cast %swap3A_57 : vector<1x128xf32> to vector<128xf32>
      %swap3A_59 = vector.shape_cast %reduce_sum3A_54 : vector<128xf32> to vector<1x128xf32>
      tpu.vector_store %arg4[%swap3A_55, %swap3A_56], %swap3A_59 {strides = array<i32>} : memref<192x128xf32, #tpu.memory_space<vmem>>, vector<1x128xf32>,
      %scan3A_60 = arith.constant 1 : i32
      %scan3A_61 = arith.addi %scan3A_46, %scan3A_60 : i32
      %get3A_62 = arith.constant 0 : index
      %get3A_63 = arith.index_cast %scan3A_61 : i32 to index
      %get3A_64 = arith.constant 0 : index
      %get3A_65 = arith.constant 0 : index
      %get3A_66 = vector.load %arg1[%get3A_62, %get3A_63, %get3A_64, %get3A_65] : memref<1x192x128x128xf32, #tpu.memory_space<vmem>>, vector<1x1x128x128xf32>
      %get3A_67 = vector.shape_cast %get3A_66 : vector<1x1x128x128xf32> to vector<128x128xf32>
      %reduce_sum3A_68 = arith.constant dense<0.000000e+00> : vector<128xf32>
      %reduce_sum3A_69 = vector.multi_reduction <add>, %get3A_67, %reduce_sum3A_68 [0] : vector<128x128xf32> to vector<128xf32>
      %swap3A_70 = arith.index_cast %scan3A_61 : i32 to index
      %swap3A_71 = arith.constant 0 : index
      %swap3A_72 = vector.load %arg4[%swap3A_70, %swap3A_71] : memref<192x128xf32, #tpu.memory_space<vmem>>, vector<1x128xf32>
      %swap3A_73 = vector.shape_cast %swap3A_72 : vector<1x128xf32> to vector<128xf32>
      %swap3A_74 = vector.shape_cast %reduce_sum3A_69 : vector<128xf32> to vector<1x128xf32>
      tpu.vector_store %arg4[%swap3A_70, %swap3A_71], %swap3A_74 {strides = array<i32>} : memref<192x128xf32, #tpu.memory_space<vmem>>, vector<1x128xf32>,
      %scan3A_75 = arith.constant 2 : i32
      %scan3A_76 = arith.addi %scan3A_46, %scan3A_75 : i32
      %get3A_77 = arith.constant 0 : index
      %get3A_78 = arith.index_cast %scan3A_76 : i32 to index
      %get3A_79 = arith.constant 0 : index
      %get3A_80 = arith.constant 0 : index
      %get3A_81 = vector.load %arg1[%get3A_77, %get3A_78, %get3A_79, %get3A_80] : memref<1x192x128x128xf32, #tpu.memory_space<vmem>>, vector<1x1x128x128xf32>
      %get3A_82 = vector.shape_cast %get3A_81 : vector<1x1x128x128xf32> to vector<128x128xf32>
      %reduce_sum3A_83 = arith.constant dense<0.000000e+00> : vector<128xf32>
      %reduce_sum3A_84 = vector.multi_reduction <add>, %get3A_82, %reduce_sum3A_83 [0] : vector<128x128xf32> to vector<128xf32>
      %swap3A_85 = arith.index_cast %scan3A_76 : i32 to index
      %swap3A_86 = arith.constant 0 : index
      %swap3A_87 = vector.load %arg4[%swap3A_85, %swap3A_86] : memref<192x128xf32, #tpu.memory_space<vmem>>, vector<1x128xf32>
      %swap3A_88 = vector.shape_cast %swap3A_87 : vector<1x128xf32> to vector<128xf32>
      %swap3A_89 = vector.shape_cast %reduce_sum3A_84 : vector<128xf32> to vector<1x128xf32>
      tpu.vector_store %arg4[%swap3A_85, %swap3A_86], %swap3A_89 {strides = array<i32>} : memref<192x128xf32, #tpu.memory_space<vmem>>, vector<1x128xf32>,
      %scan3A_90 = arith.constant 3 : i32
      %scan3A_91 = arith.addi %scan3A_46, %scan3A_90 : i32
      %get3A_92 = arith.constant 0 : index
      %get3A_93 = arith.index_cast %scan3A_91 : i32 to index
      %get3A_94 = arith.constant 0 : index
      %get3A_95 = arith.constant 0 : index
      %get3A_96 = vector.load %arg1[%get3A_92, %get3A_93, %get3A_94, %get3A_95] : memref<1x192x128x128xf32, #tpu.memory_space<vmem>>, vector<1x1x128x128xf32>
      %get3A_97 = vector.shape_cast %get3A_96 : vector<1x1x128x128xf32> to vector<128x128xf32>
      %reduce_sum3A_98 = arith.constant dense<0.000000e+00> : vector<128xf32>
      %reduce_sum3A_99 = vector.multi_reduction <add>, %get3A_97, %reduce_sum3A_98 [0] : vector<128x128xf32> to vector<128xf32>
      %swap3A_100 = arith.index_cast %scan3A_91 : i32 to index
      %swap3A_101 = arith.constant 0 : index
      %swap3A_102 = vector.load %arg4[%swap3A_100, %swap3A_101] : memref<192x128xf32, #tpu.memory_space<vmem>>, vector<1x128xf32>
      %swap3A_103 = vector.shape_cast %swap3A_102 : vector<1x128xf32> to vector<128xf32>
      %swap3A_104 = vector.shape_cast %reduce_sum3A_99 : vector<128xf32> to vector<1x128xf32>
      tpu.vector_store %arg4[%swap3A_100, %swap3A_101], %swap3A_104 {strides = array<i32>} : memref<192x128xf32, #tpu.memory_space<vmem>>, vector<1x128xf32>,
      %scan3A_105 = arith.constant 4 : i32
      %scan3A_106 = arith.addi %scan3A_46, %scan3A_105 : i32
      %get3A_107 = arith.constant 0 : index
      %get3A_108 = arith.index_cast %scan3A_106 : i32 to index
      %get3A_109 = arith.constant 0 : index
      %get3A_110 = arith.constant 0 : index
      %get3A_111 = vector.load %arg1[%get3A_107, %get3A_108, %get3A_109, %get3A_110] : memref<1x192x128x128xf32, #tpu.memory_space<vmem>>, vector<1x1x128x128xf32>
      %get3A_112 = vector.shape_cast %get3A_111 : vector<1x1x128x128xf32> to vector<128x128xf32>
      %reduce_sum3A_113 = arith.constant dense<0.000000e+00> : vector<128xf32>
      %reduce_sum3A_114 = vector.multi_reduction <add>, %get3A_112, %reduce_sum3A_113 [0] : vector<128x128xf32> to vector<128xf32>
      %swap3A_115 = arith.index_cast %scan3A_106 : i32 to index
      %swap3A_116 = arith.constant 0 : index
      %swap3A_117 = vector.load %arg4[%swap3A_115, %swap3A_116] : memref<192x128xf32, #tpu.memory_space<vmem>>, vector<1x128xf32>
      %swap3A_118 = vector.shape_cast %swap3A_117 : vector<1x128xf32> to vector<128xf32>
      %swap3A_119 = vector.shape_cast %reduce_sum3A_114 : vector<128xf32> to vector<1x128xf32>
      tpu.vector_store %arg4[%swap3A_115, %swap3A_116], %swap3A_119 {strides = array<i32>} : memref<192x128xf32, #tpu.memory_space<vmem>>, vector<1x128xf32>,
      %scan3A_120 = arith.constant 5 : i32
      %scan3A_121 = arith.addi %scan3A_46, %scan3A_120 : i32
      %get3A_122 = arith.constant 0 : index
      %get3A_123 = arith.index_cast %scan3A_121 : i32 to index
      %get3A_124 = arith.constant 0 : index
      %get3A_125 = arith.constant 0 : index
      %get3A_126 = vector.load %arg1[%get3A_122, %get3A_123, %get3A_124, %get3A_125] : memref<1x192x128x128xf32, #tpu.memory_space<vmem>>, vector<1x1x128x128xf32>
      %get3A_127 = vector.shape_cast %get3A_126 : vector<1x1x128x128xf32> to vector<128x128xf32>
      %reduce_sum3A_128 = arith.constant dense<0.000000e+00> : vector<128xf32>
      %reduce_sum3A_129 = vector.multi_reduction <add>, %get3A_127, %reduce_sum3A_128 [0] : vector<128x128xf32> to vector<128xf32>
      %swap3A_130 = arith.index_cast %scan3A_121 : i32 to index
      %swap3A_131 = arith.constant 0 : index
      %swap3A_132 = vector.load %arg4[%swap3A_130, %swap3A_131] : memref<192x128xf32, #tpu.memory_space<vmem>>, vector<1x128xf32>
      %swap3A_133 = vector.shape_cast %swap3A_132 : vector<1x128xf32> to vector<128xf32>
      %swap3A_134 = vector.shape_cast %reduce_sum3A_129 : vector<128xf32> to vector<1x128xf32>
      tpu.vector_store %arg4[%swap3A_130, %swap3A_131], %swap3A_134 {strides = array<i32>} : memref<192x128xf32, #tpu.memory_space<vmem>>, vector<1x128xf32>,
      %scan3A_135 = arith.constant 6 : i32
      %scan3A_136 = arith.addi %scan3A_46, %scan3A_135 : i32
      %get3A_137 = arith.constant 0 : index
      %get3A_138 = arith.index_cast %scan3A_136 : i32 to index
      %get3A_139 = arith.constant 0 : index
      %get3A_140 = arith.constant 0 : index
      %get3A_141 = vector.load %arg1[%get3A_137, %get3A_138, %get3A_139, %get3A_140] : memref<1x192x128x128xf32, #tpu.memory_space<vmem>>, vector<1x1x128x128xf32>
      %get3A_142 = vector.shape_cast %get3A_141 : vector<1x1x128x128xf32> to vector<128x128xf32>
      %reduce_sum3A_143 = arith.constant dense<0.000000e+00> : vector<128xf32>
      %reduce_sum3A_144 = vector.multi_reduction <add>, %get3A_142, %reduce_sum3A_143 [0] : vector<128x128xf32> to vector<128xf32>
      %swap3A_145 = arith.index_cast %scan3A_136 : i32 to index
      %swap3A_146 = arith.constant 0 : index
      %swap3A_147 = vector.load %arg4[%swap3A_145, %swap3A_146] : memref<192x128xf32, #tpu.memory_space<vmem>>, vector<1x128xf32>
      %swap3A_148 = vector.shape_cast %swap3A_147 : vector<1x128xf32> to vector<128xf32>
      %swap3A_149 = vector.shape_cast %reduce_sum3A_144 : vector<128xf32> to vector<1x128xf32>
      tpu.vector_store %arg4[%swap3A_145, %swap3A_146], %swap3A_149 {strides = array<i32>} : memref<192x128xf32, #tpu.memory_space<vmem>>, vector<1x128xf32>,
      %scan3A_150 = arith.constant 7 : i32
      %scan3A_151 = arith.addi %scan3A_46, %scan3A_150 : i32
      %get3A_152 = arith.constant 0 : index
      %get3A_153 = arith.index_cast %scan3A_151 : i32 to index
      %get3A_154 = arith.constant 0 : index
      %get3A_155 = arith.constant 0 : index
      %get3A_156 = vector.load %arg1[%get3A_152, %get3A_153, %get3A_154, %get3A_155] : memref<1x192x128x128xf32, #tpu.memory_space<vmem>>, vector<1x1x128x128xf32>
      %get3A_157 = vector.shape_cast %get3A_156 : vector<1x1x128x128xf32> to vector<128x128xf32>
      %reduce_sum3A_158 = arith.constant dense<0.000000e+00> : vector<128xf32>
      %reduce_sum3A_159 = vector.multi_reduction <add>, %get3A_157, %reduce_sum3A_158 [0] : vector<128x128xf32> to vector<128xf32>
      %swap3A_160 = arith.index_cast %scan3A_151 : i32 to index
      %swap3A_161 = arith.constant 0 : index
      %swap3A_162 = vector.load %arg4[%swap3A_160, %swap3A_161] : memref<192x128xf32, #tpu.memory_space<vmem>>, vector<1x128xf32>
      %swap3A_163 = vector.shape_cast %swap3A_162 : vector<1x128xf32> to vector<128xf32>
      %swap3A_164 = vector.shape_cast %reduce_sum3A_159 : vector<128xf32> to vector<1x128xf32>
      tpu.vector_store %arg4[%swap3A_160, %swap3A_161], %swap3A_164 {strides = array<i32>} : memref<192x128xf32, #tpu.memory_space<vmem>>, vector<1x128xf32>,
      %scan3A_165 = arith.constant 8 : i32
      %scan3A_166 = arith.addi %scan3A_46, %scan3A_165 : i32
      %get3A_167 = arith.constant 0 : index
      %get3A_168 = arith.index_cast %scan3A_166 : i32 to index
      %get3A_169 = arith.constant 0 : index
      %get3A_170 = arith.constant 0 : index
      %get3A_171 = vector.load %arg1[%get3A_167, %get3A_168, %get3A_169, %get3A_170] : memref<1x192x128x128xf32, #tpu.memory_space<vmem>>, vector<1x1x128x128xf32>
      %get3A_172 = vector.shape_cast %get3A_171 : vector<1x1x128x128xf32> to vector<128x128xf32>
      %reduce_sum3A_173 = arith.constant dense<0.000000e+00> : vector<128xf32>
      %reduce_sum3A_174 = vector.multi_reduction <add>, %get3A_172, %reduce_sum3A_173 [0] : vector<128x128xf32> to vector<128xf32>
      %swap3A_175 = arith.index_cast %scan3A_166 : i32 to index
      %swap3A_176 = arith.constant 0 : index
      %swap3A_177 = vector.load %arg4[%swap3A_175, %swap3A_176] : memref<192x128xf32, #tpu.memory_space<vmem>>, vector<1x128xf32>
      %swap3A_178 = vector.shape_cast %swap3A_177 : vector<1x128xf32> to vector<128xf32>
      %swap3A_179 = vector.shape_cast %reduce_sum3A_174 : vector<128xf32> to vector<1x128xf32>
      tpu.vector_store %arg4[%swap3A_175, %swap3A_176], %swap3A_179 {strides = array<i32>} : memref<192x128xf32, #tpu.memory_space<vmem>>, vector<1x128xf32>,
      %scan3A_180 = arith.constant 9 : i32
      %scan3A_181 = arith.addi %scan3A_46, %scan3A_180 : i32
      %get3A_182 = arith.constant 0 : index
      %get3A_183 = arith.index_cast %scan3A_181 : i32 to index
      %get3A_184 = arith.constant 0 : index
      %get3A_185 = arith.constant 0 : index
      %get3A_186 = vector.load %arg1[%get3A_182, %get3A_183, %get3A_184, %get3A_185] : memref<1x192x128x128xf32, #tpu.memory_space<vmem>>, vector<1x1x128x128xf32>
      %get3A_187 = vector.shape_cast %get3A_186 : vector<1x1x128x128xf32> to vector<128x128xf32>
      %reduce_sum3A_188 = arith.constant dense<0.000000e+00> : vector<128xf32>
      %reduce_sum3A_189 = vector.multi_reduction <add>, %get3A_187, %reduce_sum3A_188 [0] : vector<128x128xf32> to vector<128xf32>
      %swap3A_190 = arith.index_cast %scan3A_181 : i32 to index
      %swap3A_191 = arith.constant 0 : index
      %swap3A_192 = vector.load %arg4[%swap3A_190, %swap3A_191] : memref<192x128xf32, #tpu.memory_space<vmem>>, vector<1x128xf32>
      %swap3A_193 = vector.shape_cast %swap3A_192 : vector<1x128xf32> to vector<128xf32>
      %swap3A_194 = vector.shape_cast %reduce_sum3A_189 : vector<128xf32> to vector<1x128xf32>
      tpu.vector_store %arg4[%swap3A_190, %swap3A_191], %swap3A_194 {strides = array<i32>} : memref<192x128xf32, #tpu.memory_space<vmem>>, vector<1x128xf32>,
      %scan3A_195 = arith.constant 10 : i32
      %scan3A_196 = arith.addi %scan3A_46, %scan3A_195 : i32
      %get3A_197 = arith.constant 0 : index
      %get3A_198 = arith.index_cast %scan3A_196 : i32 to index
      %get3A_199 = arith.constant 0 : index
      %get3A_200 = arith.constant 0 : index
      %get3A_201 = vector.load %arg1[%get3A_197, %get3A_198, %get3A_199, %get3A_200] : memref<1x192x128x128xf32, #tpu.memory_space<vmem>>, vector<1x1x128x128xf32>
      %get3A_202 = vector.shape_cast %get3A_201 : vector<1x1x128x128xf32> to vector<128x128xf32>
      %reduce_sum3A_203 = arith.constant dense<0.000000e+00> : vector<128xf32>
      %reduce_sum3A_204 = vector.multi_reduction <add>, %get3A_202, %reduce_sum3A_203 [0] : vector<128x128xf32> to vector<128xf32>
      %swap3A_205 = arith.index_cast %scan3A_196 : i32 to index
      %swap3A_206 = arith.constant 0 : index
      %swap3A_207 = vector.load %arg4[%swap3A_205, %swap3A_206] : memref<192x128xf32, #tpu.memory_space<vmem>>, vector<1x128xf32>
      %swap3A_208 = vector.shape_cast %swap3A_207 : vector<1x128xf32> to vector<128xf32>
      %swap3A_209 = vector.shape_cast %reduce_sum3A_204 : vector<128xf32> to vector<1x128xf32>
      tpu.vector_store %arg4[%swap3A_205, %swap3A_206], %swap3A_209 {strides = array<i32>} : memref<192x128xf32, #tpu.memory_space<vmem>>, vector<1x128xf32>,
      %scan3A_210 = arith.constant 11 : i32
      %scan3A_211 = arith.addi %scan3A_46, %scan3A_210 : i32
      %get3A_212 = arith.constant 0 : index
      %get3A_213 = arith.index_cast %scan3A_211 : i32 to index
      %get3A_214 = arith.constant 0 : index
      %get3A_215 = arith.constant 0 : index
      %get3A_216 = vector.load %arg1[%get3A_212, %get3A_213, %get3A_214, %get3A_215] : memref<1x192x128x128xf32, #tpu.memory_space<vmem>>, vector<1x1x128x128xf32>
      %get3A_217 = vector.shape_cast %get3A_216 : vector<1x1x128x128xf32> to vector<128x128xf32>
      %reduce_sum3A_218 = arith.constant dense<0.000000e+00> : vector<128xf32>
      %reduce_sum3A_219 = vector.multi_reduction <add>, %get3A_217, %reduce_sum3A_218 [0] : vector<128x128xf32> to vector<128xf32>
      %swap3A_220 = arith.index_cast %scan3A_211 : i32 to index
      %swap3A_221 = arith.constant 0 : index
      %swap3A_222 = vector.load %arg4[%swap3A_220, %swap3A_221] : memref<192x128xf32, #tpu.memory_space<vmem>>, vector<1x128xf32>
      %swap3A_223 = vector.shape_cast %swap3A_222 : vector<1x128xf32> to vector<128xf32>
      %swap3A_224 = vector.shape_cast %reduce_sum3A_219 : vector<128xf32> to vector<1x128xf32>
      tpu.vector_store %arg4[%swap3A_220, %swap3A_221], %swap3A_224 {strides = array<i32>} : memref<192x128xf32, #tpu.memory_space<vmem>>, vector<1x128xf32>,
      %scan3A_225 = arith.constant 12 : i32
      %scan3A_226 = arith.addi %scan3A_46, %scan3A_225 : i32
      %get3A_227 = arith.constant 0 : index
      %get3A_228 = arith.index_cast %scan3A_226 : i32 to index
      %get3A_229 = arith.constant 0 : index
      %get3A_230 = arith.constant 0 : index
      %get3A_231 = vector.load %arg1[%get3A_227, %get3A_228, %get3A_229, %get3A_230] : memref<1x192x128x128xf32, #tpu.memory_space<vmem>>, vector<1x1x128x128xf32>
      %get3A_232 = vector.shape_cast %get3A_231 : vector<1x1x128x128xf32> to vector<128x128xf32>
      %reduce_sum3A_233 = arith.constant dense<0.000000e+00> : vector<128xf32>
      %reduce_sum3A_234 = vector.multi_reduction <add>, %get3A_232, %reduce_sum3A_233 [0] : vector<128x128xf32> to vector<128xf32>
      %swap3A_235 = arith.index_cast %scan3A_226 : i32 to index
      %swap3A_236 = arith.constant 0 : index
      %swap3A_237 = vector.load %arg4[%swap3A_235, %swap3A_236] : memref<192x128xf32, #tpu.memory_space<vmem>>, vector<1x128xf32>
      %swap3A_238 = vector.shape_cast %swap3A_237 : vector<1x128xf32> to vector<128xf32>
      %swap3A_239 = vector.shape_cast %reduce_sum3A_234 : vector<128xf32> to vector<1x128xf32>
      tpu.vector_store %arg4[%swap3A_235, %swap3A_236], %swap3A_239 {strides = array<i32>} : memref<192x128xf32, #tpu.memory_space<vmem>>, vector<1x128xf32>,
      %scan3A_240 = arith.constant 13 : i32
      %scan3A_241 = arith.addi %scan3A_46, %scan3A_240 : i32
      %get3A_242 = arith.constant 0 : index
      %get3A_243 = arith.index_cast %scan3A_241 : i32 to index
      %get3A_244 = arith.constant 0 : index
      %get3A_245 = arith.constant 0 : index
      %get3A_246 = vector.load %arg1[%get3A_242, %get3A_243, %get3A_244, %get3A_245] : memref<1x192x128x128xf32, #tpu.memory_space<vmem>>, vector<1x1x128x128xf32>
      %get3A_247 = vector.shape_cast %get3A_246 : vector<1x1x128x128xf32> to vector<128x128xf32>
      %reduce_sum3A_248 = arith.constant dense<0.000000e+00> : vector<128xf32>
      %reduce_sum3A_249 = vector.multi_reduction <add>, %get3A_247, %reduce_sum3A_248 [0] : vector<128x128xf32> to vector<128xf32>
      %swap3A_250 = arith.index_cast %scan3A_241 : i32 to index
      %swap3A_251 = arith.constant 0 : index
      %swap3A_252 = vector.load %arg4[%swap3A_250, %swap3A_251] : memref<192x128xf32, #tpu.memory_space<vmem>>, vector<1x128xf32>
      %swap3A_253 = vector.shape_cast %swap3A_252 : vector<1x128xf32> to vector<128xf32>
      %swap3A_254 = vector.shape_cast %reduce_sum3A_249 : vector<128xf32> to vector<1x128xf32>
      tpu.vector_store %arg4[%swap3A_250, %swap3A_251], %swap3A_254 {strides = array<i32>} : memref<192x128xf32, #tpu.memory_space<vmem>>, vector<1x128xf32>,
      %scan3A_255 = arith.constant 14 : i32
      %scan3A_256 = arith.addi %scan3A_46, %scan3A_255 : i32
      %get3A_257 = arith.constant 0 : index
      %get3A_258 = arith.index_cast %scan3A_256 : i32 to index
      %get3A_259 = arith.constant 0 : index
      %get3A_260 = arith.constant 0 : index
      %get3A_261 = vector.load %arg1[%get3A_257, %get3A_258, %get3A_259, %get3A_260] : memref<1x192x128x128xf32, #tpu.memory_space<vmem>>, vector<1x1x128x128xf32>
      %get3A_262 = vector.shape_cast %get3A_261 : vector<1x1x128x128xf32> to vector<128x128xf32>
      %reduce_sum3A_263 = arith.constant dense<0.000000e+00> : vector<128xf32>
      %reduce_sum3A_264 = vector.multi_reduction <add>, %get3A_262, %reduce_sum3A_263 [0] : vector<128x128xf32> to vector<128xf32>
      %swap3A_265 = arith.index_cast %scan3A_256 : i32 to index
      %swap3A_266 = arith.constant 0 : index
      %swap3A_267 = vector.load %arg4[%swap3A_265, %swap3A_266] : memref<192x128xf32, #tpu.memory_space<vmem>>, vector<1x128xf32>
      %swap3A_268 = vector.shape_cast %swap3A_267 : vector<1x128xf32> to vector<128xf32>
      %swap3A_269 = vector.shape_cast %reduce_sum3A_264 : vector<128xf32> to vector<1x128xf32>
      tpu.vector_store %arg4[%swap3A_265, %swap3A_266], %swap3A_269 {strides = array<i32>} : memref<192x128xf32, #tpu.memory_space<vmem>>, vector<1x128xf32>,
      %scan3A_270 = arith.constant 15 : i32
      %scan3A_271 = arith.addi %scan3A_46, %scan3A_270 : i32
      %get3A_272 = arith.constant 0 : index
      %get3A_273 = arith.index_cast %scan3A_271 : i32 to index
      %get3A_274 = arith.constant 0 : index
      %get3A_275 = arith.constant 0 : index
      %get3A_276 = vector.load %arg1[%get3A_272, %get3A_273, %get3A_274, %get3A_275] : memref<1x192x128x128xf32, #tpu.memory_space<vmem>>, vector<1x1x128x128xf32>
      %get3A_277 = vector.shape_cast %get3A_276 : vector<1x1x128x128xf32> to vector<128x128xf32>
      %reduce_sum3A_278 = arith.constant dense<0.000000e+00> : vector<128xf32>
      %reduce_sum3A_279 = vector.multi_reduction <add>, %get3A_277, %reduce_sum3A_278 [0] : vector<128x128xf32> to vector<128xf32>
      %swap3A_280 = arith.index_cast %scan3A_271 : i32 to index
      %swap3A_281 = arith.constant 0 : index
      %swap3A_282 = vector.load %arg4[%swap3A_280, %swap3A_281] : memref<192x128xf32, #tpu.memory_space<vmem>>, vector<1x128xf32>
      %swap3A_283 = vector.shape_cast %swap3A_282 : vector<1x128xf32> to vector<128xf32>
      %swap3A_284 = vector.shape_cast %reduce_sum3A_279 : vector<128xf32> to vector<1x128xf32>
      tpu.vector_store %arg4[%swap3A_280, %swap3A_281], %swap3A_284 {strides = array<i32>} : memref<192x128xf32, #tpu.memory_space<vmem>>, vector<1x128xf32>,
    }
    %scan3A_3 = arith.constant 192 : i32
    %get3A = arith.constant 0 : index
    %get3A_4 = arith.constant 0 : index
    %get3A_5 = vector.load %arg4[%get3A, %get3A_4] : memref<192x128xf32, #tpu.memory_space<vmem>>, vector<192x128xf32>
    %reduce_sum3A = arith.constant dense<0.000000e+00> : vector<192xf32>
    %reduce_sum3A_6 = vector.multi_reduction <add>, %get3A_5, %reduce_sum3A [1] : vector<192x128xf32> to vector<192xf32>
    %mul3A = arith.constant 6.10351563E-5 : f32
    %mul3A_7 = vector.broadcast %mul3A : f32 to vector<192xf32>
    %mul3A_8 = arith.mulf %reduce_sum3A_6, %mul3A_7 : vector<192xf32>
    %broadcast_in_dim3A = vector.shape_cast %mul3A_8 : vector<192xf32> to vector<192x1xf32>
    %broadcast_in_dim3A_9 = vector.shape_cast %broadcast_in_dim3A : vector<192x1xf32> to vector<192x1xf32>
    %broadcast_in_dim3A_10 = vector.broadcast %broadcast_in_dim3A_9 : vector<192x1xf32> to vector<192x128xf32>
    %swap3A = arith.constant 0 : index
    %swap3A_11 = arith.constant 0 : index
    %swap3A_12 = vector.load %arg5[%swap3A, %swap3A_11] : memref<192x128xf32, #tpu.memory_space<vmem>>, vector<192x128xf32>
    tpu.vector_store %arg5[%swap3A, %swap3A_11], %broadcast_in_dim3A_10 {strides = array<i32>} : memref<192x128xf32, #tpu.memory_space<vmem>>, vector<192x128xf32>,
    %broadcast_in_dim3A_13 = arith.constant 0.000000e+00 : f32
    %broadcast_in_dim3A_14 = vector.broadcast %broadcast_in_dim3A_13 : f32 to vector<128x128xf32>
    %scan3A_15 = arith.constant 0 : i32
    %scan3A_16 = arith.constant 64 : i32
    %scan3A_17 = arith.addi %scan3A_15, %scan3A_16 : i32
    %scan3A_18 = arith.constant 16 : i32
    %scan3A_19 = scf.for %scan3A_46 = %scan3A_15 to %scan3A_17 step %scan3A_18 iter_args(%scan3A_47 = %broadcast_in_dim3A_14) -> (vector<128x128xf32>)  : i32 {
      %add3A_48 = arith.constant 0 : i32
      %add3A_49 = arith.addi %add3A_48, %scan3A_46 : i32
      %get3A_50 = arith.constant 0 : index
      %get3A_51 = arith.index_cast %add3A_49 : i32 to index
      %get3A_52 = arith.constant 0 : index
      %get3A_53 = arith.constant 0 : index
      %get3A_54 = vector.load %arg1[%get3A_50, %get3A_51, %get3A_52, %get3A_53] : memref<1x192x128x128xf32, #tpu.memory_space<vmem>>, vector<1x1x128x128xf32>
      %get3A_55 = vector.shape_cast %get3A_54 : vector<1x1x128x128xf32> to vector<128x128xf32>
      %get3A_56 = arith.index_cast %add3A_49 : i32 to index
      %get3A_57 = arith.constant 0 : index
      %get3A_58 = vector.load %arg5[%get3A_56, %get3A_57] : memref<192x128xf32, #tpu.memory_space<vmem>>, vector<1x128xf32>
      %get3A_59 = vector.shape_cast %get3A_58 : vector<1x128xf32> to vector<128xf32>
      %broadcast_in_dim3A_60 = vector.shape_cast %get3A_59 : vector<128xf32> to vector<1x128xf32>
      %sub3A = vector.broadcast %broadcast_in_dim3A_60 : vector<1x128xf32> to vector<128x128xf32>
      %sub3A_61 = arith.subf %get3A_55, %sub3A : vector<128x128xf32>
      %abs3A = math.absf %sub3A_61 : vector<128x128xf32>
      %add3A_62 = arith.addf %scan3A_47, %abs3A : vector<128x128xf32>
      %scan3A_63 = arith.constant 1 : i32
      %scan3A_64 = arith.addi %scan3A_46, %scan3A_63 : i32
      %add3A_65 = arith.constant 0 : i32
      %add3A_66 = arith.addi %add3A_65, %scan3A_64 : i32
      %get3A_67 = arith.constant 0 : index
      %get3A_68 = arith.index_cast %add3A_66 : i32 to index
      %get3A_69 = arith.constant 0 : index
      %get3A_70 = arith.constant 0 : index
      %get3A_71 = vector.load %arg1[%get3A_67, %get3A_68, %get3A_69, %get3A_70] : memref<1x192x128x128xf32, #tpu.memory_space<vmem>>, vector<1x1x128x128xf32>
      %get3A_72 = vector.shape_cast %get3A_71 : vector<1x1x128x128xf32> to vector<128x128xf32>
      %get3A_73 = arith.index_cast %add3A_66 : i32 to index
      %get3A_74 = arith.constant 0 : index
      %get3A_75 = vector.load %arg5[%get3A_73, %get3A_74] : memref<192x128xf32, #tpu.memory_space<vmem>>, vector<1x128xf32>
      %get3A_76 = vector.shape_cast %get3A_75 : vector<1x128xf32> to vector<128xf32>
      %broadcast_in_dim3A_77 = vector.shape_cast %get3A_76 : vector<128xf32> to vector<1x128xf32>
      %sub3A_78 = vector.broadcast %broadcast_in_dim3A_77 : vector<1x128xf32> to vector<128x128xf32>
      %sub3A_79 = arith.subf %get3A_72, %sub3A_78 : vector<128x128xf32>
      %abs3A_80 = math.absf %sub3A_79 : vector<128x128xf32>
      %add3A_81 = arith.addf %add3A_62, %abs3A_80 : vector<128x128xf32>
      %scan3A_82 = arith.constant 2 : i32
      %scan3A_83 = arith.addi %scan3A_46, %scan3A_82 : i32
      %add3A_84 = arith.constant 0 : i32
      %add3A_85 = arith.addi %add3A_84, %scan3A_83 : i32
      %get3A_86 = arith.constant 0 : index
      %get3A_87 = arith.index_cast %add3A_85 : i32 to index
      %get3A_88 = arith.constant 0 : index
      %get3A_89 = arith.constant 0 : index
      %get3A_90 = vector.load %arg1[%get3A_86, %get3A_87, %get3A_88, %get3A_89] : memref<1x192x128x128xf32, #tpu.memory_space<vmem>>, vector<1x1x128x128xf32>
      %get3A_91 = vector.shape_cast %get3A_90 : vector<1x1x128x128xf32> to vector<128x128xf32>
      %get3A_92 = arith.index_cast %add3A_85 : i32 to index
      %get3A_93 = arith.constant 0 : index
      %get3A_94 = vector.load %arg5[%get3A_92, %get3A_93] : memref<192x128xf32, #tpu.memory_space<vmem>>, vector<1x128xf32>
      %get3A_95 = vector.shape_cast %get3A_94 : vector<1x128xf32> to vector<128xf32>
      %broadcast_in_dim3A_96 = vector.shape_cast %get3A_95 : vector<128xf32> to vector<1x128xf32>
      %sub3A_97 = vector.broadcast %broadcast_in_dim3A_96 : vector<1x128xf32> to vector<128x128xf32>
      %sub3A_98 = arith.subf %get3A_91, %sub3A_97 : vector<128x128xf32>
      %abs3A_99 = math.absf %sub3A_98 : vector<128x128xf32>
      %add3A_100 = arith.addf %add3A_81, %abs3A_99 : vector<128x128xf32>
      %scan3A_101 = arith.constant 3 : i32
      %scan3A_102 = arith.addi %scan3A_46, %scan3A_101 : i32
      %add3A_103 = arith.constant 0 : i32
      %add3A_104 = arith.addi %add3A_103, %scan3A_102 : i32
      %get3A_105 = arith.constant 0 : index
      %get3A_106 = arith.index_cast %add3A_104 : i32 to index
      %get3A_107 = arith.constant 0 : index
      %get3A_108 = arith.constant 0 : index
      %get3A_109 = vector.load %arg1[%get3A_105, %get3A_106, %get3A_107, %get3A_108] : memref<1x192x128x128xf32, #tpu.memory_space<vmem>>, vector<1x1x128x128xf32>
      %get3A_110 = vector.shape_cast %get3A_109 : vector<1x1x128x128xf32> to vector<128x128xf32>
      %get3A_111 = arith.index_cast %add3A_104 : i32 to index
      %get3A_112 = arith.constant 0 : index
      %get3A_113 = vector.load %arg5[%get3A_111, %get3A_112] : memref<192x128xf32, #tpu.memory_space<vmem>>, vector<1x128xf32>
      %get3A_114 = vector.shape_cast %get3A_113 : vector<1x128xf32> to vector<128xf32>
      %broadcast_in_dim3A_115 = vector.shape_cast %get3A_114 : vector<128xf32> to vector<1x128xf32>
      %sub3A_116 = vector.broadcast %broadcast_in_dim3A_115 : vector<1x128xf32> to vector<128x128xf32>
      %sub3A_117 = arith.subf %get3A_110, %sub3A_116 : vector<128x128xf32>
      %abs3A_118 = math.absf %sub3A_117 : vector<128x128xf32>
      %add3A_119 = arith.addf %add3A_100, %abs3A_118 : vector<128x128xf32>
      %scan3A_120 = arith.constant 4 : i32
      %scan3A_121 = arith.addi %scan3A_46, %scan3A_120 : i32
      %add3A_122 = arith.constant 0 : i32
      %add3A_123 = arith.addi %add3A_122, %scan3A_121 : i32
      %get3A_124 = arith.constant 0 : index
      %get3A_125 = arith.index_cast %add3A_123 : i32 to index
      %get3A_126 = arith.constant 0 : index
      %get3A_127 = arith.constant 0 : index
      %get3A_128 = vector.load %arg1[%get3A_124, %get3A_125, %get3A_126, %get3A_127] : memref<1x192x128x128xf32, #tpu.memory_space<vmem>>, vector<1x1x128x128xf32>
      %get3A_129 = vector.shape_cast %get3A_128 : vector<1x1x128x128xf32> to vector<128x128xf32>
      %get3A_130 = arith.index_cast %add3A_123 : i32 to index
      %get3A_131 = arith.constant 0 : index
      %get3A_132 = vector.load %arg5[%get3A_130, %get3A_131] : memref<192x128xf32, #tpu.memory_space<vmem>>, vector<1x128xf32>
      %get3A_133 = vector.shape_cast %get3A_132 : vector<1x128xf32> to vector<128xf32>
      %broadcast_in_dim3A_134 = vector.shape_cast %get3A_133 : vector<128xf32> to vector<1x128xf32>
      %sub3A_135 = vector.broadcast %broadcast_in_dim3A_134 : vector<1x128xf32> to vector<128x128xf32>
      %sub3A_136 = arith.subf %get3A_129, %sub3A_135 : vector<128x128xf32>
      %abs3A_137 = math.absf %sub3A_136 : vector<128x128xf32>
      %add3A_138 = arith.addf %add3A_119, %abs3A_137 : vector<128x128xf32>
      %scan3A_139 = arith.constant 5 : i32
      %scan3A_140 = arith.addi %scan3A_46, %scan3A_139 : i32
      %add3A_141 = arith.constant 0 : i32
      %add3A_142 = arith.addi %add3A_141, %scan3A_140 : i32
      %get3A_143 = arith.constant 0 : index
      %get3A_144 = arith.index_cast %add3A_142 : i32 to index
      %get3A_145 = arith.constant 0 : index
      %get3A_146 = arith.constant 0 : index
      %get3A_147 = vector.load %arg1[%get3A_143, %get3A_144, %get3A_145, %get3A_146] : memref<1x192x128x128xf32, #tpu.memory_space<vmem>>, vector<1x1x128x128xf32>
      %get3A_148 = vector.shape_cast %get3A_147 : vector<1x1x128x128xf32> to vector<128x128xf32>
      %get3A_149 = arith.index_cast %add3A_142 : i32 to index
      %get3A_150 = arith.constant 0 : index
      %get3A_151 = vector.load %arg5[%get3A_149, %get3A_150] : memref<192x128xf32, #tpu.memory_space<vmem>>, vector<1x128xf32>
      %get3A_152 = vector.shape_cast %get3A_151 : vector<1x128xf32> to vector<128xf32>
      %broadcast_in_dim3A_153 = vector.shape_cast %get3A_152 : vector<128xf32> to vector<1x128xf32>
      %sub3A_154 = vector.broadcast %broadcast_in_dim3A_153 : vector<1x128xf32> to vector<128x128xf32>
      %sub3A_155 = arith.subf %get3A_148, %sub3A_154 : vector<128x128xf32>
      %abs3A_156 = math.absf %sub3A_155 : vector<128x128xf32>
      %add3A_157 = arith.addf %add3A_138, %abs3A_156 : vector<128x128xf32>
      %scan3A_158 = arith.constant 6 : i32
      %scan3A_159 = arith.addi %scan3A_46, %scan3A_158 : i32
      %add3A_160 = arith.constant 0 : i32
      %add3A_161 = arith.addi %add3A_160, %scan3A_159 : i32
      %get3A_162 = arith.constant 0 : index
      %get3A_163 = arith.index_cast %add3A_161 : i32 to index
      %get3A_164 = arith.constant 0 : index
      %get3A_165 = arith.constant 0 : index
      %get3A_166 = vector.load %arg1[%get3A_162, %get3A_163, %get3A_164, %get3A_165] : memref<1x192x128x128xf32, #tpu.memory_space<vmem>>, vector<1x1x128x128xf32>
      %get3A_167 = vector.shape_cast %get3A_166 : vector<1x1x128x128xf32> to vector<128x128xf32>
      %get3A_168 = arith.index_cast %add3A_161 : i32 to index
      %get3A_169 = arith.constant 0 : index
      %get3A_170 = vector.load %arg5[%get3A_168, %get3A_169] : memref<192x128xf32, #tpu.memory_space<vmem>>, vector<1x128xf32>
      %get3A_171 = vector.shape_cast %get3A_170 : vector<1x128xf32> to vector<128xf32>
      %broadcast_in_dim3A_172 = vector.shape_cast %get3A_171 : vector<128xf32> to vector<1x128xf32>
      %sub3A_173 = vector.broadcast %broadcast_in_dim3A_172 : vector<1x128xf32> to vector<128x128xf32>
      %sub3A_174 = arith.subf %get3A_167, %sub3A_173 : vector<128x128xf32>
      %abs3A_175 = math.absf %sub3A_174 : vector<128x128xf32>
      %add3A_176 = arith.addf %add3A_157, %abs3A_175 : vector<128x128xf32>
      %scan3A_177 = arith.constant 7 : i32
      %scan3A_178 = arith.addi %scan3A_46, %scan3A_177 : i32
      %add3A_179 = arith.constant 0 : i32
      %add3A_180 = arith.addi %add3A_179, %scan3A_178 : i32
      %get3A_181 = arith.constant 0 : index
      %get3A_182 = arith.index_cast %add3A_180 : i32 to index
      %get3A_183 = arith.constant 0 : index
      %get3A_184 = arith.constant 0 : index
      %get3A_185 = vector.load %arg1[%get3A_181, %get3A_182, %get3A_183, %get3A_184] : memref<1x192x128x128xf32, #tpu.memory_space<vmem>>, vector<1x1x128x128xf32>
      %get3A_186 = vector.shape_cast %get3A_185 : vector<1x1x128x128xf32> to vector<128x128xf32>
      %get3A_187 = arith.index_cast %add3A_180 : i32 to index
      %get3A_188 = arith.constant 0 : index
      %get3A_189 = vector.load %arg5[%get3A_187, %get3A_188] : memref<192x128xf32, #tpu.memory_space<vmem>>, vector<1x128xf32>
      %get3A_190 = vector.shape_cast %get3A_189 : vector<1x128xf32> to vector<128xf32>
      %broadcast_in_dim3A_191 = vector.shape_cast %get3A_190 : vector<128xf32> to vector<1x128xf32>
      %sub3A_192 = vector.broadcast %broadcast_in_dim3A_191 : vector<1x128xf32> to vector<128x128xf32>
      %sub3A_193 = arith.subf %get3A_186, %sub3A_192 : vector<128x128xf32>
      %abs3A_194 = math.absf %sub3A_193 : vector<128x128xf32>
      %add3A_195 = arith.addf %add3A_176, %abs3A_194 : vector<128x128xf32>
      %scan3A_196 = arith.constant 8 : i32
      %scan3A_197 = arith.addi %scan3A_46, %scan3A_196 : i32
      %add3A_198 = arith.constant 0 : i32
      %add3A_199 = arith.addi %add3A_198, %scan3A_197 : i32
      %get3A_200 = arith.constant 0 : index
      %get3A_201 = arith.index_cast %add3A_199 : i32 to index
      %get3A_202 = arith.constant 0 : index
      %get3A_203 = arith.constant 0 : index
      %get3A_204 = vector.load %arg1[%get3A_200, %get3A_201, %get3A_202, %get3A_203] : memref<1x192x128x128xf32, #tpu.memory_space<vmem>>, vector<1x1x128x128xf32>
      %get3A_205 = vector.shape_cast %get3A_204 : vector<1x1x128x128xf32> to vector<128x128xf32>
      %get3A_206 = arith.index_cast %add3A_199 : i32 to index
      %get3A_207 = arith.constant 0 : index
      %get3A_208 = vector.load %arg5[%get3A_206, %get3A_207] : memref<192x128xf32, #tpu.memory_space<vmem>>, vector<1x128xf32>
      %get3A_209 = vector.shape_cast %get3A_208 : vector<1x128xf32> to vector<128xf32>
      %broadcast_in_dim3A_210 = vector.shape_cast %get3A_209 : vector<128xf32> to vector<1x128xf32>
      %sub3A_211 = vector.broadcast %broadcast_in_dim3A_210 : vector<1x128xf32> to vector<128x128xf32>
      %sub3A_212 = arith.subf %get3A_205, %sub3A_211 : vector<128x128xf32>
      %abs3A_213 = math.absf %sub3A_212 : vector<128x128xf32>
      %add3A_214 = arith.addf %add3A_195, %abs3A_213 : vector<128x128xf32>
      %scan3A_215 = arith.constant 9 : i32
      %scan3A_216 = arith.addi %scan3A_46, %scan3A_215 : i32
      %add3A_217 = arith.constant 0 : i32
      %add3A_218 = arith.addi %add3A_217, %scan3A_216 : i32
      %get3A_219 = arith.constant 0 : index
      %get3A_220 = arith.index_cast %add3A_218 : i32 to index
      %get3A_221 = arith.constant 0 : index
      %get3A_222 = arith.constant 0 : index
      %get3A_223 = vector.load %arg1[%get3A_219, %get3A_220, %get3A_221, %get3A_222] : memref<1x192x128x128xf32, #tpu.memory_space<vmem>>, vector<1x1x128x128xf32>
      %get3A_224 = vector.shape_cast %get3A_223 : vector<1x1x128x128xf32> to vector<128x128xf32>
      %get3A_225 = arith.index_cast %add3A_218 : i32 to index
      %get3A_226 = arith.constant 0 : index
      %get3A_227 = vector.load %arg5[%get3A_225, %get3A_226] : memref<192x128xf32, #tpu.memory_space<vmem>>, vector<1x128xf32>
      %get3A_228 = vector.shape_cast %get3A_227 : vector<1x128xf32> to vector<128xf32>
      %broadcast_in_dim3A_229 = vector.shape_cast %get3A_228 : vector<128xf32> to vector<1x128xf32>
      %sub3A_230 = vector.broadcast %broadcast_in_dim3A_229 : vector<1x128xf32> to vector<128x128xf32>
      %sub3A_231 = arith.subf %get3A_224, %sub3A_230 : vector<128x128xf32>
      %abs3A_232 = math.absf %sub3A_231 : vector<128x128xf32>
      %add3A_233 = arith.addf %add3A_214, %abs3A_232 : vector<128x128xf32>
      %scan3A_234 = arith.constant 10 : i32
      %scan3A_235 = arith.addi %scan3A_46, %scan3A_234 : i32
      %add3A_236 = arith.constant 0 : i32
      %add3A_237 = arith.addi %add3A_236, %scan3A_235 : i32
      %get3A_238 = arith.constant 0 : index
      %get3A_239 = arith.index_cast %add3A_237 : i32 to index
      %get3A_240 = arith.constant 0 : index
      %get3A_241 = arith.constant 0 : index
      %get3A_242 = vector.load %arg1[%get3A_238, %get3A_239, %get3A_240, %get3A_241] : memref<1x192x128x128xf32, #tpu.memory_space<vmem>>, vector<1x1x128x128xf32>
      %get3A_243 = vector.shape_cast %get3A_242 : vector<1x1x128x128xf32> to vector<128x128xf32>
      %get3A_244 = arith.index_cast %add3A_237 : i32 to index
      %get3A_245 = arith.constant 0 : index
      %get3A_246 = vector.load %arg5[%get3A_244, %get3A_245] : memref<192x128xf32, #tpu.memory_space<vmem>>, vector<1x128xf32>
      %get3A_247 = vector.shape_cast %get3A_246 : vector<1x128xf32> to vector<128xf32>
      %broadcast_in_dim3A_248 = vector.shape_cast %get3A_247 : vector<128xf32> to vector<1x128xf32>
      %sub3A_249 = vector.broadcast %broadcast_in_dim3A_248 : vector<1x128xf32> to vector<128x128xf32>
      %sub3A_250 = arith.subf %get3A_243, %sub3A_249 : vector<128x128xf32>
      %abs3A_251 = math.absf %sub3A_250 : vector<128x128xf32>
      %add3A_252 = arith.addf %add3A_233, %abs3A_251 : vector<128x128xf32>
      %scan3A_253 = arith.constant 11 : i32
      %scan3A_254 = arith.addi %scan3A_46, %scan3A_253 : i32
      %add3A_255 = arith.constant 0 : i32
      %add3A_256 = arith.addi %add3A_255, %scan3A_254 : i32
      %get3A_257 = arith.constant 0 : index
      %get3A_258 = arith.index_cast %add3A_256 : i32 to index
      %get3A_259 = arith.constant 0 : index
      %get3A_260 = arith.constant 0 : index
      %get3A_261 = vector.load %arg1[%get3A_257, %get3A_258, %get3A_259, %get3A_260] : memref<1x192x128x128xf32, #tpu.memory_space<vmem>>, vector<1x1x128x128xf32>
      %get3A_262 = vector.shape_cast %get3A_261 : vector<1x1x128x128xf32> to vector<128x128xf32>
      %get3A_263 = arith.index_cast %add3A_256 : i32 to index
      %get3A_264 = arith.constant 0 : index
      %get3A_265 = vector.load %arg5[%get3A_263, %get3A_264] : memref<192x128xf32, #tpu.memory_space<vmem>>, vector<1x128xf32>
      %get3A_266 = vector.shape_cast %get3A_265 : vector<1x128xf32> to vector<128xf32>
      %broadcast_in_dim3A_267 = vector.shape_cast %get3A_266 : vector<128xf32> to vector<1x128xf32>
      %sub3A_268 = vector.broadcast %broadcast_in_dim3A_267 : vector<1x128xf32> to vector<128x128xf32>
      %sub3A_269 = arith.subf %get3A_262, %sub3A_268 : vector<128x128xf32>
      %abs3A_270 = math.absf %sub3A_269 : vector<128x128xf32>
      %add3A_271 = arith.addf %add3A_252, %abs3A_270 : vector<128x128xf32>
      %scan3A_272 = arith.constant 12 : i32
      %scan3A_273 = arith.addi %scan3A_46, %scan3A_272 : i32
      %add3A_274 = arith.constant 0 : i32
      %add3A_275 = arith.addi %add3A_274, %scan3A_273 : i32
      %get3A_276 = arith.constant 0 : index
      %get3A_277 = arith.index_cast %add3A_275 : i32 to index
      %get3A_278 = arith.constant 0 : index
      %get3A_279 = arith.constant 0 : index
      %get3A_280 = vector.load %arg1[%get3A_276, %get3A_277, %get3A_278, %get3A_279] : memref<1x192x128x128xf32, #tpu.memory_space<vmem>>, vector<1x1x128x128xf32>
      %get3A_281 = vector.shape_cast %get3A_280 : vector<1x1x128x128xf32> to vector<128x128xf32>
      %get3A_282 = arith.index_cast %add3A_275 : i32 to index
      %get3A_283 = arith.constant 0 : index
      %get3A_284 = vector.load %arg5[%get3A_282, %get3A_283] : memref<192x128xf32, #tpu.memory_space<vmem>>, vector<1x128xf32>
      %get3A_285 = vector.shape_cast %get3A_284 : vector<1x128xf32> to vector<128xf32>
      %broadcast_in_dim3A_286 = vector.shape_cast %get3A_285 : vector<128xf32> to vector<1x128xf32>
      %sub3A_287 = vector.broadcast %broadcast_in_dim3A_286 : vector<1x128xf32> to vector<128x128xf32>
      %sub3A_288 = arith.subf %get3A_281, %sub3A_287 : vector<128x128xf32>
      %abs3A_289 = math.absf %sub3A_288 : vector<128x128xf32>
      %add3A_290 = arith.addf %add3A_271, %abs3A_289 : vector<128x128xf32>
      %scan3A_291 = arith.constant 13 : i32
      %scan3A_292 = arith.addi %scan3A_46, %scan3A_291 : i32
      %add3A_293 = arith.constant 0 : i32
      %add3A_294 = arith.addi %add3A_293, %scan3A_292 : i32
      %get3A_295 = arith.constant 0 : index
      %get3A_296 = arith.index_cast %add3A_294 : i32 to index
      %get3A_297 = arith.constant 0 : index
      %get3A_298 = arith.constant 0 : index
      %get3A_299 = vector.load %arg1[%get3A_295, %get3A_296, %get3A_297, %get3A_298] : memref<1x192x128x128xf32, #tpu.memory_space<vmem>>, vector<1x1x128x128xf32>
      %get3A_300 = vector.shape_cast %get3A_299 : vector<1x1x128x128xf32> to vector<128x128xf32>
      %get3A_301 = arith.index_cast %add3A_294 : i32 to index
      %get3A_302 = arith.constant 0 : index
      %get3A_303 = vector.load %arg5[%get3A_301, %get3A_302] : memref<192x128xf32, #tpu.memory_space<vmem>>, vector<1x128xf32>
      %get3A_304 = vector.shape_cast %get3A_303 : vector<1x128xf32> to vector<128xf32>
      %broadcast_in_dim3A_305 = vector.shape_cast %get3A_304 : vector<128xf32> to vector<1x128xf32>
      %sub3A_306 = vector.broadcast %broadcast_in_dim3A_305 : vector<1x128xf32> to vector<128x128xf32>
      %sub3A_307 = arith.subf %get3A_300, %sub3A_306 : vector<128x128xf32>
      %abs3A_308 = math.absf %sub3A_307 : vector<128x128xf32>
      %add3A_309 = arith.addf %add3A_290, %abs3A_308 : vector<128x128xf32>
      %scan3A_310 = arith.constant 14 : i32
      %scan3A_311 = arith.addi %scan3A_46, %scan3A_310 : i32
      %add3A_312 = arith.constant 0 : i32
      %add3A_313 = arith.addi %add3A_312, %scan3A_311 : i32
      %get3A_314 = arith.constant 0 : index
      %get3A_315 = arith.index_cast %add3A_313 : i32 to index
      %get3A_316 = arith.constant 0 : index
      %get3A_317 = arith.constant 0 : index
      %get3A_318 = vector.load %arg1[%get3A_314, %get3A_315, %get3A_316, %get3A_317] : memref<1x192x128x128xf32, #tpu.memory_space<vmem>>, vector<1x1x128x128xf32>
      %get3A_319 = vector.shape_cast %get3A_318 : vector<1x1x128x128xf32> to vector<128x128xf32>
      %get3A_320 = arith.index_cast %add3A_313 : i32 to index
      %get3A_321 = arith.constant 0 : index
      %get3A_322 = vector.load %arg5[%get3A_320, %get3A_321] : memref<192x128xf32, #tpu.memory_space<vmem>>, vector<1x128xf32>
      %get3A_323 = vector.shape_cast %get3A_322 : vector<1x128xf32> to vector<128xf32>
      %broadcast_in_dim3A_324 = vector.shape_cast %get3A_323 : vector<128xf32> to vector<1x128xf32>
      %sub3A_325 = vector.broadcast %broadcast_in_dim3A_324 : vector<1x128xf32> to vector<128x128xf32>
      %sub3A_326 = arith.subf %get3A_319, %sub3A_325 : vector<128x128xf32>
      %abs3A_327 = math.absf %sub3A_326 : vector<128x128xf32>
      %add3A_328 = arith.addf %add3A_309, %abs3A_327 : vector<128x128xf32>
      %scan3A_329 = arith.constant 15 : i32
      %scan3A_330 = arith.addi %scan3A_46, %scan3A_329 : i32
      %add3A_331 = arith.constant 0 : i32
      %add3A_332 = arith.addi %add3A_331, %scan3A_330 : i32
      %get3A_333 = arith.constant 0 : index
      %get3A_334 = arith.index_cast %add3A_332 : i32 to index
      %get3A_335 = arith.constant 0 : index
      %get3A_336 = arith.constant 0 : index
      %get3A_337 = vector.load %arg1[%get3A_333, %get3A_334, %get3A_335, %get3A_336] : memref<1x192x128x128xf32, #tpu.memory_space<vmem>>, vector<1x1x128x128xf32>
      %get3A_338 = vector.shape_cast %get3A_337 : vector<1x1x128x128xf32> to vector<128x128xf32>
      %get3A_339 = arith.index_cast %add3A_332 : i32 to index
      %get3A_340 = arith.constant 0 : index
      %get3A_341 = vector.load %arg5[%get3A_339, %get3A_340] : memref<192x128xf32, #tpu.memory_space<vmem>>, vector<1x128xf32>
      %get3A_342 = vector.shape_cast %get3A_341 : vector<1x128xf32> to vector<128xf32>
      %broadcast_in_dim3A_343 = vector.shape_cast %get3A_342 : vector<128xf32> to vector<1x128xf32>
      %sub3A_344 = vector.broadcast %broadcast_in_dim3A_343 : vector<1x128xf32> to vector<128x128xf32>
      %sub3A_345 = arith.subf %get3A_338, %sub3A_344 : vector<128x128xf32>
      %abs3A_346 = math.absf %sub3A_345 : vector<128x128xf32>
      %add3A_347 = arith.addf %add3A_328, %abs3A_346 : vector<128x128xf32>
      scf.yield %add3A_347 : vector<128x128xf32>
    }
    %scan3A_20 = arith.constant 64 : i32
    %broadcast_in_dim3A_21 = arith.constant 0.000000e+00 : f32
    %broadcast_in_dim3A_22 = vector.broadcast %broadcast_in_dim3A_21 : f32 to vector<128x128xf32>
    %scan3A_23 = arith.constant 0 : i32
    %scan3A_24 = arith.constant 64 : i32
    %scan3A_25 = arith.addi %scan3A_23, %scan3A_24 : i32
    %scan3A_26 = arith.constant 16 : i32
    %scan3A_27 = scf.for %scan3A_46 = %scan3A_23 to %scan3A_25 step %scan3A_26 iter_args(%scan3A_47 = %broadcast_in_dim3A_22) -> (vector<128x128xf32>)  : i32 {
      %add3A_48 = arith.constant 64 : i32
      %add3A_49 = arith.addi %add3A_48, %scan3A_46 : i32
      %get3A_50 = arith.constant 0 : index
      %get3A_51 = arith.index_cast %add3A_49 : i32 to index
      %get3A_52 = arith.constant 0 : index
      %get3A_53 = arith.constant 0 : index
      %get3A_54 = vector.load %arg1[%get3A_50, %get3A_51, %get3A_52, %get3A_53] : memref<1x192x128x128xf32, #tpu.memory_space<vmem>>, vector<1x1x128x128xf32>
      %get3A_55 = vector.shape_cast %get3A_54 : vector<1x1x128x128xf32> to vector<128x128xf32>
      %get3A_56 = arith.index_cast %add3A_49 : i32 to index
      %get3A_57 = arith.constant 0 : index
      %get3A_58 = vector.load %arg5[%get3A_56, %get3A_57] : memref<192x128xf32, #tpu.memory_space<vmem>>, vector<1x128xf32>
      %get3A_59 = vector.shape_cast %get3A_58 : vector<1x128xf32> to vector<128xf32>
      %broadcast_in_dim3A_60 = vector.shape_cast %get3A_59 : vector<128xf32> to vector<1x128xf32>
      %sub3A = vector.broadcast %broadcast_in_dim3A_60 : vector<1x128xf32> to vector<128x128xf32>
      %sub3A_61 = arith.subf %get3A_55, %sub3A : vector<128x128xf32>
      %abs3A = math.absf %sub3A_61 : vector<128x128xf32>
      %add3A_62 = arith.addf %scan3A_47, %abs3A : vector<128x128xf32>
      %scan3A_63 = arith.constant 1 : i32
      %scan3A_64 = arith.addi %scan3A_46, %scan3A_63 : i32
      %add3A_65 = arith.constant 64 : i32
      %add3A_66 = arith.addi %add3A_65, %scan3A_64 : i32
      %get3A_67 = arith.constant 0 : index
      %get3A_68 = arith.index_cast %add3A_66 : i32 to index
      %get3A_69 = arith.constant 0 : index
      %get3A_70 = arith.constant 0 : index
      %get3A_71 = vector.load %arg1[%get3A_67, %get3A_68, %get3A_69, %get3A_70] : memref<1x192x128x128xf32, #tpu.memory_space<vmem>>, vector<1x1x128x128xf32>
      %get3A_72 = vector.shape_cast %get3A_71 : vector<1x1x128x128xf32> to vector<128x128xf32>
      %get3A_73 = arith.index_cast %add3A_66 : i32 to index
      %get3A_74 = arith.constant 0 : index
      %get3A_75 = vector.load %arg5[%get3A_73, %get3A_74] : memref<192x128xf32, #tpu.memory_space<vmem>>, vector<1x128xf32>
      %get3A_76 = vector.shape_cast %get3A_75 : vector<1x128xf32> to vector<128xf32>
      %broadcast_in_dim3A_77 = vector.shape_cast %get3A_76 : vector<128xf32> to vector<1x128xf32>
      %sub3A_78 = vector.broadcast %broadcast_in_dim3A_77 : vector<1x128xf32> to vector<128x128xf32>
      %sub3A_79 = arith.subf %get3A_72, %sub3A_78 : vector<128x128xf32>
      %abs3A_80 = math.absf %sub3A_79 : vector<128x128xf32>
      %add3A_81 = arith.addf %add3A_62, %abs3A_80 : vector<128x128xf32>
      %scan3A_82 = arith.constant 2 : i32
      %scan3A_83 = arith.addi %scan3A_46, %scan3A_82 : i32
      %add3A_84 = arith.constant 64 : i32
      %add3A_85 = arith.addi %add3A_84, %scan3A_83 : i32
      %get3A_86 = arith.constant 0 : index
      %get3A_87 = arith.index_cast %add3A_85 : i32 to index
      %get3A_88 = arith.constant 0 : index
      %get3A_89 = arith.constant 0 : index
      %get3A_90 = vector.load %arg1[%get3A_86, %get3A_87, %get3A_88, %get3A_89] : memref<1x192x128x128xf32, #tpu.memory_space<vmem>>, vector<1x1x128x128xf32>
      %get3A_91 = vector.shape_cast %get3A_90 : vector<1x1x128x128xf32> to vector<128x128xf32>
      %get3A_92 = arith.index_cast %add3A_85 : i32 to index
      %get3A_93 = arith.constant 0 : index
      %get3A_94 = vector.load %arg5[%get3A_92, %get3A_93] : memref<192x128xf32, #tpu.memory_space<vmem>>, vector<1x128xf32>
      %get3A_95 = vector.shape_cast %get3A_94 : vector<1x128xf32> to vector<128xf32>
      %broadcast_in_dim3A_96 = vector.shape_cast %get3A_95 : vector<128xf32> to vector<1x128xf32>
      %sub3A_97 = vector.broadcast %broadcast_in_dim3A_96 : vector<1x128xf32> to vector<128x128xf32>
      %sub3A_98 = arith.subf %get3A_91, %sub3A_97 : vector<128x128xf32>
      %abs3A_99 = math.absf %sub3A_98 : vector<128x128xf32>
      %add3A_100 = arith.addf %add3A_81, %abs3A_99 : vector<128x128xf32>
      %scan3A_101 = arith.constant 3 : i32
      %scan3A_102 = arith.addi %scan3A_46, %scan3A_101 : i32
      %add3A_103 = arith.constant 64 : i32
      %add3A_104 = arith.addi %add3A_103, %scan3A_102 : i32
      %get3A_105 = arith.constant 0 : index
      %get3A_106 = arith.index_cast %add3A_104 : i32 to index
      %get3A_107 = arith.constant 0 : index
      %get3A_108 = arith.constant 0 : index
      %get3A_109 = vector.load %arg1[%get3A_105, %get3A_106, %get3A_107, %get3A_108] : memref<1x192x128x128xf32, #tpu.memory_space<vmem>>, vector<1x1x128x128xf32>
      %get3A_110 = vector.shape_cast %get3A_109 : vector<1x1x128x128xf32> to vector<128x128xf32>
      %get3A_111 = arith.index_cast %add3A_104 : i32 to index
      %get3A_112 = arith.constant 0 : index
      %get3A_113 = vector.load %arg5[%get3A_111, %get3A_112] : memref<192x128xf32, #tpu.memory_space<vmem>>, vector<1x128xf32>
      %get3A_114 = vector.shape_cast %get3A_113 : vector<1x128xf32> to vector<128xf32>
      %broadcast_in_dim3A_115 = vector.shape_cast %get3A_114 : vector<128xf32> to vector<1x128xf32>
      %sub3A_116 = vector.broadcast %broadcast_in_dim3A_115 : vector<1x128xf32> to vector<128x128xf32>
      %sub3A_117 = arith.subf %get3A_110, %sub3A_116 : vector<128x128xf32>
      %abs3A_118 = math.absf %sub3A_117 : vector<128x128xf32>
      %add3A_119 = arith.addf %add3A_100, %abs3A_118 : vector<128x128xf32>
      %scan3A_120 = arith.constant 4 : i32
      %scan3A_121 = arith.addi %scan3A_46, %scan3A_120 : i32
      %add3A_122 = arith.constant 64 : i32
      %add3A_123 = arith.addi %add3A_122, %scan3A_121 : i32
      %get3A_124 = arith.constant 0 : index
      %get3A_125 = arith.index_cast %add3A_123 : i32 to index
      %get3A_126 = arith.constant 0 : index
      %get3A_127 = arith.constant 0 : index
      %get3A_128 = vector.load %arg1[%get3A_124, %get3A_125, %get3A_126, %get3A_127] : memref<1x192x128x128xf32, #tpu.memory_space<vmem>>, vector<1x1x128x128xf32>
      %get3A_129 = vector.shape_cast %get3A_128 : vector<1x1x128x128xf32> to vector<128x128xf32>
      %get3A_130 = arith.index_cast %add3A_123 : i32 to index
      %get3A_131 = arith.constant 0 : index
      %get3A_132 = vector.load %arg5[%get3A_130, %get3A_131] : memref<192x128xf32, #tpu.memory_space<vmem>>, vector<1x128xf32>
      %get3A_133 = vector.shape_cast %get3A_132 : vector<1x128xf32> to vector<128xf32>
      %broadcast_in_dim3A_134 = vector.shape_cast %get3A_133 : vector<128xf32> to vector<1x128xf32>
      %sub3A_135 = vector.broadcast %broadcast_in_dim3A_134 : vector<1x128xf32> to vector<128x128xf32>
      %sub3A_136 = arith.subf %get3A_129, %sub3A_135 : vector<128x128xf32>
      %abs3A_137 = math.absf %sub3A_136 : vector<128x128xf32>
      %add3A_138 = arith.addf %add3A_119, %abs3A_137 : vector<128x128xf32>
      %scan3A_139 = arith.constant 5 : i32
      %scan3A_140 = arith.addi %scan3A_46, %scan3A_139 : i32
      %add3A_141 = arith.constant 64 : i32
      %add3A_142 = arith.addi %add3A_141, %scan3A_140 : i32
      %get3A_143 = arith.constant 0 : index
      %get3A_144 = arith.index_cast %add3A_142 : i32 to index
      %get3A_145 = arith.constant 0 : index
      %get3A_146 = arith.constant 0 : index
      %get3A_147 = vector.load %arg1[%get3A_143, %get3A_144, %get3A_145, %get3A_146] : memref<1x192x128x128xf32, #tpu.memory_space<vmem>>, vector<1x1x128x128xf32>
      %get3A_148 = vector.shape_cast %get3A_147 : vector<1x1x128x128xf32> to vector<128x128xf32>
      %get3A_149 = arith.index_cast %add3A_142 : i32 to index
      %get3A_150 = arith.constant 0 : index
      %get3A_151 = vector.load %arg5[%get3A_149, %get3A_150] : memref<192x128xf32, #tpu.memory_space<vmem>>, vector<1x128xf32>
      %get3A_152 = vector.shape_cast %get3A_151 : vector<1x128xf32> to vector<128xf32>
      %broadcast_in_dim3A_153 = vector.shape_cast %get3A_152 : vector<128xf32> to vector<1x128xf32>
      %sub3A_154 = vector.broadcast %broadcast_in_dim3A_153 : vector<1x128xf32> to vector<128x128xf32>
      %sub3A_155 = arith.subf %get3A_148, %sub3A_154 : vector<128x128xf32>
      %abs3A_156 = math.absf %sub3A_155 : vector<128x128xf32>
      %add3A_157 = arith.addf %add3A_138, %abs3A_156 : vector<128x128xf32>
      %scan3A_158 = arith.constant 6 : i32
      %scan3A_159 = arith.addi %scan3A_46, %scan3A_158 : i32
      %add3A_160 = arith.constant 64 : i32
      %add3A_161 = arith.addi %add3A_160, %scan3A_159 : i32
      %get3A_162 = arith.constant 0 : index
      %get3A_163 = arith.index_cast %add3A_161 : i32 to index
      %get3A_164 = arith.constant 0 : index
      %get3A_165 = arith.constant 0 : index
      %get3A_166 = vector.load %arg1[%get3A_162, %get3A_163, %get3A_164, %get3A_165] : memref<1x192x128x128xf32, #tpu.memory_space<vmem>>, vector<1x1x128x128xf32>
      %get3A_167 = vector.shape_cast %get3A_166 : vector<1x1x128x128xf32> to vector<128x128xf32>
      %get3A_168 = arith.index_cast %add3A_161 : i32 to index
      %get3A_169 = arith.constant 0 : index
      %get3A_170 = vector.load %arg5[%get3A_168, %get3A_169] : memref<192x128xf32, #tpu.memory_space<vmem>>, vector<1x128xf32>
      %get3A_171 = vector.shape_cast %get3A_170 : vector<1x128xf32> to vector<128xf32>
      %broadcast_in_dim3A_172 = vector.shape_cast %get3A_171 : vector<128xf32> to vector<1x128xf32>
      %sub3A_173 = vector.broadcast %broadcast_in_dim3A_172 : vector<1x128xf32> to vector<128x128xf32>
      %sub3A_174 = arith.subf %get3A_167, %sub3A_173 : vector<128x128xf32>
      %abs3A_175 = math.absf %sub3A_174 : vector<128x128xf32>
      %add3A_176 = arith.addf %add3A_157, %abs3A_175 : vector<128x128xf32>
      %scan3A_177 = arith.constant 7 : i32
      %scan3A_178 = arith.addi %scan3A_46, %scan3A_177 : i32
      %add3A_179 = arith.constant 64 : i32
      %add3A_180 = arith.addi %add3A_179, %scan3A_178 : i32
      %get3A_181 = arith.constant 0 : index
      %get3A_182 = arith.index_cast %add3A_180 : i32 to index
      %get3A_183 = arith.constant 0 : index
      %get3A_184 = arith.constant 0 : index
      %get3A_185 = vector.load %arg1[%get3A_181, %get3A_182, %get3A_183, %get3A_184] : memref<1x192x128x128xf32, #tpu.memory_space<vmem>>, vector<1x1x128x128xf32>
      %get3A_186 = vector.shape_cast %get3A_185 : vector<1x1x128x128xf32> to vector<128x128xf32>
      %get3A_187 = arith.index_cast %add3A_180 : i32 to index
      %get3A_188 = arith.constant 0 : index
      %get3A_189 = vector.load %arg5[%get3A_187, %get3A_188] : memref<192x128xf32, #tpu.memory_space<vmem>>, vector<1x128xf32>
      %get3A_190 = vector.shape_cast %get3A_189 : vector<1x128xf32> to vector<128xf32>
      %broadcast_in_dim3A_191 = vector.shape_cast %get3A_190 : vector<128xf32> to vector<1x128xf32>
      %sub3A_192 = vector.broadcast %broadcast_in_dim3A_191 : vector<1x128xf32> to vector<128x128xf32>
      %sub3A_193 = arith.subf %get3A_186, %sub3A_192 : vector<128x128xf32>
      %abs3A_194 = math.absf %sub3A_193 : vector<128x128xf32>
      %add3A_195 = arith.addf %add3A_176, %abs3A_194 : vector<128x128xf32>
      %scan3A_196 = arith.constant 8 : i32
      %scan3A_197 = arith.addi %scan3A_46, %scan3A_196 : i32
      %add3A_198 = arith.constant 64 : i32
      %add3A_199 = arith.addi %add3A_198, %scan3A_197 : i32
      %get3A_200 = arith.constant 0 : index
      %get3A_201 = arith.index_cast %add3A_199 : i32 to index
      %get3A_202 = arith.constant 0 : index
      %get3A_203 = arith.constant 0 : index
      %get3A_204 = vector.load %arg1[%get3A_200, %get3A_201, %get3A_202, %get3A_203] : memref<1x192x128x128xf32, #tpu.memory_space<vmem>>, vector<1x1x128x128xf32>
      %get3A_205 = vector.shape_cast %get3A_204 : vector<1x1x128x128xf32> to vector<128x128xf32>
      %get3A_206 = arith.index_cast %add3A_199 : i32 to index
      %get3A_207 = arith.constant 0 : index
      %get3A_208 = vector.load %arg5[%get3A_206, %get3A_207] : memref<192x128xf32, #tpu.memory_space<vmem>>, vector<1x128xf32>
      %get3A_209 = vector.shape_cast %get3A_208 : vector<1x128xf32> to vector<128xf32>
      %broadcast_in_dim3A_210 = vector.shape_cast %get3A_209 : vector<128xf32> to vector<1x128xf32>
      %sub3A_211 = vector.broadcast %broadcast_in_dim3A_210 : vector<1x128xf32> to vector<128x128xf32>
      %sub3A_212 = arith.subf %get3A_205, %sub3A_211 : vector<128x128xf32>
      %abs3A_213 = math.absf %sub3A_212 : vector<128x128xf32>
      %add3A_214 = arith.addf %add3A_195, %abs3A_213 : vector<128x128xf32>
      %scan3A_215 = arith.constant 9 : i32
      %scan3A_216 = arith.addi %scan3A_46, %scan3A_215 : i32
      %add3A_217 = arith.constant 64 : i32
      %add3A_218 = arith.addi %add3A_217, %scan3A_216 : i32
      %get3A_219 = arith.constant 0 : index
      %get3A_220 = arith.index_cast %add3A_218 : i32 to index
      %get3A_221 = arith.constant 0 : index
      %get3A_222 = arith.constant 0 : index
      %get3A_223 = vector.load %arg1[%get3A_219, %get3A_220, %get3A_221, %get3A_222] : memref<1x192x128x128xf32, #tpu.memory_space<vmem>>, vector<1x1x128x128xf32>
      %get3A_224 = vector.shape_cast %get3A_223 : vector<1x1x128x128xf32> to vector<128x128xf32>
      %get3A_225 = arith.index_cast %add3A_218 : i32 to index
      %get3A_226 = arith.constant 0 : index
      %get3A_227 = vector.load %arg5[%get3A_225, %get3A_226] : memref<192x128xf32, #tpu.memory_space<vmem>>, vector<1x128xf32>
      %get3A_228 = vector.shape_cast %get3A_227 : vector<1x128xf32> to vector<128xf32>
      %broadcast_in_dim3A_229 = vector.shape_cast %get3A_228 : vector<128xf32> to vector<1x128xf32>
      %sub3A_230 = vector.broadcast %broadcast_in_dim3A_229 : vector<1x128xf32> to vector<128x128xf32>
      %sub3A_231 = arith.subf %get3A_224, %sub3A_230 : vector<128x128xf32>
      %abs3A_232 = math.absf %sub3A_231 : vector<128x128xf32>
      %add3A_233 = arith.addf %add3A_214, %abs3A_232 : vector<128x128xf32>
      %scan3A_234 = arith.constant 10 : i32
      %scan3A_235 = arith.addi %scan3A_46, %scan3A_234 : i32
      %add3A_236 = arith.constant 64 : i32
      %add3A_237 = arith.addi %add3A_236, %scan3A_235 : i32
      %get3A_238 = arith.constant 0 : index
      %get3A_239 = arith.index_cast %add3A_237 : i32 to index
      %get3A_240 = arith.constant 0 : index
      %get3A_241 = arith.constant 0 : index
      %get3A_242 = vector.load %arg1[%get3A_238, %get3A_239, %get3A_240, %get3A_241] : memref<1x192x128x128xf32, #tpu.memory_space<vmem>>, vector<1x1x128x128xf32>
      %get3A_243 = vector.shape_cast %get3A_242 : vector<1x1x128x128xf32> to vector<128x128xf32>
      %get3A_244 = arith.index_cast %add3A_237 : i32 to index
      %get3A_245 = arith.constant 0 : index
      %get3A_246 = vector.load %arg5[%get3A_244, %get3A_245] : memref<192x128xf32, #tpu.memory_space<vmem>>, vector<1x128xf32>
      %get3A_247 = vector.shape_cast %get3A_246 : vector<1x128xf32> to vector<128xf32>
      %broadcast_in_dim3A_248 = vector.shape_cast %get3A_247 : vector<128xf32> to vector<1x128xf32>
      %sub3A_249 = vector.broadcast %broadcast_in_dim3A_248 : vector<1x128xf32> to vector<128x128xf32>
      %sub3A_250 = arith.subf %get3A_243, %sub3A_249 : vector<128x128xf32>
      %abs3A_251 = math.absf %sub3A_250 : vector<128x128xf32>
      %add3A_252 = arith.addf %add3A_233, %abs3A_251 : vector<128x128xf32>
      %scan3A_253 = arith.constant 11 : i32
      %scan3A_254 = arith.addi %scan3A_46, %scan3A_253 : i32
      %add3A_255 = arith.constant 64 : i32
      %add3A_256 = arith.addi %add3A_255, %scan3A_254 : i32
      %get3A_257 = arith.constant 0 : index
      %get3A_258 = arith.index_cast %add3A_256 : i32 to index
      %get3A_259 = arith.constant 0 : index
      %get3A_260 = arith.constant 0 : index
      %get3A_261 = vector.load %arg1[%get3A_257, %get3A_258, %get3A_259, %get3A_260] : memref<1x192x128x128xf32, #tpu.memory_space<vmem>>, vector<1x1x128x128xf32>
      %get3A_262 = vector.shape_cast %get3A_261 : vector<1x1x128x128xf32> to vector<128x128xf32>
      %get3A_263 = arith.index_cast %add3A_256 : i32 to index
      %get3A_264 = arith.constant 0 : index
      %get3A_265 = vector.load %arg5[%get3A_263, %get3A_264] : memref<192x128xf32, #tpu.memory_space<vmem>>, vector<1x128xf32>
      %get3A_266 = vector.shape_cast %get3A_265 : vector<1x128xf32> to vector<128xf32>
      %broadcast_in_dim3A_267 = vector.shape_cast %get3A_266 : vector<128xf32> to vector<1x128xf32>
      %sub3A_268 = vector.broadcast %broadcast_in_dim3A_267 : vector<1x128xf32> to vector<128x128xf32>
      %sub3A_269 = arith.subf %get3A_262, %sub3A_268 : vector<128x128xf32>
      %abs3A_270 = math.absf %sub3A_269 : vector<128x128xf32>
      %add3A_271 = arith.addf %add3A_252, %abs3A_270 : vector<128x128xf32>
      %scan3A_272 = arith.constant 12 : i32
      %scan3A_273 = arith.addi %scan3A_46, %scan3A_272 : i32
      %add3A_274 = arith.constant 64 : i32
      %add3A_275 = arith.addi %add3A_274, %scan3A_273 : i32
      %get3A_276 = arith.constant 0 : index
      %get3A_277 = arith.index_cast %add3A_275 : i32 to index
      %get3A_278 = arith.constant 0 : index
      %get3A_279 = arith.constant 0 : index
      %get3A_280 = vector.load %arg1[%get3A_276, %get3A_277, %get3A_278, %get3A_279] : memref<1x192x128x128xf32, #tpu.memory_space<vmem>>, vector<1x1x128x128xf32>
      %get3A_281 = vector.shape_cast %get3A_280 : vector<1x1x128x128xf32> to vector<128x128xf32>
      %get3A_282 = arith.index_cast %add3A_275 : i32 to index
      %get3A_283 = arith.constant 0 : index
      %get3A_284 = vector.load %arg5[%get3A_282, %get3A_283] : memref<192x128xf32, #tpu.memory_space<vmem>>, vector<1x128xf32>
      %get3A_285 = vector.shape_cast %get3A_284 : vector<1x128xf32> to vector<128xf32>
      %broadcast_in_dim3A_286 = vector.shape_cast %get3A_285 : vector<128xf32> to vector<1x128xf32>
      %sub3A_287 = vector.broadcast %broadcast_in_dim3A_286 : vector<1x128xf32> to vector<128x128xf32>
      %sub3A_288 = arith.subf %get3A_281, %sub3A_287 : vector<128x128xf32>
      %abs3A_289 = math.absf %sub3A_288 : vector<128x128xf32>
      %add3A_290 = arith.addf %add3A_271, %abs3A_289 : vector<128x128xf32>
      %scan3A_291 = arith.constant 13 : i32
      %scan3A_292 = arith.addi %scan3A_46, %scan3A_291 : i32
      %add3A_293 = arith.constant 64 : i32
      %add3A_294 = arith.addi %add3A_293, %scan3A_292 : i32
      %get3A_295 = arith.constant 0 : index
      %get3A_296 = arith.index_cast %add3A_294 : i32 to index
      %get3A_297 = arith.constant 0 : index
      %get3A_298 = arith.constant 0 : index
      %get3A_299 = vector.load %arg1[%get3A_295, %get3A_296, %get3A_297, %get3A_298] : memref<1x192x128x128xf32, #tpu.memory_space<vmem>>, vector<1x1x128x128xf32>
      %get3A_300 = vector.shape_cast %get3A_299 : vector<1x1x128x128xf32> to vector<128x128xf32>
      %get3A_301 = arith.index_cast %add3A_294 : i32 to index
      %get3A_302 = arith.constant 0 : index
      %get3A_303 = vector.load %arg5[%get3A_301, %get3A_302] : memref<192x128xf32, #tpu.memory_space<vmem>>, vector<1x128xf32>
      %get3A_304 = vector.shape_cast %get3A_303 : vector<1x128xf32> to vector<128xf32>
      %broadcast_in_dim3A_305 = vector.shape_cast %get3A_304 : vector<128xf32> to vector<1x128xf32>
      %sub3A_306 = vector.broadcast %broadcast_in_dim3A_305 : vector<1x128xf32> to vector<128x128xf32>
      %sub3A_307 = arith.subf %get3A_300, %sub3A_306 : vector<128x128xf32>
      %abs3A_308 = math.absf %sub3A_307 : vector<128x128xf32>
      %add3A_309 = arith.addf %add3A_290, %abs3A_308 : vector<128x128xf32>
      %scan3A_310 = arith.constant 14 : i32
      %scan3A_311 = arith.addi %scan3A_46, %scan3A_310 : i32
      %add3A_312 = arith.constant 64 : i32
      %add3A_313 = arith.addi %add3A_312, %scan3A_311 : i32
      %get3A_314 = arith.constant 0 : index
      %get3A_315 = arith.index_cast %add3A_313 : i32 to index
      %get3A_316 = arith.constant 0 : index
      %get3A_317 = arith.constant 0 : index
      %get3A_318 = vector.load %arg1[%get3A_314, %get3A_315, %get3A_316, %get3A_317] : memref<1x192x128x128xf32, #tpu.memory_space<vmem>>, vector<1x1x128x128xf32>
      %get3A_319 = vector.shape_cast %get3A_318 : vector<1x1x128x128xf32> to vector<128x128xf32>
      %get3A_320 = arith.index_cast %add3A_313 : i32 to index
      %get3A_321 = arith.constant 0 : index
      %get3A_322 = vector.load %arg5[%get3A_320, %get3A_321] : memref<192x128xf32, #tpu.memory_space<vmem>>, vector<1x128xf32>
      %get3A_323 = vector.shape_cast %get3A_322 : vector<1x128xf32> to vector<128xf32>
      %broadcast_in_dim3A_324 = vector.shape_cast %get3A_323 : vector<128xf32> to vector<1x128xf32>
      %sub3A_325 = vector.broadcast %broadcast_in_dim3A_324 : vector<1x128xf32> to vector<128x128xf32>
      %sub3A_326 = arith.subf %get3A_319, %sub3A_325 : vector<128x128xf32>
      %abs3A_327 = math.absf %sub3A_326 : vector<128x128xf32>
      %add3A_328 = arith.addf %add3A_309, %abs3A_327 : vector<128x128xf32>
      %scan3A_329 = arith.constant 15 : i32
      %scan3A_330 = arith.addi %scan3A_46, %scan3A_329 : i32
      %add3A_331 = arith.constant 64 : i32
      %add3A_332 = arith.addi %add3A_331, %scan3A_330 : i32
      %get3A_333 = arith.constant 0 : index
      %get3A_334 = arith.index_cast %add3A_332 : i32 to index
      %get3A_335 = arith.constant 0 : index
      %get3A_336 = arith.constant 0 : index
      %get3A_337 = vector.load %arg1[%get3A_333, %get3A_334, %get3A_335, %get3A_336] : memref<1x192x128x128xf32, #tpu.memory_space<vmem>>, vector<1x1x128x128xf32>
      %get3A_338 = vector.shape_cast %get3A_337 : vector<1x1x128x128xf32> to vector<128x128xf32>
      %get3A_339 = arith.index_cast %add3A_332 : i32 to index
      %get3A_340 = arith.constant 0 : index
      %get3A_341 = vector.load %arg5[%get3A_339, %get3A_340] : memref<192x128xf32, #tpu.memory_space<vmem>>, vector<1x128xf32>
      %get3A_342 = vector.shape_cast %get3A_341 : vector<1x128xf32> to vector<128xf32>
      %broadcast_in_dim3A_343 = vector.shape_cast %get3A_342 : vector<128xf32> to vector<1x128xf32>
      %sub3A_344 = vector.broadcast %broadcast_in_dim3A_343 : vector<1x128xf32> to vector<128x128xf32>
      %sub3A_345 = arith.subf %get3A_338, %sub3A_344 : vector<128x128xf32>
      %abs3A_346 = math.absf %sub3A_345 : vector<128x128xf32>
      %add3A_347 = arith.addf %add3A_328, %abs3A_346 : vector<128x128xf32>
      scf.yield %add3A_347 : vector<128x128xf32>
    }
    %scan3A_28 = arith.constant 64 : i32
    %add3A = arith.addf %scan3A_19, %scan3A_27 : vector<128x128xf32>
    %broadcast_in_dim3A_29 = arith.constant 0.000000e+00 : f32
    %broadcast_in_dim3A_30 = vector.broadcast %broadcast_in_dim3A_29 : f32 to vector<128x128xf32>
    %scan3A_31 = arith.constant 0 : i32
    %scan3A_32 = arith.constant 64 : i32
    %scan3A_33 = arith.addi %scan3A_31, %scan3A_32 : i32
    %scan3A_34 = arith.constant 16 : i32
    %scan3A_35 = scf.for %scan3A_46 = %scan3A_31 to %scan3A_33 step %scan3A_34 iter_args(%scan3A_47 = %broadcast_in_dim3A_30) -> (vector<128x128xf32>)  : i32 {
      %add3A_48 = arith.constant 128 : i32
      %add3A_49 = arith.addi %add3A_48, %scan3A_46 : i32
      %get3A_50 = arith.constant 0 : index
      %get3A_51 = arith.index_cast %add3A_49 : i32 to index
      %get3A_52 = arith.constant 0 : index
      %get3A_53 = arith.constant 0 : index
      %get3A_54 = vector.load %arg1[%get3A_50, %get3A_51, %get3A_52, %get3A_53] : memref<1x192x128x128xf32, #tpu.memory_space<vmem>>, vector<1x1x128x128xf32>
      %get3A_55 = vector.shape_cast %get3A_54 : vector<1x1x128x128xf32> to vector<128x128xf32>
      %get3A_56 = arith.index_cast %add3A_49 : i32 to index
      %get3A_57 = arith.constant 0 : index
      %get3A_58 = vector.load %arg5[%get3A_56, %get3A_57] : memref<192x128xf32, #tpu.memory_space<vmem>>, vector<1x128xf32>
      %get3A_59 = vector.shape_cast %get3A_58 : vector<1x128xf32> to vector<128xf32>
      %broadcast_in_dim3A_60 = vector.shape_cast %get3A_59 : vector<128xf32> to vector<1x128xf32>
      %sub3A = vector.broadcast %broadcast_in_dim3A_60 : vector<1x128xf32> to vector<128x128xf32>
      %sub3A_61 = arith.subf %get3A_55, %sub3A : vector<128x128xf32>
      %abs3A = math.absf %sub3A_61 : vector<128x128xf32>
      %add3A_62 = arith.addf %scan3A_47, %abs3A : vector<128x128xf32>
      %scan3A_63 = arith.constant 1 : i32
      %scan3A_64 = arith.addi %scan3A_46, %scan3A_63 : i32
      %add3A_65 = arith.constant 128 : i32
      %add3A_66 = arith.addi %add3A_65, %scan3A_64 : i32
      %get3A_67 = arith.constant 0 : index
      %get3A_68 = arith.index_cast %add3A_66 : i32 to index
      %get3A_69 = arith.constant 0 : index
      %get3A_70 = arith.constant 0 : index
      %get3A_71 = vector.load %arg1[%get3A_67, %get3A_68, %get3A_69, %get3A_70] : memref<1x192x128x128xf32, #tpu.memory_space<vmem>>, vector<1x1x128x128xf32>
      %get3A_72 = vector.shape_cast %get3A_71 : vector<1x1x128x128xf32> to vector<128x128xf32>
      %get3A_73 = arith.index_cast %add3A_66 : i32 to index
      %get3A_74 = arith.constant 0 : index
      %get3A_75 = vector.load %arg5[%get3A_73, %get3A_74] : memref<192x128xf32, #tpu.memory_space<vmem>>, vector<1x128xf32>
      %get3A_76 = vector.shape_cast %get3A_75 : vector<1x128xf32> to vector<128xf32>
      %broadcast_in_dim3A_77 = vector.shape_cast %get3A_76 : vector<128xf32> to vector<1x128xf32>
      %sub3A_78 = vector.broadcast %broadcast_in_dim3A_77 : vector<1x128xf32> to vector<128x128xf32>
      %sub3A_79 = arith.subf %get3A_72, %sub3A_78 : vector<128x128xf32>
      %abs3A_80 = math.absf %sub3A_79 : vector<128x128xf32>
      %add3A_81 = arith.addf %add3A_62, %abs3A_80 : vector<128x128xf32>
      %scan3A_82 = arith.constant 2 : i32
      %scan3A_83 = arith.addi %scan3A_46, %scan3A_82 : i32
      %add3A_84 = arith.constant 128 : i32
      %add3A_85 = arith.addi %add3A_84, %scan3A_83 : i32
      %get3A_86 = arith.constant 0 : index
      %get3A_87 = arith.index_cast %add3A_85 : i32 to index
      %get3A_88 = arith.constant 0 : index
      %get3A_89 = arith.constant 0 : index
      %get3A_90 = vector.load %arg1[%get3A_86, %get3A_87, %get3A_88, %get3A_89] : memref<1x192x128x128xf32, #tpu.memory_space<vmem>>, vector<1x1x128x128xf32>
      %get3A_91 = vector.shape_cast %get3A_90 : vector<1x1x128x128xf32> to vector<128x128xf32>
      %get3A_92 = arith.index_cast %add3A_85 : i32 to index
      %get3A_93 = arith.constant 0 : index
      %get3A_94 = vector.load %arg5[%get3A_92, %get3A_93] : memref<192x128xf32, #tpu.memory_space<vmem>>, vector<1x128xf32>
      %get3A_95 = vector.shape_cast %get3A_94 : vector<1x128xf32> to vector<128xf32>
      %broadcast_in_dim3A_96 = vector.shape_cast %get3A_95 : vector<128xf32> to vector<1x128xf32>
      %sub3A_97 = vector.broadcast %broadcast_in_dim3A_96 : vector<1x128xf32> to vector<128x128xf32>
      %sub3A_98 = arith.subf %get3A_91, %sub3A_97 : vector<128x128xf32>
      %abs3A_99 = math.absf %sub3A_98 : vector<128x128xf32>
      %add3A_100 = arith.addf %add3A_81, %abs3A_99 : vector<128x128xf32>
      %scan3A_101 = arith.constant 3 : i32
      %scan3A_102 = arith.addi %scan3A_46, %scan3A_101 : i32
      %add3A_103 = arith.constant 128 : i32
      %add3A_104 = arith.addi %add3A_103, %scan3A_102 : i32
      %get3A_105 = arith.constant 0 : index
      %get3A_106 = arith.index_cast %add3A_104 : i32 to index
      %get3A_107 = arith.constant 0 : index
      %get3A_108 = arith.constant 0 : index
      %get3A_109 = vector.load %arg1[%get3A_105, %get3A_106, %get3A_107, %get3A_108] : memref<1x192x128x128xf32, #tpu.memory_space<vmem>>, vector<1x1x128x128xf32>
      %get3A_110 = vector.shape_cast %get3A_109 : vector<1x1x128x128xf32> to vector<128x128xf32>
      %get3A_111 = arith.index_cast %add3A_104 : i32 to index
      %get3A_112 = arith.constant 0 : index
      %get3A_113 = vector.load %arg5[%get3A_111, %get3A_112] : memref<192x128xf32, #tpu.memory_space<vmem>>, vector<1x128xf32>
      %get3A_114 = vector.shape_cast %get3A_113 : vector<1x128xf32> to vector<128xf32>
      %broadcast_in_dim3A_115 = vector.shape_cast %get3A_114 : vector<128xf32> to vector<1x128xf32>
      %sub3A_116 = vector.broadcast %broadcast_in_dim3A_115 : vector<1x128xf32> to vector<128x128xf32>
      %sub3A_117 = arith.subf %get3A_110, %sub3A_116 : vector<128x128xf32>
      %abs3A_118 = math.absf %sub3A_117 : vector<128x128xf32>
      %add3A_119 = arith.addf %add3A_100, %abs3A_118 : vector<128x128xf32>
      %scan3A_120 = arith.constant 4 : i32
      %scan3A_121 = arith.addi %scan3A_46, %scan3A_120 : i32
      %add3A_122 = arith.constant 128 : i32
      %add3A_123 = arith.addi %add3A_122, %scan3A_121 : i32
      %get3A_124 = arith.constant 0 : index
      %get3A_125 = arith.index_cast %add3A_123 : i32 to index
      %get3A_126 = arith.constant 0 : index
      %get3A_127 = arith.constant 0 : index
      %get3A_128 = vector.load %arg1[%get3A_124, %get3A_125, %get3A_126, %get3A_127] : memref<1x192x128x128xf32, #tpu.memory_space<vmem>>, vector<1x1x128x128xf32>
      %get3A_129 = vector.shape_cast %get3A_128 : vector<1x1x128x128xf32> to vector<128x128xf32>
      %get3A_130 = arith.index_cast %add3A_123 : i32 to index
      %get3A_131 = arith.constant 0 : index
      %get3A_132 = vector.load %arg5[%get3A_130, %get3A_131] : memref<192x128xf32, #tpu.memory_space<vmem>>, vector<1x128xf32>
      %get3A_133 = vector.shape_cast %get3A_132 : vector<1x128xf32> to vector<128xf32>
      %broadcast_in_dim3A_134 = vector.shape_cast %get3A_133 : vector<128xf32> to vector<1x128xf32>
      %sub3A_135 = vector.broadcast %broadcast_in_dim3A_134 : vector<1x128xf32> to vector<128x128xf32>
      %sub3A_136 = arith.subf %get3A_129, %sub3A_135 : vector<128x128xf32>
      %abs3A_137 = math.absf %sub3A_136 : vector<128x128xf32>
      %add3A_138 = arith.addf %add3A_119, %abs3A_137 : vector<128x128xf32>
      %scan3A_139 = arith.constant 5 : i32
      %scan3A_140 = arith.addi %scan3A_46, %scan3A_139 : i32
      %add3A_141 = arith.constant 128 : i32
      %add3A_142 = arith.addi %add3A_141, %scan3A_140 : i32
      %get3A_143 = arith.constant 0 : index
      %get3A_144 = arith.index_cast %add3A_142 : i32 to index
      %get3A_145 = arith.constant 0 : index
      %get3A_146 = arith.constant 0 : index
      %get3A_147 = vector.load %arg1[%get3A_143, %get3A_144, %get3A_145, %get3A_146] : memref<1x192x128x128xf32, #tpu.memory_space<vmem>>, vector<1x1x128x128xf32>
      %get3A_148 = vector.shape_cast %get3A_147 : vector<1x1x128x128xf32> to vector<128x128xf32>
      %get3A_149 = arith.index_cast %add3A_142 : i32 to index
      %get3A_150 = arith.constant 0 : index
      %get3A_151 = vector.load %arg5[%get3A_149, %get3A_150] : memref<192x128xf32, #tpu.memory_space<vmem>>, vector<1x128xf32>
      %get3A_152 = vector.shape_cast %get3A_151 : vector<1x128xf32> to vector<128xf32>
      %broadcast_in_dim3A_153 = vector.shape_cast %get3A_152 : vector<128xf32> to vector<1x128xf32>
      %sub3A_154 = vector.broadcast %broadcast_in_dim3A_153 : vector<1x128xf32> to vector<128x128xf32>
      %sub3A_155 = arith.subf %get3A_148, %sub3A_154 : vector<128x128xf32>
      %abs3A_156 = math.absf %sub3A_155 : vector<128x128xf32>
      %add3A_157 = arith.addf %add3A_138, %abs3A_156 : vector<128x128xf32>
      %scan3A_158 = arith.constant 6 : i32
      %scan3A_159 = arith.addi %scan3A_46, %scan3A_158 : i32
      %add3A_160 = arith.constant 128 : i32
      %add3A_161 = arith.addi %add3A_160, %scan3A_159 : i32
      %get3A_162 = arith.constant 0 : index
      %get3A_163 = arith.index_cast %add3A_161 : i32 to index
      %get3A_164 = arith.constant 0 : index
      %get3A_165 = arith.constant 0 : index
      %get3A_166 = vector.load %arg1[%get3A_162, %get3A_163, %get3A_164, %get3A_165] : memref<1x192x128x128xf32, #tpu.memory_space<vmem>>, vector<1x1x128x128xf32>
      %get3A_167 = vector.shape_cast %get3A_166 : vector<1x1x128x128xf32> to vector<128x128xf32>
      %get3A_168 = arith.index_cast %add3A_161 : i32 to index
      %get3A_169 = arith.constant 0 : index
      %get3A_170 = vector.load %arg5[%get3A_168, %get3A_169] : memref<192x128xf32, #tpu.memory_space<vmem>>, vector<1x128xf32>
      %get3A_171 = vector.shape_cast %get3A_170 : vector<1x128xf32> to vector<128xf32>
      %broadcast_in_dim3A_172 = vector.shape_cast %get3A_171 : vector<128xf32> to vector<1x128xf32>
      %sub3A_173 = vector.broadcast %broadcast_in_dim3A_172 : vector<1x128xf32> to vector<128x128xf32>
      %sub3A_174 = arith.subf %get3A_167, %sub3A_173 : vector<128x128xf32>
      %abs3A_175 = math.absf %sub3A_174 : vector<128x128xf32>
      %add3A_176 = arith.addf %add3A_157, %abs3A_175 : vector<128x128xf32>
      %scan3A_177 = arith.constant 7 : i32
      %scan3A_178 = arith.addi %scan3A_46, %scan3A_177 : i32
      %add3A_179 = arith.constant 128 : i32
      %add3A_180 = arith.addi %add3A_179, %scan3A_178 : i32
      %get3A_181 = arith.constant 0 : index
      %get3A_182 = arith.index_cast %add3A_180 : i32 to index
      %get3A_183 = arith.constant 0 : index
      %get3A_184 = arith.constant 0 : index
      %get3A_185 = vector.load %arg1[%get3A_181, %get3A_182, %get3A_183, %get3A_184] : memref<1x192x128x128xf32, #tpu.memory_space<vmem>>, vector<1x1x128x128xf32>
      %get3A_186 = vector.shape_cast %get3A_185 : vector<1x1x128x128xf32> to vector<128x128xf32>
      %get3A_187 = arith.index_cast %add3A_180 : i32 to index
      %get3A_188 = arith.constant 0 : index
      %get3A_189 = vector.load %arg5[%get3A_187, %get3A_188] : memref<192x128xf32, #tpu.memory_space<vmem>>, vector<1x128xf32>
      %get3A_190 = vector.shape_cast %get3A_189 : vector<1x128xf32> to vector<128xf32>
      %broadcast_in_dim3A_191 = vector.shape_cast %get3A_190 : vector<128xf32> to vector<1x128xf32>
      %sub3A_192 = vector.broadcast %broadcast_in_dim3A_191 : vector<1x128xf32> to vector<128x128xf32>
      %sub3A_193 = arith.subf %get3A_186, %sub3A_192 : vector<128x128xf32>
      %abs3A_194 = math.absf %sub3A_193 : vector<128x128xf32>
      %add3A_195 = arith.addf %add3A_176, %abs3A_194 : vector<128x128xf32>
      %scan3A_196 = arith.constant 8 : i32
      %scan3A_197 = arith.addi %scan3A_46, %scan3A_196 : i32
      %add3A_198 = arith.constant 128 : i32
      %add3A_199 = arith.addi %add3A_198, %scan3A_197 : i32
      %get3A_200 = arith.constant 0 : index
      %get3A_201 = arith.index_cast %add3A_199 : i32 to index
      %get3A_202 = arith.constant 0 : index
      %get3A_203 = arith.constant 0 : index
      %get3A_204 = vector.load %arg1[%get3A_200, %get3A_201, %get3A_202, %get3A_203] : memref<1x192x128x128xf32, #tpu.memory_space<vmem>>, vector<1x1x128x128xf32>
      %get3A_205 = vector.shape_cast %get3A_204 : vector<1x1x128x128xf32> to vector<128x128xf32>
      %get3A_206 = arith.index_cast %add3A_199 : i32 to index
      %get3A_207 = arith.constant 0 : index
      %get3A_208 = vector.load %arg5[%get3A_206, %get3A_207] : memref<192x128xf32, #tpu.memory_space<vmem>>, vector<1x128xf32>
      %get3A_209 = vector.shape_cast %get3A_208 : vector<1x128xf32> to vector<128xf32>
      %broadcast_in_dim3A_210 = vector.shape_cast %get3A_209 : vector<128xf32> to vector<1x128xf32>
      %sub3A_211 = vector.broadcast %broadcast_in_dim3A_210 : vector<1x128xf32> to vector<128x128xf32>
      %sub3A_212 = arith.subf %get3A_205, %sub3A_211 : vector<128x128xf32>
      %abs3A_213 = math.absf %sub3A_212 : vector<128x128xf32>
      %add3A_214 = arith.addf %add3A_195, %abs3A_213 : vector<128x128xf32>
      %scan3A_215 = arith.constant 9 : i32
      %scan3A_216 = arith.addi %scan3A_46, %scan3A_215 : i32
      %add3A_217 = arith.constant 128 : i32
      %add3A_218 = arith.addi %add3A_217, %scan3A_216 : i32
      %get3A_219 = arith.constant 0 : index
      %get3A_220 = arith.index_cast %add3A_218 : i32 to index
      %get3A_221 = arith.constant 0 : index
      %get3A_222 = arith.constant 0 : index
      %get3A_223 = vector.load %arg1[%get3A_219, %get3A_220, %get3A_221, %get3A_222] : memref<1x192x128x128xf32, #tpu.memory_space<vmem>>, vector<1x1x128x128xf32>
      %get3A_224 = vector.shape_cast %get3A_223 : vector<1x1x128x128xf32> to vector<128x128xf32>
      %get3A_225 = arith.index_cast %add3A_218 : i32 to index
      %get3A_226 = arith.constant 0 : index
      %get3A_227 = vector.load %arg5[%get3A_225, %get3A_226] : memref<192x128xf32, #tpu.memory_space<vmem>>, vector<1x128xf32>
      %get3A_228 = vector.shape_cast %get3A_227 : vector<1x128xf32> to vector<128xf32>
      %broadcast_in_dim3A_229 = vector.shape_cast %get3A_228 : vector<128xf32> to vector<1x128xf32>
      %sub3A_230 = vector.broadcast %broadcast_in_dim3A_229 : vector<1x128xf32> to vector<128x128xf32>
      %sub3A_231 = arith.subf %get3A_224, %sub3A_230 : vector<128x128xf32>
      %abs3A_232 = math.absf %sub3A_231 : vector<128x128xf32>
      %add3A_233 = arith.addf %add3A_214, %abs3A_232 : vector<128x128xf32>
      %scan3A_234 = arith.constant 10 : i32
      %scan3A_235 = arith.addi %scan3A_46, %scan3A_234 : i32
      %add3A_236 = arith.constant 128 : i32
      %add3A_237 = arith.addi %add3A_236, %scan3A_235 : i32
      %get3A_238 = arith.constant 0 : index
      %get3A_239 = arith.index_cast %add3A_237 : i32 to index
      %get3A_240 = arith.constant 0 : index
      %get3A_241 = arith.constant 0 : index
      %get3A_242 = vector.load %arg1[%get3A_238, %get3A_239, %get3A_240, %get3A_241] : memref<1x192x128x128xf32, #tpu.memory_space<vmem>>, vector<1x1x128x128xf32>
      %get3A_243 = vector.shape_cast %get3A_242 : vector<1x1x128x128xf32> to vector<128x128xf32>
      %get3A_244 = arith.index_cast %add3A_237 : i32 to index
      %get3A_245 = arith.constant 0 : index
      %get3A_246 = vector.load %arg5[%get3A_244, %get3A_245] : memref<192x128xf32, #tpu.memory_space<vmem>>, vector<1x128xf32>
      %get3A_247 = vector.shape_cast %get3A_246 : vector<1x128xf32> to vector<128xf32>
      %broadcast_in_dim3A_248 = vector.shape_cast %get3A_247 : vector<128xf32> to vector<1x128xf32>
      %sub3A_249 = vector.broadcast %broadcast_in_dim3A_248 : vector<1x128xf32> to vector<128x128xf32>
      %sub3A_250 = arith.subf %get3A_243, %sub3A_249 : vector<128x128xf32>
      %abs3A_251 = math.absf %sub3A_250 : vector<128x128xf32>
      %add3A_252 = arith.addf %add3A_233, %abs3A_251 : vector<128x128xf32>
      %scan3A_253 = arith.constant 11 : i32
      %scan3A_254 = arith.addi %scan3A_46, %scan3A_253 : i32
      %add3A_255 = arith.constant 128 : i32
      %add3A_256 = arith.addi %add3A_255, %scan3A_254 : i32
      %get3A_257 = arith.constant 0 : index
      %get3A_258 = arith.index_cast %add3A_256 : i32 to index
      %get3A_259 = arith.constant 0 : index
      %get3A_260 = arith.constant 0 : index
      %get3A_261 = vector.load %arg1[%get3A_257, %get3A_258, %get3A_259, %get3A_260] : memref<1x192x128x128xf32, #tpu.memory_space<vmem>>, vector<1x1x128x128xf32>
      %get3A_262 = vector.shape_cast %get3A_261 : vector<1x1x128x128xf32> to vector<128x128xf32>
      %get3A_263 = arith.index_cast %add3A_256 : i32 to index
      %get3A_264 = arith.constant 0 : index
      %get3A_265 = vector.load %arg5[%get3A_263, %get3A_264] : memref<192x128xf32, #tpu.memory_space<vmem>>, vector<1x128xf32>
      %get3A_266 = vector.shape_cast %get3A_265 : vector<1x128xf32> to vector<128xf32>
      %broadcast_in_dim3A_267 = vector.shape_cast %get3A_266 : vector<128xf32> to vector<1x128xf32>
      %sub3A_268 = vector.broadcast %broadcast_in_dim3A_267 : vector<1x128xf32> to vector<128x128xf32>
      %sub3A_269 = arith.subf %get3A_262, %sub3A_268 : vector<128x128xf32>
      %abs3A_270 = math.absf %sub3A_269 : vector<128x128xf32>
      %add3A_271 = arith.addf %add3A_252, %abs3A_270 : vector<128x128xf32>
      %scan3A_272 = arith.constant 12 : i32
      %scan3A_273 = arith.addi %scan3A_46, %scan3A_272 : i32
      %add3A_274 = arith.constant 128 : i32
      %add3A_275 = arith.addi %add3A_274, %scan3A_273 : i32
      %get3A_276 = arith.constant 0 : index
      %get3A_277 = arith.index_cast %add3A_275 : i32 to index
      %get3A_278 = arith.constant 0 : index
      %get3A_279 = arith.constant 0 : index
      %get3A_280 = vector.load %arg1[%get3A_276, %get3A_277, %get3A_278, %get3A_279] : memref<1x192x128x128xf32, #tpu.memory_space<vmem>>, vector<1x1x128x128xf32>
      %get3A_281 = vector.shape_cast %get3A_280 : vector<1x1x128x128xf32> to vector<128x128xf32>
      %get3A_282 = arith.index_cast %add3A_275 : i32 to index
      %get3A_283 = arith.constant 0 : index
      %get3A_284 = vector.load %arg5[%get3A_282, %get3A_283] : memref<192x128xf32, #tpu.memory_space<vmem>>, vector<1x128xf32>
      %get3A_285 = vector.shape_cast %get3A_284 : vector<1x128xf32> to vector<128xf32>
      %broadcast_in_dim3A_286 = vector.shape_cast %get3A_285 : vector<128xf32> to vector<1x128xf32>
      %sub3A_287 = vector.broadcast %broadcast_in_dim3A_286 : vector<1x128xf32> to vector<128x128xf32>
      %sub3A_288 = arith.subf %get3A_281, %sub3A_287 : vector<128x128xf32>
      %abs3A_289 = math.absf %sub3A_288 : vector<128x128xf32>
      %add3A_290 = arith.addf %add3A_271, %abs3A_289 : vector<128x128xf32>
      %scan3A_291 = arith.constant 13 : i32
      %scan3A_292 = arith.addi %scan3A_46, %scan3A_291 : i32
      %add3A_293 = arith.constant 128 : i32
      %add3A_294 = arith.addi %add3A_293, %scan3A_292 : i32
      %get3A_295 = arith.constant 0 : index
      %get3A_296 = arith.index_cast %add3A_294 : i32 to index
      %get3A_297 = arith.constant 0 : index
      %get3A_298 = arith.constant 0 : index
      %get3A_299 = vector.load %arg1[%get3A_295, %get3A_296, %get3A_297, %get3A_298] : memref<1x192x128x128xf32, #tpu.memory_space<vmem>>, vector<1x1x128x128xf32>
      %get3A_300 = vector.shape_cast %get3A_299 : vector<1x1x128x128xf32> to vector<128x128xf32>
      %get3A_301 = arith.index_cast %add3A_294 : i32 to index
      %get3A_302 = arith.constant 0 : index
      %get3A_303 = vector.load %arg5[%get3A_301, %get3A_302] : memref<192x128xf32, #tpu.memory_space<vmem>>, vector<1x128xf32>
      %get3A_304 = vector.shape_cast %get3A_303 : vector<1x128xf32> to vector<128xf32>
      %broadcast_in_dim3A_305 = vector.shape_cast %get3A_304 : vector<128xf32> to vector<1x128xf32>
      %sub3A_306 = vector.broadcast %broadcast_in_dim3A_305 : vector<1x128xf32> to vector<128x128xf32>
      %sub3A_307 = arith.subf %get3A_300, %sub3A_306 : vector<128x128xf32>
      %abs3A_308 = math.absf %sub3A_307 : vector<128x128xf32>
      %add3A_309 = arith.addf %add3A_290, %abs3A_308 : vector<128x128xf32>
      %scan3A_310 = arith.constant 14 : i32
      %scan3A_311 = arith.addi %scan3A_46, %scan3A_310 : i32
      %add3A_312 = arith.constant 128 : i32
      %add3A_313 = arith.addi %add3A_312, %scan3A_311 : i32
      %get3A_314 = arith.constant 0 : index
      %get3A_315 = arith.index_cast %add3A_313 : i32 to index
      %get3A_316 = arith.constant 0 : index
      %get3A_317 = arith.constant 0 : index
      %get3A_318 = vector.load %arg1[%get3A_314, %get3A_315, %get3A_316, %get3A_317] : memref<1x192x128x128xf32, #tpu.memory_space<vmem>>, vector<1x1x128x128xf32>
      %get3A_319 = vector.shape_cast %get3A_318 : vector<1x1x128x128xf32> to vector<128x128xf32>
      %get3A_320 = arith.index_cast %add3A_313 : i32 to index
      %get3A_321 = arith.constant 0 : index
      %get3A_322 = vector.load %arg5[%get3A_320, %get3A_321] : memref<192x128xf32, #tpu.memory_space<vmem>>, vector<1x128xf32>
      %get3A_323 = vector.shape_cast %get3A_322 : vector<1x128xf32> to vector<128xf32>
      %broadcast_in_dim3A_324 = vector.shape_cast %get3A_323 : vector<128xf32> to vector<1x128xf32>
      %sub3A_325 = vector.broadcast %broadcast_in_dim3A_324 : vector<1x128xf32> to vector<128x128xf32>
      %sub3A_326 = arith.subf %get3A_319, %sub3A_325 : vector<128x128xf32>
      %abs3A_327 = math.absf %sub3A_326 : vector<128x128xf32>
      %add3A_328 = arith.addf %add3A_309, %abs3A_327 : vector<128x128xf32>
      %scan3A_329 = arith.constant 15 : i32
      %scan3A_330 = arith.addi %scan3A_46, %scan3A_329 : i32
      %add3A_331 = arith.constant 128 : i32
      %add3A_332 = arith.addi %add3A_331, %scan3A_330 : i32
      %get3A_333 = arith.constant 0 : index
      %get3A_334 = arith.index_cast %add3A_332 : i32 to index
      %get3A_335 = arith.constant 0 : index
      %get3A_336 = arith.constant 0 : index
      %get3A_337 = vector.load %arg1[%get3A_333, %get3A_334, %get3A_335, %get3A_336] : memref<1x192x128x128xf32, #tpu.memory_space<vmem>>, vector<1x1x128x128xf32>
      %get3A_338 = vector.shape_cast %get3A_337 : vector<1x1x128x128xf32> to vector<128x128xf32>
      %get3A_339 = arith.index_cast %add3A_332 : i32 to index
      %get3A_340 = arith.constant 0 : index
      %get3A_341 = vector.load %arg5[%get3A_339, %get3A_340] : memref<192x128xf32, #tpu.memory_space<vmem>>, vector<1x128xf32>
      %get3A_342 = vector.shape_cast %get3A_341 : vector<1x128xf32> to vector<128xf32>
      %broadcast_in_dim3A_343 = vector.shape_cast %get3A_342 : vector<128xf32> to vector<1x128xf32>
      %sub3A_344 = vector.broadcast %broadcast_in_dim3A_343 : vector<1x128xf32> to vector<128x128xf32>
      %sub3A_345 = arith.subf %get3A_338, %sub3A_344 : vector<128x128xf32>
      %abs3A_346 = math.absf %sub3A_345 : vector<128x128xf32>
      %add3A_347 = arith.addf %add3A_328, %abs3A_346 : vector<128x128xf32>
      scf.yield %add3A_347 : vector<128x128xf32>
    }
    %scan3A_36 = arith.constant 64 : i32
    %add3A_37 = arith.addf %add3A, %scan3A_35 : vector<128x128xf32>
    %swap3A_38 = arith.index_cast %arg0 : i32 to index
    %swap3A_39 = arith.constant 0 : index
    %swap3A_40 = arith.constant 0 : index
    %swap3A_41 = vector.load %arg2[%swap3A_38, %swap3A_39, %swap3A_40] : memref<16x128x128xf32, #tpu.memory_space<vmem>>, vector<1x128x128xf32>
    %swap3A_42 = vector.shape_cast %swap3A_41 : vector<1x128x128xf32> to vector<128x128xf32>
    %swap3A_43 = vector.shape_cast %add3A_37 : vector<128x128xf32> to vector<1x128x128xf32>
    tpu.vector_store %arg2[%swap3A_38, %swap3A_39, %swap3A_40], %swap3A_43 {strides = array<i32>} : memref<16x128x128xf32, #tpu.memory_space<vmem>>, vector<1x128x128xf32>,
    %eq3A = arith.constant 15 : i32
    %eq3A_44 = arith.cmpi eq, %arg0, %eq3A : i32
    %convert_element_type3A = arith.extui %eq3A_44 : i1 to i32
    %cond3A = arith.constant 0 : i32
    %cond3A_45 = arith.cmpi ne, %convert_element_type3A, %cond3A : i32
    scf.if %cond3A_45 {
      %get3A_46 = arith.constant 0 : index
      %get3A_47 = arith.constant 0 : index
      %get3A_48 = arith.constant 0 : index
      %get3A_49 = vector.load %arg2[%get3A_46, %get3A_47, %get3A_48] : memref<16x128x128xf32, #tpu.memory_space<vmem>>, vector<16x128x128xf32>
      %bitcast_convert_type3A = tpu.bitcast %get3A_49 : vector<16x128x128xf32> -> vector<16x128x128xi32>
      %broadcast_in_dim3A_50 = arith.constant 0 : i32
      %broadcast_in_dim3A_51 = vector.broadcast %broadcast_in_dim3A_50 : i32 to vector<16x1x1xi32>
      %scan3A_52 = arith.constant 0 : i32
      %scan3A_53 = arith.constant 31 : i32
      %scan3A_54 = arith.addi %scan3A_52, %scan3A_53 : i32
      %scan3A_55 = arith.constant 1 : i32
      %scan3A_56 = scf.for %scan3A_64 = %scan3A_52 to %scan3A_54 step %scan3A_55 iter_args(%scan3A_65 = %broadcast_in_dim3A_51) -> (vector<16x1x1xi32>)  : i32 {
        %sub3A = arith.constant 30 : i32
        %sub3A_66 = arith.subi %sub3A, %scan3A_64 : i32
        %shift_left3A = arith.constant 1 : i32
        %shift_left3A_67 = arith.shli %shift_left3A, %sub3A_66 : i32
        %or3A = vector.broadcast %shift_left3A_67 : i32 to vector<16x1x1xi32>
        %or3A_68 = arith.ori %scan3A_65, %or3A : vector<16x1x1xi32>
        %ge3A = vector.broadcast %or3A_68 : vector<16x1x1xi32> to vector<16x128x128xi32>
        %ge3A_69 = arith.cmpi sge, %bitcast_convert_type3A, %ge3A : vector<16x128x128xi32>
        %convert_element_type3A_70 = arith.extui %ge3A_69 : vector<16x128x128xi1> to vector<16x128x128xi32>
        %reduce_sum3A_71 = arith.constant dense<0> : vector<16xi32>
        %reduce_sum3A_72 = vector.multi_reduction <add>, %convert_element_type3A_70, %reduce_sum3A_71 [1, 2] : vector<16x128x128xi32> to vector<16xi32>
        %broadcast_in_dim3A_73 = vector.shape_cast %reduce_sum3A_72 : vector<16xi32> to vector<16x1x1xi32>
        %ge3A_74 = arith.constant 1000 : i32
        %ge3A_75 = vector.broadcast %ge3A_74 : i32 to vector<16x1x1xi32>
        %ge3A_76 = arith.cmpi sge, %broadcast_in_dim3A_73, %ge3A_75 : vector<16x1x1xi32>
        %select_n3A = arith.select %ge3A_76, %or3A_68, %scan3A_65 : vector<16x1x1xi1>, vector<16x1x1xi32>
        scf.yield %select_n3A : vector<16x1x1xi32>
      }
      %scan3A_57 = arith.constant 31 : i32
      %bitcast_convert_type3A_58 = tpu.bitcast %scan3A_56 : vector<16x1x1xi32> -> vector<16x1x1xf32>
      %reshape3A = vector.shape_cast %bitcast_convert_type3A_58 : vector<16x1x1xf32> to vector<16x1xf32>
      %broadcast_in_dim3A_59 = vector.shape_cast %reshape3A : vector<16x1xf32> to vector<16x1xf32>
      %broadcast_in_dim3A_60 = vector.broadcast %broadcast_in_dim3A_59 : vector<16x1xf32> to vector<16x16xf32>
      %swap3A_61 = arith.constant 0 : index
      %swap3A_62 = arith.constant 0 : index
      %swap3A_63 = vector.load %arg3[%swap3A_61, %swap3A_62] : memref<16x16xf32, #tpu.memory_space<vmem>>, vector<16x16xf32>
      tpu.vector_store %arg3[%swap3A_61, %swap3A_62], %broadcast_in_dim3A_60 {strides = array<i32>} : memref<16x16xf32, #tpu.memory_space<vmem>>, vector<16x16xf32>,
    } else {
    }
    return
  }
  func.func @transform_0(%arg0: i32) -> (i32, i32, i32, i32) {
    %c0_i32 = arith.constant 0 : i32
    %c0_i32_0 = arith.constant 0 : i32
    %c0_i32_1 = arith.constant 0 : i32
    %c0_i32_2 = arith.constant 0 : i32
    return %arg0, %c0_i32, %c0_i32_0, %c0_i32_1 : i32, i32, i32, i32
  }
  func.func @transform_1(%arg0: i32) -> (i32, i32, i32) {
    %c0_i32 = arith.constant 0 : i32
    %c0_i32_0 = arith.constant 0 : i32
    %c0_i32_1 = arith.constant 0 : i32
    %c0_i32_2 = arith.constant 0 : i32
    return %c0_i32, %c0_i32_0, %c0_i32_1 : i32, i32, i32
  }
  func.func @transform_2(%arg0: i32) -> (i32, i32) {
    %c0_i32 = arith.constant 0 : i32
    %c0_i32_0 = arith.constant 0 : i32
    %c0_i32_1 = arith.constant 0 : i32
    return %c0_i32, %c0_i32_0 : i32, i32
  }
}

</mosaic_0001>

<sc_bundles>
// kernel: kernel.4.cloned.1.call-start
scs
__scs_entry_jumppad:
0x0: {  	(pc) =	sbr.rel $0x88, $3  }
0x1: {  	(tag) =	ssettag $0x0;
	lr =	simm.s32 $0x1  }
0x2: {  	[smem:$0x3FA0] =	sst lr;
	_ =	strace $0xD0000000  }
0x3: {  	_ = 	snop  }
0x4: {  	_ = 	snop  }
0x5: {  	_ = 	snop  }
0x6: {  	_ = 	snop  }
0x7: {  	_ = 	snop  }
__scs_overlays_trampoline_lowered:
0x8: {  	[smem:$0x3FAF] =	sst s0  }
0x9: {  	[smem:$0x3FB0] =	sst s1  }
0xa: {  	[smem:$0x3FB1] =	sst s2  }
0xb: {  	[smem:$0x3FB2] =	sst s3  }
0xc: {  	[smem:$0x3FB3] =	sst s4  }
0xd: {  	[smem:$0x3FB4] =	sst s5  }
0xe: {  	[smem:$0x3FB5] =	sst s6  }
0xf: {  	[smem:$0x3FB6] =	sst s7  }
0x10: {  	[smem:$0x3FB7] =	sst s8  }
0x11: {  	[smem:$0x3FB8] =	sst s9;
	s0 =	simm.s32 @!p0 $0x0  }
0x12: {  	s1 =	sld [smem:$0x3F9E];
	s0 =	simm.s32 @p0 $0x1  }
0x13: {  	[smem:$0x3FB9] =	sst s0;
	s0 =	simm.s32 @!p1 $0x0  }
0x14: {  	s2 =	sld [smem:$0x3F9D];
	s0 =	simm.s32 @p1 $0x1  }
0x15: {  	[smem:$0x3FBA] =	sst s0;
	s0 =	simm.s32 @!p2 $0x0  }
0x16: {  	s3 =	sld [smem:$0x3FDB];
	s0 =	simm.s32 @p2 $0x1  }
0x17: {  	s4 =	simm.s32 $0x1BF5;
	[smem:$0x3FBC] =	sst s0  }
0x18: {  	s0 =	sld [smem:$0x3F9F];
	_ =	swait.ge [sflag:s4], $0x0  }
0x19: {  	s7 =	sld [smem:$0x3FA0]  }
0x1a: {  	s8 =	sadd.s32 $0xFFFFE003, lr  }
0x1b: {  	s9 =	sadd.s32 $0xFFFFFEF7, lr;
	s5 =	simm.s32 $0xFFFFFFFF;
	p2 =	slt.u32 s8, $0xFFFFF086  }
0x1c: {  	p1 =	slt.u32 s9, $0xF7A;
	s5 =	simm.s32 @!p2 $0x0  }
0x1d: {  	s5 =	simm.s32 @p1 $0x1;
	p0 =	seq.s32 s7, s2  }
0x1e: {  	s7 =	smul.u32 @!p0 $0xF7A, s2;
	p2 =	seq.s32 @!p0 s5, $0x0  }
0x1f: {  	s9 =	smul.u32 $0xF7A, s1;
	s8 =	simm.s32 @!p0 $0x1BF5;
	p2 =	por !p2, p0  }
0x20: {  	[sflag:s8] =	ssyncset.s32 @!p0 $0xFFFFF086;
	s6 =	sadd.s32 @!p0 s3, s7;
	s7 =	simm.s32 @!p0 $0x108  }
0x21: {  	s3 =	sadd.s32 s3, s9;
	s6 =	sadd.s32 @!p0 $0x88, s6;
	s7 =	simm.s32 @p2 $0x1082  }
0x22: {  	[simem:s7], [sflag:s8] =	dma.local @!p0 [hbm:s6], $0xF7A  }
0x23: {  	s9 =	sor.u32 $0xD0000000, s2;
	s6 =	simm.s32 $0x108;
	_ =	swait.ge @!p0 [sflag:s8], $0x0  }
0x24: {  	s3 =	sadd.s32 $0x88, s3;
	s6 =	simm.s32 @!p1 $0x1082;
	[sflag:s4] =	ssyncset.s32 $0xFFFFF086  }
0x25: {  	[simem:s6], [sflag:s4] =	dma.local [hbm:s3], $0xF7A  }
0x26: {  	[smem:$0x3FA0] =	sst s1;
	(tag) =	ssettag s2;
	_ =	strace s9  }
0x27: {  	s1 =	sld [smem:$0x3FB0]  }
0x28: {  	s2 =	sld [smem:$0x3FB1]  }
0x29: {  	s4 =	sld [smem:$0x3FB3]  }
0x2a: {  	p0 =	seq.s32 s5, $0x0;
	s5 =	sld [smem:$0x3FB4]  }
0x2b: {  	s6 =	sld [smem:$0x3FB5]  }
0x2c: {  	s7 =	sld [smem:$0x3FB6]  }
0x2d: {  	s3 =	simm.s32 $0x108;
	s8 =	sld [smem:$0x3FB7]  }
0x2e: {  	s3 =	simm.s32 @!p0 $0x1082;
	s9 =	sld [smem:$0x3FB8]  }
0x2f: {  	lr =	sadd.s32 s0, s3;
	s0 =	sld [smem:$0x3FAF]  }
0x30: {  	s3 =	sld [smem:$0x3FB2]  }
0x31: {  	[smem:$0x3FBB] =	sst s10  }
0x32: {  	s10 =	sld [smem:$0x3FB9];
	_ =	sdelay $0x3  }
0x33: {  	p0 =	seq.s32 s10, $0x1;
	s10 =	sld [smem:$0x3FBB];
	_ =	sdelay $0x3  }
0x34: {  	[smem:$0x3FBB] =	sst s10  }
0x35: {  	s10 =	sld [smem:$0x3FBA];
	_ =	sdelay $0x3  }
0x36: {  	p1 =	seq.s32 s10, $0x1;
	s10 =	sld [smem:$0x3FBB];
	_ =	sdelay $0x3  }
0x37: {  	[smem:$0x3FBB] =	sst s10  }
0x38: {  	s10 =	sld [smem:$0x3FBC]  }
0x39: {  	_ = 	snop;
	(pc) =	sbr.ind lr, $3  }
0x3a: {  	_ = 	snop  }
0x3b: {  	_ = 	snop  }
0x3c: {  	p2 =	seq.s32 s10, $0x1;
	s10 =	sld [smem:$0x3FBB]  }
0x3d: {  	_ =	shalt  }
0x3e: {  	_ =	shalt  }
0x3f: {  	_ =	shalt  }
0x40: {  	_ =	shalt  }
0x41: {  	_ =	shalt  }
0x42: {  	_ =	shalt  }
0x43: {  	_ =	shalt  }
0x44: {  	_ =	shalt  }
0x45: {  	_ =	shalt  }
0x46: {  	_ =	shalt  }
0x47: {  	_ =	shalt  }
0x48: {  	_ =	shalt  }
0x49: {  	_ =	shalt  }
0x4a: {  	_ =	shalt  }
0x4b: {  	_ =	shalt  }
0x4c: {  	_ =	shalt  }
0x4d: {  	_ =	shalt  }
0x4e: {  	_ =	shalt  }
0x4f: {  	_ =	shalt  }
0x50: {  	_ =	shalt  }
0x51: {  	_ =	shalt  }
0x52: {  	_ =	shalt  }
0x53: {  	_ =	shalt  }
0x54: {  	_ =	shalt  }
0x55: {  	_ =	shalt  }
0x56: {  	_ =	shalt  }
0x57: {  	_ =	shalt  }
0x58: {  	_ =	shalt  }
0x59: {  	_ =	shalt  }
0x5a: {  	_ =	shalt  }
0x5b: {  	_ =	shalt  }
0x5c: {  	_ =	shalt  }
0x5d: {  	_ =	shalt  }
0x5e: {  	_ =	shalt  }
0x5f: {  	_ =	shalt  }
0x60: {  	_ =	shalt  }
0x61: {  	_ =	shalt  }
0x62: {  	_ =	shalt  }
0x63: {  	_ =	shalt  }
0x64: {  	_ =	shalt  }
0x65: {  	_ =	shalt  }
0x66: {  	_ =	shalt  }
0x67: {  	_ =	shalt  }
0x68: {  	_ =	shalt  }
0x69: {  	_ =	shalt  }
0x6a: {  	_ =	shalt  }
0x6b: {  	_ =	shalt  }
0x6c: {  	_ =	shalt  }
0x6d: {  	_ =	shalt  }
0x6e: {  	_ =	shalt  }
0x6f: {  	_ =	shalt  }
0x70: {  	_ =	shalt  }
0x71: {  	_ =	shalt  }
0x72: {  	_ =	shalt  }
0x73: {  	_ =	shalt  }
0x74: {  	_ =	shalt  }
0x75: {  	_ =	shalt  }
0x76: {  	_ =	shalt  }
0x77: {  	_ =	shalt  }
0x78: {  	_ =	shalt  }
0x79: {  	_ =	shalt  }
0x7a: {  	_ =	shalt  }
0x7b: {  	_ =	shalt  }
0x7c: {  	_ =	shalt  }
0x7d: {  	_ =	shalt  }
0x7e: {  	_ =	shalt  }
0x7f: {  	_ =	shalt  }
0x80: {  	_ =	shalt  }
0x81: {  	_ =	shalt  }
0x82: {  	_ =	shalt  }
0x83: {  	_ =	shalt  }
0x84: {  	_ =	shalt  }
0x85: {  	_ =	shalt  }
0x86: {  	_ =	shalt  }
0x87: {  	_ =	shalt  }
.Lfunc_end0:
.L_simem_size_0:
called_computation_lowered:
.L_overlay_start_0:
0x88: {  	s2 =	sld [smem:$0x3FD9]  }
0x89: {  	s3 =	sld [smem:$0x3FFE];
	_ =	sdelay $0x1  }
0x8a: {  	s1 =	srdreg.scid  }
0x8b: {  	s0 =	sand.u32 $0x1, s1  }
0x8c: {  	s17 =	sshll.u32 s0, $0xA;
	s2 =	sadd.s32 s3, s2  }
0x8d: {  	s2 =	sadd.s32 s2, s17  }
0x8e: {  	[smem:$0x3FC7] =	sst s2  }
0x8f: {  	_ = 	snop  }
0x90: {  	s2 =	sld [smem:$0x3FD0];
	(tm) =	ssettm $0x1  }
0x91: {  	s18 =	sld [smem:$0x3FFB];
	_ =	sdelay $0x3  }
0x92: {  	_ =	strace s18  }
0x93: {  	s3 =	sld [smem:$0x3FFC];
	_ =	sdelay $0x3  }
0x94: {  	_ =	strace s3  }
0x95: {  	s3 =	sld [smem:$0x3FFD];
	_ =	sdelay $0x3  }
0x96: {  	_ =	strace s3  }
0x97: {  	_ =	strace $0x8FFFFFFF  }
0x98: {  	s19 =	sld [smem:$0x3FDB];
	_ =	sdelay $0x1  }
0x99: {  	s4 =	simm.s32 $_scs_section_size  }
0x9a: {  	s5 =	simm.s32 $_size__tile_overlayer_lowered;
	s6 =	simm.s32 $_tile_overlayer_lowered  }
0x9b: {  	s22 =	simm.s32 $0x1BFF;
	s21 =	sshll.u32 s6, $0x1;
	s3 =	sadd.s32 s4, s19  }
0x9c: {  	s7 =	simm.s32 $0x0;
	s20 =	sshll.u32 s5, $0x1;
	s5 =	sadd.s32 s21, s3  }
0x9d: {  	[timem:s7], [sflag:s22] =	dma.local [hbm:s5], s20  }
0x9e: {  	_ =	swait.ge [sflag:s22], s20  }
0x9f: {  	s4 =	ssub.s32 $0x0, s20;
	[sflag:s22] =	ssyncset.done $0x0  }
0xa0: {  	[sflag:s22] =	ssyncadd.s32 s4;
	_ =	sdelay $0x1  }
0xa1: {  	s23 =	simm.s32 $0x1B8B  }
0xa2: {  	_ =	swait.ge [sflag:s23], $0x1  }
0xa3: {  	[sflag:s23] =	ssyncset.done $0x0  }
0xa4: {  	s25 =	simm.s32 $0x1B8E;
	s24 =	sld [smem:$0x3FFE];
	[sflag:s23] =	ssyncadd.s32 $0xFFFFFFFF  }
0xa5: {  	s26 =	simm.s32 $execute0_lowered;
	[smem:$0x3FD2] =	sst s25  }
0xa6: {  	s5 =	sshll.u32 s26, $0x1;
	_ =	strace $0x80000046;
	[dreg:$0x1] =	wrdreg $0xFFFFFFFF  }
0xa7: {  	s28 =	simm.s32 $_size_execute0_lowered;
	s3 =	sadd.s32 s3, s5;
	[dreg:$0x0] =	wrdreg $0x0  }
0xa8: {  	s5 =	sshll.u32 s28, $0x1;
	[dreg:$0x2] =	wrdreg s3  }
0xa9: {  	[dreg:$0x3] =	wrdreg s5  }
0xaa: {  	[dreg:$0x4] =	wrdreg $0xC0  }
0xab: {  	_ =	task [dreg:s7], $0x5FFFF  }
0xac: {  	[dreg:$0x1] =	wrdreg $0xFFFFFFFF  }
0xad: {  	[dreg:$0x0] =	wrdreg $0x60  }
0xae: {  	[dreg:$0x2] =	wrdreg s24  }
0xaf: {  	[dreg:$0x3] =	wrdreg s2  }
0xb0: {  	[dreg:$0x4] =	wrdreg $0x9  }
0xb1: {  	_ =	task.clear_ibuf [dreg:s7], $0x5FFFF;
	_ =	strace $0x90000046  }
0xb2: {  	s29 =	simm.s32 $0x9;
	_ =	strace $0x80000048  }
0xb3: {  	_ =	swait.ge [sflag:s29], $0x1  }
0xb4: {  	[sflag:s29] =	ssyncadd.s32 $0xFFFFFFFF  }
0xb5: {  	_ =	strace $0x90000048  }
0xb6: {  	_ =	sfence  }
0xb7: {  	s30 =	sld [smem:$0x0];
	_ =	sdelay $0x2  }
0xb8: {  	s31 =	sshll.u32 s1, $0xD;
	s1 =	sshrl.u32 s1, $0x2  }
0xb9: {  	s3 =	sand.u32 $0x4000, s31;
	s1 =	sadd.s32 s1, s30  }
0xba: {  	s0 =	sor.u32 s3, s0;
	s1 =	sshll.u32 s1, $0x11  }
0xbb: {  	s0 =	sor.u32 s1, s0  }
0xbc: {  	s0 =	sadd.s32 $0x8F2B, s0  }
0xbd: {  	[sflag:s0] =	ssyncadd.remote.s32 $0x1  }
0xbe: {  	_ =	sfence.sel $0xFFFF  }
0xbf: {  	[dreg:$0x0] =	wrdreg $0xFFFFFFFF;
	(pc) =	sbr.abs _section_cstart, $3  }
0xc0: {  	[dreg:$0x1] =	wrdreg $0xFFFFFFFF  }
0xc1: {  	_ =	task.clear_ibuf [dreg:s7], $0x2FFFF;
	_ =	strace $0x9FFFFFFF  }
0xc2: {  	(tm) =	ssettm $0x7FFFFFFF  }
0xc3: {  	_ =	shalt  }
tec
execute0_lowered:
.L_overlay_start_1:
0x0: {  	(tag) =	ssettag $0x1  }
0x1: {  	s1 =	stileid.u32  }
0x2: {  	p0 =	sgt.u32 s1, $0x7  }
.Ltmp0:
0x3: {  	_ = 	snop;
	(pc) =	sbr.rel @p0 .LBB2_7-.Ltmp0, $4  }
0x4: {  	s3 =	rddreg [dreg:$0x0]  }
0x5: {  	s4 =	rddreg [dreg:$0x1];
	s2 =	simm.s32 $0x0  }
0x6: {  	[smem:$0x7FF] =	sst s2  }
0x7: {  	s0 =	rddreg [dreg:$0x2];
	_ =	strace $0x80000047  }
0x8: {  	vm7 =	vcmask $0x300  }
0x9: {  	v11 =	vimm.s32 $0x2EDF;
	vm6 =	vcmask $0x704;
	v0 =	vimm.s32 $0x0  }
0xa: {  	vm4 =	vcmask $0xB08;
	vm3 =	vcmask $0xF0C;
	vm1 =	vcmask $0x1310  }
0xb: {  	vm0 =	vcmask $0x1714;
	vm2 =	vcmask $0x1B18;
	vm5 =	vcmask $0x1F1C  }
0xc: {  	v1 =	vsel vm7, $0x2E80, v11;
	v3 =	vsel vm7, $0x2E81, v11;
	v4 =	vsel vm7, $0x2E82, v11  }
0xd: {  	v5 =	vsel vm7, $0x2E83, v11;
	v6 =	vsel vm7, $0x2E84, v11;
	v7 =	vsel vm7, $0x2E85, v11  }
0xe: {  	v8 =	vsel vm7, $0x2E86, v11;
	v9 =	vsel vm7, $0x2E87, v11;
	v10 =	vsel vm7, $0x2E88, v11  }
0xf: {  	v12 =	vsel vm7, $0x2E89, v11;
	v13 =	vsel vm7, $0x2E8A, v11;
	v11 =	vsel vm7, $0x2E8B, v11  }
0x10: {  	v2 =	vsel vm6, $0x2E8C, v1;
	v1 =	vlaneseq.u32;
	v3 =	vsel vm6, $0x2E8D, v3  }
0x11: {  	v4 =	vsel vm6, $0x2E8E, v4;
	v5 =	vsel vm6, $0x2E8F, v5;
	v6 =	vsel vm6, $0x2E90, v6  }
0x12: {  	v7 =	vsel vm6, $0x2E91, v7;
	v8 =	vsel vm6, $0x2E92, v8;
	v9 =	vsel vm6, $0x2E93, v9  }
0x13: {  	v10 =	vsel vm6, $0x2E94, v10;
	v12 =	vsel vm6, $0x2E95, v12;
	v13 =	vsel vm6, $0x2E96, v13  }
0x14: {  	v11 =	vsel vm6, $0x2E97, v11;
	v2 =	vsel vm4, $0x2E98, v2;
	v3 =	vsel vm4, $0x2E99, v3  }
0x15: {  	v4 =	vsel vm4, $0x2E9A, v4;
	v5 =	vsel vm4, $0x2E9B, v5;
	v6 =	vsel vm4, $0x2E9C, v6  }
0x16: {  	v7 =	vsel vm4, $0x2E9D, v7;
	v8 =	vsel vm4, $0x2E9E, v8;
	v9 =	vsel vm4, $0x2E9F, v9  }
0x17: {  	v10 =	vsel vm4, $0x2EA0, v10;
	v12 =	vsel vm4, $0x2EA1, v12;
	v13 =	vsel vm4, $0x2EA2, v13  }
0x18: {  	v11 =	vsel vm4, $0x2EA3, v11;
	v2 =	vsel vm3, $0x2EA4, v2;
	v3 =	vsel vm3, $0x2EA5, v3  }
0x19: {  	v4 =	vsel vm3, $0x2EA6, v4;
	v5 =	vsel vm3, $0x2EA7, v5;
	v6 =	vsel vm3, $0x2EA8, v6  }
0x1a: {  	v7 =	vsel vm3, $0x2EA9, v7;
	v8 =	vsel vm3, $0x2EAA, v8;
	v9 =	vsel vm3, $0x2EAB, v9  }
0x1b: {  	v10 =	vsel vm3, $0x2EAC, v10;
	v12 =	vsel vm3, $0x2EAD, v12;
	v13 =	vsel vm3, $0x2EAE, v13  }
0x1c: {  	v11 =	vsel vm3, $0x2EAF, v11;
	v2 =	vsel vm1, $0x2EB0, v2;
	v3 =	vsel vm1, $0x2EB1, v3  }
0x1d: {  	v4 =	vsel vm1, $0x2EB2, v4;
	v5 =	vsel vm1, $0x2EB3, v5;
	v6 =	vsel vm1, $0x2EB4, v6  }
0x1e: {  	v7 =	vsel vm1, $0x2EB5, v7;
	v8 =	vsel vm1, $0x2EB6, v8;
	v9 =	vsel vm1, $0x2EB7, v9  }
0x1f: {  	v10 =	vsel vm1, $0x2EB8, v10;
	v12 =	vsel vm1, $0x2EB9, v12;
	v13 =	vsel vm1, $0x2EBA, v13  }
0x20: {  	v11 =	vsel vm1, $0x2EBB, v11;
	v2 =	vsel vm0, $0x2EBC, v2;
	v3 =	vsel vm0, $0x2EBD, v3  }
0x21: {  	v4 =	vsel vm0, $0x2EBE, v4;
	v5 =	vsel vm0, $0x2EBF, v5;
	v6 =	vsel vm0, $0x2EC0, v6  }
0x22: {  	v7 =	vsel vm0, $0x2EC1, v7;
	v8 =	vsel vm0, $0x2EC2, v8;
	v9 =	vsel vm0, $0x2EC3, v9  }
0x23: {  	v10 =	vsel vm0, $0x2EC4, v10;
	v12 =	vsel vm0, $0x2EC5, v12;
	v13 =	vsel vm0, $0x2EC6, v13  }
0x24: {  	s5 =	srdreg.scid;
	v14 =	vsel vm0, $0x2EC7, v11;
	v2 =	vsel vm2, $0x2EC8, v2;
	v3 =	vsel vm2, $0x2EC9, v3  }
0x25: {  	s6 =	sshll.u32 s1, $0x1;
	s5 =	sand.u32 $0x1, s5;
	v4 =	vsel vm2, $0x2ECA, v4;
	v5 =	vsel vm2, $0x2ECB, v5;
	v6 =	vsel vm2, $0x2ECC, v6  }
0x26: {  	s7 =	sadd.s32 $0x800, s3;
	s10 =	simm.s32 $0x4480;
	s6 =	sor.u32 s5, s6;
	v7 =	vsel vm2, $0x2ECD, v7;
	v8 =	vsel vm2, $0x2ECE, v8;
	v9 =	vsel vm2, $0x2ECF, v9  }
0x27: {  	s11 =	simm.s32 $0x0;
	s5 =	ssub.s32 $0x2, s5;
	s8 =	sshll.u32 s6, $0x1;
	v10 =	vsel vm2, $0x2ED0, v10;
	v12 =	vsel vm2, $0x2ED1, v12;
	v13 =	vsel vm2, $0x2ED2, v13  }
0x28: {  	s30 =	smul.u32 $0x5DC, s6;
	s9 =	sshrl.u32 s5, $0x1;
	s6 =	sshll.u32 s6, $0xB;
	v2 =	vsel vm5, $0x2ED4, v2;
	v3 =	vsel vm5, $0x2ED5, v3;
	v4 =	vsel vm5, $0x2ED6, v4  }
0x29: {  	s29 =	sadd.s32 s8, s3;
	s31 =	ssub.s32 s5, s9;
	s5 =	sadd.s32 s7, s6;
	v5 =	vsel vm5, $0x2ED7, v5;
	v6 =	vsel vm5, $0x2ED8, v6;
	v7 =	vsel vm5, $0x2ED9, v7  }
0x2a: {  	s7 =	simm.s32 $0x1;
	s8 =	simm.s32 $0x4000;
	s9 =	simm.s32 $0x4080;
	v8 =	vsel vm5, $0x2EDA, v8;
	v9 =	vsel vm5, $0x2EDB, v9;
	v10 =	vsel vm5, $0x2EDC, v10  }
0x2b: {  	s3 =	sadd.s32 $0x8800, s29;
	s4 =	sadd.s32 s4, s30;
	s6 =	smax.u32 s31, $0x1;
	v11 =	vsel vm5, $0x2EDD, v12;
	v12 =	vsel vm5, $0x2EDE, v13;
	v13 =	vsel vm2, $0x2ED3, v14  }
.LBB2_2:
0x2c: {  	[tilespmem:s2], [sflag:$0x1] =	stream.linear.gather [hbm4b:s5+s2], $0x4000, $0x38;
	[tilespmem:$0x7380] =	vst v63  }
0x2d: {  	_ =	swait.ge [sflag:s7], $0x4000  }
0x2e: {  	[sflag:s7] =	ssyncset.done $0x0  }
0x2f: {  	[sflag:s7] =	ssyncadd.s32 $0xFFFFC000  }
0x30: {  	[tilespmem:s8], [sflag:$0x1] =	stream.linear.gather [hbm4b:s3+s2], $0x10, $0x38;
	[tilespmem:$0x7380] =	vst v63  }
0x31: {  	_ =	swait.ge [sflag:s7], $0x10  }
0x32: {  	[sflag:s7] =	ssyncset.done $0x0  }
0x33: {  	[sflag:s7] =	ssyncadd.s32 $0xFFFFFFF0  }
0x34: {  	[tilespmem:$0x4080] =	vst v0  }
0x35: {  	[tilespmem:$0x4090] =	vst v0  }
0x36: {  	[tilespmem:$0x40A0] =	vst v0  }
0x37: {  	[tilespmem:$0x40B0] =	vst v0  }
0x38: {  	[tilespmem:$0x40C0] =	vst v0  }
0x39: {  	[tilespmem:$0x40D0] =	vst v0  }
0x3a: {  	[tilespmem:$0x40E0] =	vst v0  }
0x3b: {  	[tilespmem:$0x40F0] =	vst v0  }
0x3c: {  	[tilespmem:$0x4100] =	vst v0  }
0x3d: {  	[tilespmem:$0x4110] =	vst v0  }
0x3e: {  	[tilespmem:$0x4120] =	vst v0  }
0x3f: {  	[tilespmem:$0x4130] =	vst v0  }
0x40: {  	[tilespmem:$0x4140] =	vst v0  }
0x41: {  	[tilespmem:$0x4150] =	vst v0  }
0x42: {  	[tilespmem:$0x4160] =	vst v0  }
0x43: {  	[tilespmem:$0x4170] =	vst v0  }
0x44: {  	[tilespmem:$0x4180] =	vst v0  }
0x45: {  	[tilespmem:$0x4190] =	vst v0  }
0x46: {  	[tilespmem:$0x41A0] =	vst v0  }
0x47: {  	[tilespmem:$0x41B0] =	vst v0  }
0x48: {  	[tilespmem:$0x41C0] =	vst v0  }
0x49: {  	[tilespmem:$0x41D0] =	vst v0  }
0x4a: {  	[tilespmem:$0x41E0] =	vst v0  }
0x4b: {  	[tilespmem:$0x41F0] =	vst v0  }
0x4c: {  	[tilespmem:$0x4200] =	vst v0  }
0x4d: {  	[tilespmem:$0x4210] =	vst v0  }
0x4e: {  	[tilespmem:$0x4220] =	vst v0  }
0x4f: {  	[tilespmem:$0x4230] =	vst v0  }
0x50: {  	[tilespmem:$0x4240] =	vst v0  }
0x51: {  	[tilespmem:$0x4250] =	vst v0  }
0x52: {  	[tilespmem:$0x4260] =	vst v0  }
0x53: {  	[tilespmem:$0x4270] =	vst v0  }
0x54: {  	[tilespmem:$0x4280] =	vst v0  }
0x55: {  	[tilespmem:$0x4290] =	vst v0  }
0x56: {  	[tilespmem:$0x42A0] =	vst v0  }
0x57: {  	[tilespmem:$0x42B0] =	vst v0  }
0x58: {  	[tilespmem:$0x42C0] =	vst v0  }
0x59: {  	[tilespmem:$0x42D0] =	vst v0  }
0x5a: {  	[tilespmem:$0x42E0] =	vst v0  }
0x5b: {  	[tilespmem:$0x42F0] =	vst v0  }
0x5c: {  	[tilespmem:$0x4300] =	vst v0  }
0x5d: {  	[tilespmem:$0x4310] =	vst v0  }
0x5e: {  	[tilespmem:$0x4320] =	vst v0  }
0x5f: {  	[tilespmem:$0x4330] =	vst v0  }
0x60: {  	[tilespmem:$0x4340] =	vst v0  }
0x61: {  	[tilespmem:$0x4350] =	vst v0  }
0x62: {  	[tilespmem:$0x4360] =	vst v0  }
0x63: {  	[tilespmem:$0x4370] =	vst v0  }
0x64: {  	[tilespmem:$0x4380] =	vst v0  }
0x65: {  	[tilespmem:$0x4390] =	vst v0  }
0x66: {  	[tilespmem:$0x43A0] =	vst v0  }
0x67: {  	[tilespmem:$0x43B0] =	vst v0  }
0x68: {  	[tilespmem:$0x43C0] =	vst v0  }
0x69: {  	[tilespmem:$0x43D0] =	vst v0  }
0x6a: {  	[tilespmem:$0x43E0] =	vst v0  }
0x6b: {  	[tilespmem:$0x43F0] =	vst v0  }
0x6c: {  	[tilespmem:$0x4400] =	vst v0  }
0x6d: {  	[tilespmem:$0x4410] =	vst v0  }
0x6e: {  	[tilespmem:$0x4420] =	vst v0  }
0x6f: {  	[tilespmem:$0x4430] =	vst v0  }
0x70: {  	[tilespmem:$0x4440] =	vst v0  }
0x71: {  	[tilespmem:$0x4450] =	vst v0  }
0x72: {  	[tilespmem:$0x4460] =	vst v0  }
0x73: {  	s12 =	simm.s32 $0xFFFFFFFE;
	s15 =	simm.s32 $0x40;
	s16 =	simm.s32 $0x40;
	v15 =	vimm.s32 $0x0;
	v14 =	vld [tilespmem:$0x4000];
	[tilespmem:$0x4470] =	vst v0  }
.LBB2_3:
0x74: {  	v16 =	vld [tilespmem:s15+$0xFFFFFFC0];
	_ =	sdelay $0x1  }
0x75: {  	v17 =	vld [tilespmem:s15+$0xFFFFFFD0];
	_ =	sdelay $0x2  }
0x76: {  	vm2 =	vge.f32 v16, v14  }
0x77: {  	v16 =	vld [tilespmem:s15+$0xFFFFFFE0];
	v18 =	vsel vm2, $0x1, v0  }
0x78: {  	v19 =	vld [tilespmem:s15+$0xFFFFFFF0];
	vm3 =	vge.f32 v17, v14;
	(xrf0) =	vadd.scan.msk.s32 $0xffff, v18  }
0x79: {  	v17 =	vsel vm3, $0x1, v0  }
0x7a: {  	(xrf0) =	vadd.scan.msk.s32 $0xffff, v17;
	_ =	sdelay $0x1  }
0x7b: {  	vm1 =	vge.f32 v16, v14  }
0x7c: {  	vm0 =	vge.f32 v19, v14;
	v16 =	vsel vm1, $0x1, v0  }
0x7d: {  	v46 =	vmpcnt.ones.xlane vm2;
	v17, _, _ =	vpop (xrf0);
	(xrf0) =	vadd.scan.msk.s32 $0xffff, v16;
	v16 =	vsel vm0, $0x1, v0  }
0x7e: {  	v20 =	vmpcnt.ones.xlane vm1;
	(xrf0) =	vadd.scan.msk.s32 $0xffff, v16;
	v17 =	vadd.s32 v15, v17  }
0x7f: {  	v16 =	vmpcnt.ones.xlane vm3;
	v47, _, _ =	vpop (xrf0);
	v15 =	vadd.s32 v15, v46;
	v21 =	vadd.s32 $0xFFFFFFFF, v17  }
0x80: {  	vm4 =	vlt.s32 v17, $0x3E9;
	v17 =	vadd.s32 v47, v15;
	vm5 =	vgt.s32 v21, $0x0  }
0x81: {  	vm2 =	vmand vm2, vm4;
	v19 =	vadd.s32 $0xFFFFFFFF, v17;
	vm15 =	vlt.s32 v17, $0x3E9  }
0x82: {  	v15 =	vadd.s32 v16, v15;
	v48 =	vnsel vm5, $0x0, v21;
	vm8 =	vgt.s32 v19, $0x0  }
0x83: {  	vm3 =	vmand vm3, vm15;
	v18 =	vmin.u32 v48, $0x3FF;
	v19 =	vnsel vm8, $0x0, v19;
	v17, _, _ =	vpop (xrf0)  }
0x84: {  	v19 =	vmin.u32 v19, $0x3FF;
	v16, _, _ =	vpop (xrf0);
	v17 =	vadd.s32 v17, v15;
	v15 =	vadd.s32 v20, v15  }
0x85: {  	vm9 =	vlt.s32 v17, $0x3E9;
	v17 =	vadd.s32 $0xFFFFFFFF, v17;
	v16 =	vadd.s32 v16, v15  }
0x86: {  	vm1 =	vmand vm1, vm9;
	vm10 =	vgt.s32 v17, $0x0;
	v49 =	vadd.s32 $0xFFFFFFFF, v16  }
0x87: {  	vm11 =	vlt.s32 v16, $0x3E9;
	v17 =	vnsel vm10, $0x0, v17;
	vm12 =	vgt.s32 v49, $0x0  }
0x88: {  	vm4 =	vmand vm0, vm11;
	v16 =	vmin.u32 v17, $0x3FF;
	v17 =	vnsel vm12, $0x0, v49  }
0x89: {  	s13 =	sadd.s32 $0xFFFFFFC0, s16;
	v17 =	vmin.u32 v17, $0x3FF  }
0x8a: {  	s14 =	sadd.s32 $0xFFFFFFD0, s16;
	v50 =	vor.u32 s13, v1  }
0x8b: {  	s26 =	sadd.s32 $0xFFFFFFE0, s16;
	v51 =	vor.u32 s14, v1;
	[tilespmem:v18+s9+$0x0] =	vst.idx.msk vm2, v50  }
0x8c: {  	s28 =	sadd.s32 $0xFFFFFFF0, s16;
	v52 =	vor.u32 s26, v1;
	[tilespmem:v19+s9+$0x0] =	vst.idx.msk vm3, v51  }
0x8d: {  	[tilespmem:v16+s9+$0x0] =	vst.idx.msk vm1, v52;
	v16 =	vor.u32 s28, v1  }
0x8e: {  	[tilespmem:v17+s9+$0x0] =	vst.idx.msk vm4, v16  }
0x8f: {  	v16 =	vld [tilespmem:s15+$0x0];
	_ =	sdelay $0x1  }
0x90: {  	v17 =	vld [tilespmem:s15+$0x10];
	_ =	sdelay $0x2  }
0x91: {  	vm13 =	vge.f32 v16, v14  }
0x92: {  	v16 =	vld [tilespmem:s15+$0x20];
	v53 =	vsel vm13, $0x1, v0  }
0x93: {  	v19 =	vld [tilespmem:s15+$0x30];
	vm14 =	vge.f32 v17, v14;
	(xrf0) =	vadd.scan.msk.s32 $0xffff, v53  }
0x94: {  	v17 =	vsel vm14, $0x1, v0  }
0x95: {  	(xrf0) =	vadd.scan.msk.s32 $0xffff, v17;
	v17 =	vmpcnt.ones.xlane vm0;
	_ =	sdelay $0x1  }
0x96: {  	vm15 =	vge.f32 v16, v14  }
0x97: {  	vm0 =	vge.f32 v19, v14;
	v16 =	vsel vm15, $0x1, v0  }
0x98: {  	v54 =	vmpcnt.ones.xlane vm13;
	v15 =	vadd.s32 v17, v15;
	(xrf0) =	vadd.scan.msk.s32 $0xffff, v16;
	v16 =	vsel vm0, $0x1, v0;
	v17, _, _ =	vpop (xrf0)  }
0x99: {  	(xrf0) =	vadd.scan.msk.s32 $0xffff, v16;
	v16 =	vmpcnt.ones.xlane vm14;
	v17 =	vadd.s32 v15, v17  }
0x9a: {  	v56 =	vmpcnt.ones.xlane vm15;
	v55, _, _ =	vpop (xrf0);
	v15 =	vadd.s32 v15, v54;
	v57 =	vadd.s32 $0xFFFFFFFF, v17  }
0x9b: {  	vm8 =	vlt.s32 v17, $0x3E9;
	v17 =	vadd.s32 v55, v15;
	v15 =	vadd.s32 v16, v15  }
0x9c: {  	vm9 =	vgt.s32 v57, $0x0;
	vm2 =	vmand vm13, vm8;
	v19 =	vadd.s32 $0xFFFFFFFF, v17  }
0x9d: {  	vm10 =	vlt.s32 v17, $0x3E9;
	v58 =	vnsel vm9, $0x0, v57;
	vm11 =	vgt.s32 v19, $0x0  }
0x9e: {  	vm3 =	vmand vm14, vm10;
	v18 =	vmin.u32 v58, $0x3FF;
	v17, _, _ =	vpop (xrf0);
	v19 =	vnsel vm11, $0x0, v19  }
0x9f: {  	v16, _, _ =	vpop (xrf0);
	v19 =	vmin.u32 v19, $0x3FF;
	v17 =	vadd.s32 v17, v15;
	v15 =	vadd.s32 v56, v15  }
0xa0: {  	vm12 =	vlt.s32 v17, $0x3E9;
	v17 =	vadd.s32 $0xFFFFFFFF, v17;
	v16 =	vadd.s32 v16, v15  }
0xa1: {  	vm1 =	vmand vm15, vm12;
	vm13 =	vgt.s32 v17, $0x0;
	v59 =	vadd.s32 $0xFFFFFFFF, v16  }
0xa2: {  	vm14 =	vlt.s32 v16, $0x3E9;
	v17 =	vnsel vm13, $0x0, v17;
	vm15 =	vgt.s32 v59, $0x0  }
0xa3: {  	s12 =	sadd.s32 $0x2, s12;
	vm4 =	vmand vm0, vm14;
	v16 =	vnsel vm15, $0x0, v59;
	v17 =	vmin.u32 v17, $0x3FF  }
0xa4: {  	p0 =	slt.u32 s12, $0xFE;
	v16 =	vmin.u32 v16, $0x3FF  }
.Ltmp1:
0xa5: {  	s29 =	sadd.s32 $0x10, s16;
	v60 =	vor.u32 s16, v1;
	(pc) =	sbr.rel @p0 .LBB2_3-.Ltmp1, $4  }
0xa6: {  	s30 =	sadd.s32 $0x20, s16;
	v61 =	vor.u32 s29, v1;
	[tilespmem:v18+s9+$0x0] =	vst.idx.msk vm2, v60  }
0xa7: {  	s31 =	sadd.s32 $0x30, s16;
	v63 =	vor.u32 s30, v1;
	v62 =	vmpcnt.ones.xlane vm0;
	[tilespmem:v19+s9+$0x0] =	vst.idx.msk vm3, v61  }
0xa8: {  	s16 =	sadd.s32 $0x80, s16;
	[tilespmem:v17+s9+$0x0] =	vst.idx.msk vm1, v63;
	v17 =	vor.u32 s31, v1  }
0xa9: {  	s13 =	simm.s32 $0x4090;
	s14 =	simm.s32 $0x10;
	s15 =	sadd.s32 $0x80, s15;
	v15 =	vadd.s32 v62, v15;
	[tilespmem:v16+s9+$0x0] =	vst.idx.msk vm4, v17  }
0xaa: {  	v17 =	vor.u32 s14, v1;
	s12 =	simm.s32 $0x0  }
0xab: {  	v16 =	vmul.u32 $0xC, v17;
	v14 =	vor.u32 s12, v1  }
0xac: {  	v15 =	vmul.u32 $0xC, v14  }
0xad: {  	vm0 =	vlt.u32 v14, $0x3E8;
	v18 =	vor.u32 $0x1, v16;
	v19 =	vor.u32 $0x2, v16  }
0xae: {  	v20 =	vor.u32 $0x3, v16;
	v21 =	vmin.u32 v16, $0x2EDB;
	v22 =	vmin.u32 v16, $0x2EDA  }
0xaf: {  	v32 =	vmin.u32 v16, $0x2ED8;
	v33 =	vmin.u32 v16, $0x2ED7;
	v41 =	vmin.u32 v16, $0x2ED6  }
0xb0: {  	v31 =	vld [tilespmem:s13+$0xFFFFFFF0];
	v40 =	vmin.u32 v16, $0x2ED4;
	v14 =	vor.u32 $0x1, v15;
	v34 =	vmin.u32 v15, $0x2EDB  }
0xb1: {  	v35 =	vmin.u32 v15, $0x2EDA;
	v23 =	vor.u32 $0x2, v15;
	v36 =	vmin.u32 v15, $0x2ED9  }
0xb2: {  	v37 =	vmin.u32 v15, $0x2ED8;
	v27 =	vmin.u32 v15, $0x2EDF;
	v38 =	vmin.u32 v15, $0x2ED7  }
0xb3: {  	v26 =	vmin.u32 v15, $0x2ED6;
	v30 =	vor.u32 $0x3, v15;
	v25 =	vmin.u32 v15, $0x2ED5  }
0xb4: {  	v24 =	vmin.u32 v15, $0x2ED4;
	v29 =	vmin.u32 v14, $0x2EDF;
	v28 =	vmin.u32 v23, $0x2EDF  }
0xb5: {  	v23 =	vmin.u32 v16, $0x2ED9;
	v15 =	vshra.s32 v31, $0x7;
	v39 =	vand.u32 $0x7F, v31  }
0xb6: {  	v14 =	vmin.u32 v16, $0x2ED5;
	v31 =	vcvt.s32.f32 v15;
	v39 =	vcvt.s32.f32 v39  }
0xb7: {  	s15 =	simm.s32 $0x0;
	s12 =	simm.s32 $0x4090;
	v30 =	vmin.u32 v30, $0x2EDF;
	v15 =	vadd.s32 $0xA, v14;
	v14 =	vadd.s32 $0xB, v40  }
.LBB2_5:
0xb8: {  	s15 =	sadd.s32 $0x2, s15;
	v40 =	vmul.f32 $4.000000000e+00, v31;
	v39 =	vmul.f32 $4.000000000e+00, v39;
	v31 =	vadd.s32 $0x9, v41;
	s13 =	sadd.s32 $0x20, s13;
	s14 =	sadd.s32 $0x20, s14  }
0xb9: {  	v36 =	vadd.s32 $0x6, v36;
	v37 =	vadd.s32 $0x7, v37;
	v38 =	vadd.s32 $0x8, v38;
	p0 =	slt.u32 s15, $0x3C  }
0xba: {  	v35 =	vadd.s32 $0x5, v35;
	v41 =	vadd.f32 $-4.525483320e+01, v40;
	v42 =	vadd.f32 $-3.200000000e+01, v40  }
0xbb: {  	v34 =	vadd.s32 $0x4, v34;
	v43 =	vadd.f32 $-2.262741660e+01, v39;
	v44 =	vadd.f32 $2.262741660e+01, v39  }
0xbc: {  	v45 =	vadd.f32 $-3.200000000e+01, v39;
	v46 =	vadd.f32 $3.200000000e+01, v39;
	v41 =	vmul.f32 $1.953125000e-03, v41  }
0xbd: {  	v47 =	vadd.f32 $4.525483320e+01, v40;
	v43 =	vmul.f32 $1.953125000e-03, v43;
	v42 =	vmul.f32 $1.953125000e-03, v42  }
0xbe: {  	v48 =	vadd.f32 $3.200000000e+01, v40;
	v46 =	vmul.f32 $1.953125000e-03, v46;
	v41 =	vmax.f32 v41, $0.0e+00  }
0xbf: {  	v47 =	vmul.f32 $1.953125000e-03, v47;
	v44 =	vmul.f32 $1.953125000e-03, v44;
	v41 =	vmin.f32 v41, $1.000000000e+00  }
0xc0: {  	v45 =	vmul.f32 $1.953125000e-03, v45;
	v48 =	vmul.f32 $1.953125000e-03, v48;
	v42 =	vmax.f32 v42, $0.0e+00  }
0xc1: {  	v47 =	vmax.f32 v47, $0.0e+00;
	v44 =	vmax.f32 v44, $0.0e+00;
	v46 =	vmax.f32 v46, $0.0e+00  }
0xc2: {  	v43 =	vmax.f32 v43, $0.0e+00;
	v45 =	vmax.f32 v45, $0.0e+00;
	v44 =	vmin.f32 v44, $1.000000000e+00  }
0xc3: {  	v43 =	vmin.f32 v43, $1.000000000e+00;
	[tilespmem:v27+s10+$0x0] =	vst.idx.msk vm0, v41;
	v27 =	vmin.f32 v42, $1.000000000e+00;
	v41 =	vadd.f32 $-2.262741660e+01, v40  }
0xc4: {  	v42 =	vmin.f32 v47, $1.000000000e+00;
	[tilespmem:v29+s10+$0x0] =	vst.idx.msk vm0, v43;
	v29 =	vmin.f32 v45, $1.000000000e+00;
	v43 =	vmax.f32 v48, $0.0e+00  }
0xc5: {  	[tilespmem:v28+s10+$0x0] =	vst.idx.msk vm0, v42;
	v28 =	vmin.f32 v43, $1.000000000e+00;
	v41 =	vmul.f32 $1.953125000e-03, v41;
	v42 =	vadd.f32 $-4.525483320e+01, v39  }
0xc6: {  	v40 =	vadd.f32 $2.262741660e+01, v40;
	v39 =	vadd.f32 $4.525483320e+01, v39;
	[tilespmem:v30+s10+$0x0] =	vst.idx.msk vm0, v44;
	v30 =	vmin.f32 v46, $1.000000000e+00  }
0xc7: {  	v26 =	vadd.s32 $0x9, v26;
	[tilespmem:v34+s10+$0x0] =	vst.idx.msk vm0, v27;
	v27 =	vmax.f32 v41, $0.0e+00;
	v34 =	vmul.f32 $1.953125000e-03, v42  }
0xc8: {  	v25 =	vadd.s32 $0xA, v25;
	[tilespmem:v35+s10+$0x0] =	vst.idx.msk vm0, v29;
	v29 =	vmul.f32 $1.953125000e-03, v40;
	v35 =	vmul.f32 $1.953125000e-03, v39  }
0xc9: {  	v24 =	vadd.s32 $0xB, v24;
	v41 =	vor.u32 s14, v1;
	[tilespmem:v36+s10+$0x0] =	vst.idx.msk vm0, v28;
	v28 =	vmax.f32 v34, $0.0e+00  }
0xca: {  	v27 =	vmin.f32 v27, $1.000000000e+00;
	[tilespmem:v37+s10+$0x0] =	vst.idx.msk vm0, v30;
	v29 =	vmax.f32 v29, $0.0e+00;
	v30 =	vmax.f32 v35, $0.0e+00  }
0xcb: {  	s16 =	sadd.s32 $0xFFFFFFF0, s14;
	v42 =	vmul.u32 $0xC, v41;
	v39 =	vadd.s32 $0x8, v33;
	v28 =	vmin.f32 v28, $1.000000000e+00;
	[tilespmem:v38+s10+$0x0] =	vst.idx.msk vm0, v27  }
0xcc: {  	v40 =	vadd.s32 $0x7, v32;
	v27 =	vor.u32 s16, v1;
	v29 =	vmin.f32 v29, $1.000000000e+00;
	[tilespmem:v26+s10+$0x0] =	vst.idx.msk vm0, v28  }
0xcd: {  	v32 =	vor.u32 $0x1, v42;
	v28 =	vmul.u32 $0xC, v27;
	v26 =	vmin.f32 v30, $1.000000000e+00;
	[tilespmem:v25+s10+$0x0] =	vst.idx.msk vm0, v29  }
0xce: {  	v33 =	vor.u32 $0x2, v42;
	v43 =	vor.u32 $0x3, v42;
	[tilespmem:v24+s10+$0x0] =	vst.idx.msk vm0, v26;
	vm0 =	vlt.u32 v27, $0x3E8  }
0xcf: {  	v29 =	vor.u32 $0x1, v28;
	v34 =	vmin.u32 v28, $0x2EDB;
	v35 =	vmin.u32 v28, $0x2EDA;
	v30 =	vld [tilespmem:s12+$0x0];
	s12 =	smov.u32 s13  }
0xd0: {  	v44 =	vor.u32 $0x2, v28;
	v36 =	vmin.u32 v28, $0x2ED9;
	v37 =	vmin.u32 v28, $0x2ED8  }
0xd1: {  	v27 =	vmin.u32 v28, $0x2EDF;
	v38 =	vmin.u32 v28, $0x2ED7;
	v26 =	vmin.u32 v28, $0x2ED6  }
0xd2: {  	v45 =	vor.u32 $0x3, v28;
	v25 =	vmin.u32 v28, $0x2ED5;
	v24 =	vmin.u32 v28, $0x2ED4  }
0xd3: {  	v46 =	vmin.u32 v42, $0x2EDB;
	v47 =	vmin.u32 v42, $0x2EDA;
	v29 =	vmin.u32 v29, $0x2EDF  }
0xd4: {  	v28 =	vmin.u32 v44, $0x2EDF;
	v44 =	vshra.s32 v30, $0x7;
	v30 =	vand.u32 $0x7F, v30  }
0xd5: {  	v48 =	vmin.u32 v42, $0x2ED9;
	v44 =	vcvt.s32.f32 v44;
	v49 =	vcvt.s32.f32 v30  }
0xd6: {  	v50 =	vadd.s32 $0x6, v23;
	v23 =	vmovc v48;
	v30 =	vmin.u32 v45, $0x2EDF;
	v45 =	vadd.s32 $0x5, v22;
	v22 =	vmovc v47  }
0xd7: {  	v48 =	vadd.s32 $0x4, v21;
	v21 =	vmovc v46;
	v44 =	vmul.f32 $4.000000000e+00, v44;
	v47 =	vmul.f32 $4.000000000e+00, v49  }
0xd8: {  	vm1 =	vlt.u32 v17, $0x3E8;
	v17 =	vmovc v41;
	v46 =	vmin.u32 v19, $0x2EDF;
	v19 =	vmovc v33;
	v49 =	vmin.u32 v20, $0x2EDF  }
0xd9: {  	v41 =	vmin.u32 v18, $0x2EDF;
	v18 =	vmovc v32;
	v20 =	vmovc v43;
	v33 =	vadd.f32 $-4.525483320e+01, v44;
	v51 =	vadd.f32 $-4.525483320e+01, v47  }
0xda: {  	v52 =	vmin.u32 v16, $0x2EDF;
	v16 =	vmovc v42;
	v32 =	vadd.f32 $-2.262741660e+01, v47;
	v43 =	vadd.f32 $4.525483320e+01, v44  }
0xdb: {  	v42 =	vadd.f32 $2.262741660e+01, v47;
	v53 =	vadd.f32 $-3.200000000e+01, v44;
	v33 =	vmul.f32 $1.953125000e-03, v33  }
0xdc: {  	v54 =	vadd.f32 $-3.200000000e+01, v47;
	v55 =	vadd.f32 $3.200000000e+01, v47;
	v32 =	vmul.f32 $1.953125000e-03, v32  }
0xdd: {  	v56 =	vadd.f32 $3.200000000e+01, v44;
	v43 =	vmul.f32 $1.953125000e-03, v43;
	v33 =	vmax.f32 v33, $0.0e+00  }
0xde: {  	v42 =	vmul.f32 $1.953125000e-03, v42;
	v32 =	vmax.f32 v32, $0.0e+00;
	v33 =	vmin.f32 v33, $1.000000000e+00  }
0xdf: {  	v43 =	vmax.f32 v43, $0.0e+00;
	v32 =	vmin.f32 v32, $1.000000000e+00;
	[tilespmem:v52+s10+$0x0] =	vst.idx.msk vm1, v33;
	v33 =	vmul.f32 $1.953125000e-03, v54  }
0xe0: {  	v42 =	vmax.f32 v42, $0.0e+00;
	[tilespmem:v41+s10+$0x0] =	vst.idx.msk vm1, v32;
	v32 =	vmul.f32 $1.953125000e-03, v56;
	v41 =	vmul.f32 $1.953125000e-03, v55  }
0xe1: {  	v42 =	vmin.f32 v42, $1.000000000e+00;
	v52 =	vmul.f32 $1.953125000e-03, v53;
	v33 =	vmax.f32 v33, $0.0e+00  }
0xe2: {  	v43 =	vmin.f32 v43, $1.000000000e+00;
	v53 =	vadd.f32 $-2.262741660e+01, v44;
	v41 =	vmax.f32 v41, $0.0e+00  }
0xe3: {  	v33 =	vmin.f32 v33, $1.000000000e+00;
	v32 =	vmax.f32 v32, $0.0e+00;
	[tilespmem:v46+s10+$0x0] =	vst.idx.msk vm1, v43;
	v43 =	vmax.f32 v52, $0.0e+00  }
0xe4: {  	v46 =	vmul.f32 $1.953125000e-03, v53;
	[tilespmem:v49+s10+$0x0] =	vst.idx.msk vm1, v42;
	v42 =	vmin.f32 v43, $1.000000000e+00;
	v43 =	vmin.f32 v32, $1.000000000e+00  }
0xe5: {  	v47 =	vadd.f32 $4.525483320e+01, v47;
	v44 =	vadd.f32 $2.262741660e+01, v44;
	[tilespmem:v48+s10+$0x0] =	vst.idx.msk vm1, v42;
	v42 =	vmul.f32 $1.953125000e-03, v51  }
0xe6: {  	v32 =	vmin.u32 v16, $0x2ED8;
	v48 =	vmin.f32 v41, $1.000000000e+00;
	[tilespmem:v45+s10+$0x0] =	vst.idx.msk vm1, v33;
	v33 =	vmax.f32 v46, $0.0e+00  }
0xe7: {  	v44 =	vmul.f32 $1.953125000e-03, v44;
	[tilespmem:v50+s10+$0x0] =	vst.idx.msk vm1, v43;
	v43 =	vmin.f32 v33, $1.000000000e+00;
	v42 =	vmax.f32 v42, $0.0e+00  }
0xe8: {  	v41 =	vmin.u32 v16, $0x2ED6;
	v33 =	vmin.u32 v16, $0x2ED7;
	[tilespmem:v40+s10+$0x0] =	vst.idx.msk vm1, v48;
	v40 =	vmul.f32 $1.953125000e-03, v47  }
0xe9: {  	v44 =	vmax.f32 v44, $0.0e+00;
	v45 =	vmin.u32 v16, $0x2ED5;
	v42 =	vmin.f32 v42, $1.000000000e+00;
	[tilespmem:v39+s10+$0x0] =	vst.idx.msk vm1, v43  }
0xea: {  	v43 =	vmin.u32 v16, $0x2ED4;
	v39 =	vmin.f32 v44, $1.000000000e+00;
	v40 =	vmax.f32 v40, $0.0e+00;
	[tilespmem:v31+s10+$0x0] =	vst.idx.msk vm1, v42  }
0xeb: {  	v31 =	vmin.f32 v40, $1.000000000e+00;
	[tilespmem:v15+s10+$0x0] =	vst.idx.msk vm1, v39  }
0xec: {  	[tilespmem:v14+s10+$0x0] =	vst.idx.msk vm1, v31  }
0xed: {  	v14 =	vld [tilespmem:s13+$0xFFFFFFF0];
	_ =	sdelay $0x2  }
.Ltmp2:
0xee: {  	(pc) =	sbr.rel @p0 .LBB2_5-.Ltmp2, $4  }
0xef: {  	_ = 	snop  }
0xf0: {  	v15 =	vshra.s32 v14, $0x7;
	v14 =	vand.u32 $0x7F, v14  }
0xf1: {  	v31 =	vcvt.s32.f32 v15;
	v39 =	vcvt.s32.f32 v14  }
0xf2: {  	v15 =	vadd.s32 $0xA, v45;
	v14 =	vadd.s32 $0xB, v43  }
0xf3: {  	v31 =	vmul.f32 $4.000000000e+00, v31;
	v39 =	vmul.f32 $4.000000000e+00, v39  }
0xf4: {  	v36 =	vadd.s32 $0x6, v36;
	v37 =	vadd.s32 $0x7, v37;
	v38 =	vadd.s32 $0x8, v38  }
0xf5: {  	v35 =	vadd.s32 $0x5, v35;
	v34 =	vadd.s32 $0x4, v34;
	v40 =	vadd.f32 $-4.525483320e+01, v31  }
0xf6: {  	v26 =	vadd.s32 $0x9, v26;
	v42 =	vadd.f32 $-3.200000000e+01, v31;
	v43 =	vadd.f32 $-2.262741660e+01, v39  }
0xf7: {  	v25 =	vadd.s32 $0xA, v25;
	v44 =	vadd.f32 $2.262741660e+01, v39;
	v45 =	vadd.f32 $-3.200000000e+01, v39  }
0xf8: {  	v24 =	vadd.s32 $0xB, v24;
	v46 =	vadd.f32 $3.200000000e+01, v39;
	v47 =	vadd.f32 $4.525483320e+01, v31  }
0xf9: {  	v48 =	vadd.f32 $3.200000000e+01, v31;
	v54 =	vadd.f32 $-2.262741660e+01, v31;
	v40 =	vmul.f32 $1.953125000e-03, v40  }
0xfa: {  	v59 =	vadd.f32 $-4.525483320e+01, v39;
	v31 =	vadd.f32 $2.262741660e+01, v31;
	v43 =	vmul.f32 $1.953125000e-03, v43  }
0xfb: {  	v61 =	vadd.f32 $4.525483320e+01, v39;
	v47 =	vmul.f32 $1.953125000e-03, v47;
	v40 =	vmax.f32 v40, $0.0e+00  }
0xfc: {  	v44 =	vmul.f32 $1.953125000e-03, v44;
	v43 =	vmax.f32 v43, $0.0e+00;
	v40 =	vmin.f32 v40, $1.000000000e+00  }
0xfd: {  	v42 =	vmul.f32 $1.953125000e-03, v42;
	v47 =	vmax.f32 v47, $0.0e+00;
	v43 =	vmin.f32 v43, $1.000000000e+00;
	[tilespmem:v27+s10+$0x0] =	vst.idx.msk vm0, v40  }
0xfe: {  	v45 =	vmul.f32 $1.953125000e-03, v45;
	v44 =	vmax.f32 v44, $0.0e+00;
	v55 =	vmin.f32 v47, $1.000000000e+00;
	[tilespmem:v29+s10+$0x0] =	vst.idx.msk vm0, v43  }
0xff: {  	v48 =	vmul.f32 $1.953125000e-03, v48;
	v42 =	vmax.f32 v42, $0.0e+00;
	v44 =	vmin.f32 v44, $1.000000000e+00;
	[tilespmem:v28+s10+$0x0] =	vst.idx.msk vm0, v55  }
0x100: {  	v46 =	vmul.f32 $1.953125000e-03, v46;
	v53 =	vmax.f32 v45, $0.0e+00;
	v56 =	vmin.f32 v42, $1.000000000e+00;
	[tilespmem:v30+s10+$0x0] =	vst.idx.msk vm0, v44  }
0x101: {  	v57 =	vmax.f32 v48, $0.0e+00;
	v27 =	vmin.f32 v53, $1.000000000e+00;
	v40 =	vmul.f32 $1.953125000e-03, v54;
	[tilespmem:v34+s10+$0x0] =	vst.idx.msk vm0, v56  }
0x102: {  	v62 =	vmul.f32 $1.953125000e-03, v59;
	v46 =	vmax.f32 v46, $0.0e+00;
	v58 =	vmin.f32 v57, $1.000000000e+00;
	[tilespmem:v35+s10+$0x0] =	vst.idx.msk vm0, v27  }
0x103: {  	v31 =	vmul.f32 $1.953125000e-03, v31;
	v60 =	vmin.f32 v46, $1.000000000e+00;
	v63 =	vmax.f32 v40, $0.0e+00;
	[tilespmem:v36+s10+$0x0] =	vst.idx.msk vm0, v58  }
0x104: {  	v35 =	vmul.f32 $1.953125000e-03, v61;
	v27 =	vmin.f32 v63, $1.000000000e+00;
	v36 =	vmax.f32 v62, $0.0e+00;
	[tilespmem:v37+s10+$0x0] =	vst.idx.msk vm0, v60  }
0x105: {  	v39 =	vmax.f32 v31, $0.0e+00;
	v29 =	vmin.f32 v36, $1.000000000e+00;
	[tilespmem:v38+s10+$0x0] =	vst.idx.msk vm0, v27  }
0x106: {  	v42 =	vmin.f32 v39, $1.000000000e+00;
	v40 =	vmax.f32 v35, $0.0e+00;
	[tilespmem:v26+s10+$0x0] =	vst.idx.msk vm0, v29  }
0x107: {  	v43 =	vmin.f32 v40, $1.000000000e+00;
	[tilespmem:v25+s10+$0x0] =	vst.idx.msk vm0, v42  }
0x108: {  	[tilespmem:v24+s10+$0x0] =	vst.idx.msk vm0, v43  }
0x109: {  	v24 =	vld [tilespmem:s12+$0x0];
	_ =	sdelay $0x4  }
0x10a: {  	v44 =	vshra.s32 v24, $0x7  }
0x10b: {  	v24 =	vand.u32 $0x7F, v24;
	v26 =	vcvt.s32.f32 v44  }
0x10c: {  	v22 =	vadd.s32 $0x5, v22;
	v23 =	vadd.s32 $0x6, v23;
	v24 =	vcvt.s32.f32 v24  }
0x10d: {  	v21 =	vadd.s32 $0x4, v21;
	vm15 =	vlt.u32 v17, $0x3E8;
	v26 =	vmul.f32 $4.000000000e+00, v26  }
0x10e: {  	v18 =	vmin.u32 v18, $0x2EDF;
	v16 =	vmin.u32 v16, $0x2EDF;
	v24 =	vmul.f32 $4.000000000e+00, v24  }
0x10f: {  	v45 =	vadd.s32 $0x7, v32;
	v46 =	vmin.u32 v19, $0x2EDF;
	v48 =	vadd.f32 $-4.525483320e+01, v26  }
0x110: {  	v47 =	vmin.u32 v20, $0x2EDF;
	v49 =	vadd.f32 $-4.525483320e+01, v24;
	v50 =	vadd.f32 $-2.262741660e+01, v24  }
0x111: {  	v27 =	vadd.s32 $0x8, v33;
	v51 =	vadd.f32 $4.525483320e+01, v26;
	v52 =	vadd.f32 $2.262741660e+01, v24  }
0x112: {  	v25 =	vadd.s32 $0x9, v41;
	v53 =	vadd.f32 $-3.200000000e+01, v26;
	v54 =	vadd.f32 $-3.200000000e+01, v24  }
0x113: {  	v55 =	vadd.f32 $3.200000000e+01, v24;
	v56 =	vadd.f32 $3.200000000e+01, v26;
	v20 =	vmul.f32 $1.953125000e-03, v48  }
0x114: {  	v63 =	vadd.f32 $-2.262741660e+01, v26;
	v39 =	vadd.f32 $2.262741660e+01, v26;
	v30 =	vmul.f32 $1.953125000e-03, v50  }
0x115: {  	v31 =	vmul.f32 $1.953125000e-03, v51;
	v32 =	vmul.f32 $1.953125000e-03, v52;
	v20 =	vmax.f32 v20, $0.0e+00  }
0x116: {  	v34 =	vmul.f32 $1.953125000e-03, v54;
	v30 =	vmax.f32 v30, $0.0e+00;
	v20 =	vmin.f32 v20, $1.000000000e+00  }
0x117: {  	v59 =	vmul.f32 $1.953125000e-03, v53;
	v31 =	vmax.f32 v31, $0.0e+00;
	v30 =	vmin.f32 v30, $1.000000000e+00;
	[tilespmem:v16+s10+$0x0] =	vst.idx.msk vm15, v20  }
0x118: {  	v58 =	vmul.f32 $1.953125000e-03, v56;
	v57 =	vmax.f32 v32, $0.0e+00;
	v61 =	vmin.f32 v31, $1.000000000e+00;
	[tilespmem:v18+s10+$0x0] =	vst.idx.msk vm15, v30  }
0x119: {  	v62 =	vmax.f32 v34, $0.0e+00;
	v34 =	vmax.f32 v59, $0.0e+00;
	v16 =	vmin.f32 v57, $1.000000000e+00;
	[tilespmem:v46+s10+$0x0] =	vst.idx.msk vm15, v61  }
0x11a: {  	v41 =	vadd.f32 $4.525483320e+01, v24;
	v60 =	vmul.f32 $1.953125000e-03, v55;
	v36 =	vmin.f32 v34, $1.000000000e+00;
	[tilespmem:v47+s10+$0x0] =	vst.idx.msk vm15, v16  }
0x11b: {  	v38 =	vmul.f32 $1.953125000e-03, v63;
	v37 =	vmax.f32 v58, $0.0e+00;
	v35 =	vmin.f32 v62, $1.000000000e+00;
	[tilespmem:v21+s10+$0x0] =	vst.idx.msk vm15, v36  }
0x11c: {  	v40 =	vmul.f32 $1.953125000e-03, v49;
	v17 =	vmin.f32 v37, $1.000000000e+00;
	v18 =	vmax.f32 v60, $0.0e+00;
	[tilespmem:v22+s10+$0x0] =	vst.idx.msk vm15, v35  }
0x11d: {  	v19 =	vmax.f32 v38, $0.0e+00;
	v18 =	vmin.f32 v18, $1.000000000e+00;
	v16 =	vmul.f32 $1.953125000e-03, v39;
	[tilespmem:v23+s10+$0x0] =	vst.idx.msk vm15, v17  }
0x11e: {  	v44 =	vmul.f32 $1.953125000e-03, v41;
	v43 =	vmax.f32 v40, $0.0e+00;
	v42 =	vmin.f32 v19, $1.000000000e+00;
	[tilespmem:v45+s10+$0x0] =	vst.idx.msk vm15, v18  }
0x11f: {  	v19 =	vmin.f32 v43, $1.000000000e+00;
	v16 =	vmax.f32 v16, $0.0e+00;
	[tilespmem:v27+s10+$0x0] =	vst.idx.msk vm15, v42  }
0x120: {  	v16 =	vmin.f32 v16, $1.000000000e+00;
	v45 =	vmax.f32 v44, $0.0e+00;
	[tilespmem:v25+s10+$0x0] =	vst.idx.msk vm15, v19  }
0x121: {  	v17 =	vmin.f32 v45, $1.000000000e+00;
	[tilespmem:v15+s10+$0x0] =	vst.idx.msk vm15, v16  }
0x122: {  	[tilespmem:v14+s10+$0x0] =	vst.idx.msk vm15, v17  }
0x123: {  	v14 =	vld [tilespmem:$0x4460];
	_ =	sdelay $0x4  }
0x124: {  	v15 =	vshra.s32 v14, $0x7  }
0x125: {  	v14 =	vand.u32 $0x7F, v14;
	v15 =	vcvt.s32.f32 v15  }
0x126: {  	v14 =	vcvt.s32.f32 v14  }
0x127: {  	v15 =	vmul.f32 $4.000000000e+00, v15  }
0x128: {  	v14 =	vmul.f32 $4.000000000e+00, v14  }
0x129: {  	v46 =	vadd.f32 $-4.525483320e+01, v15  }
0x12a: {  	v47 =	vadd.f32 $-2.262741660e+01, v14;
	v48 =	vadd.f32 $4.525483320e+01, v15  }
0x12b: {  	v49 =	vadd.f32 $2.262741660e+01, v14;
	v50 =	vadd.f32 $-3.200000000e+01, v15  }
0x12c: {  	v51 =	vadd.f32 $-3.200000000e+01, v14;
	v52 =	vadd.f32 $3.200000000e+01, v15  }
0x12d: {  	v56 =	vadd.f32 $3.200000000e+01, v14;
	v57 =	vadd.f32 $-2.262741660e+01, v15;
	v16 =	vmul.f32 $1.953125000e-03, v46  }
0x12e: {  	v60 =	vadd.f32 $-4.525483320e+01, v14;
	v15 =	vadd.f32 $2.262741660e+01, v15;
	v17 =	vmul.f32 $1.953125000e-03, v47  }
0x12f: {  	v14 =	vadd.f32 $4.525483320e+01, v14;
	v18 =	vmul.f32 $1.953125000e-03, v48;
	v16 =	vmax.f32 v16, $0.0e+00  }
0x130: {  	v19 =	vmul.f32 $1.953125000e-03, v49;
	v17 =	vmax.f32 v17, $0.0e+00;
	v16 =	vmin.f32 v16, $1.000000000e+00  }
0x131: {  	v20 =	vmul.f32 $1.953125000e-03, v50;
	v18 =	vmax.f32 v18, $0.0e+00;
	v17 =	vmin.f32 v17, $1.000000000e+00;
	[tilespmem:v2+s10+$0x0] =	vst.idx.msk $0xff, v16  }
0x132: {  	v21 =	vmul.f32 $1.953125000e-03, v51;
	v19 =	vmax.f32 v19, $0.0e+00;
	v18 =	vmin.f32 v18, $1.000000000e+00;
	[tilespmem:v3+s10+$0x0] =	vst.idx.msk $0xff, v17  }
0x133: {  	v55 =	vmul.f32 $1.953125000e-03, v52;
	v53 =	vmax.f32 v20, $0.0e+00;
	v19 =	vmin.f32 v19, $1.000000000e+00;
	[tilespmem:v4+s10+$0x0] =	vst.idx.msk $0xff, v18  }
0x134: {  	v59 =	vmul.f32 $1.953125000e-03, v56;
	v54 =	vmax.f32 v21, $0.0e+00;
	v16 =	vmin.f32 v53, $1.000000000e+00;
	[tilespmem:v5+s10+$0x0] =	vst.idx.msk $0xff, v19  }
0x135: {  	v61 =	vmul.f32 $1.953125000e-03, v57;
	v58 =	vmax.f32 v55, $0.0e+00;
	v17 =	vmin.f32 v54, $1.000000000e+00;
	[tilespmem:v6+s10+$0x0] =	vst.idx.msk $0xff, v16  }
0x136: {  	v63 =	vmul.f32 $1.953125000e-03, v60;
	v62 =	vmax.f32 v59, $0.0e+00;
	v19 =	vmin.f32 v58, $1.000000000e+00;
	[tilespmem:v7+s10+$0x0] =	vst.idx.msk $0xff, v17  }
0x137: {  	v15 =	vmul.f32 $1.953125000e-03, v15;
	v18 =	vmin.f32 v62, $1.000000000e+00;
	v16 =	vmax.f32 v61, $0.0e+00;
	[tilespmem:v8+s10+$0x0] =	vst.idx.msk $0xff, v19  }
0x138: {  	v14 =	vmul.f32 $1.953125000e-03, v14;
	v16 =	vmin.f32 v16, $1.000000000e+00;
	v17 =	vmax.f32 v63, $0.0e+00;
	[tilespmem:v9+s10+$0x0] =	vst.idx.msk $0xff, v18  }
0x139: {  	v15 =	vmax.f32 v15, $0.0e+00;
	v17 =	vmin.f32 v17, $1.000000000e+00;
	[tilespmem:v10+s10+$0x0] =	vst.idx.msk $0xff, v16  }
0x13a: {  	s11 =	sadd.s32 $0x1, s11;
	v14 =	vmax.f32 v14, $0.0e+00;
	v15 =	vmin.f32 v15, $1.000000000e+00;
	[tilespmem:v11+s10+$0x0] =	vst.idx.msk $0xff, v17  }
0x13b: {  	p0 =	sne.s32 s11, s6;
	v14 =	vmin.f32 v14, $1.000000000e+00;
	[tilespmem:v12+s10+$0x0] =	vst.idx.msk $0xff, v15  }
.Ltmp3:
0x13c: {  	[tilespmem:v13+s10+$0x0] =	vst.idx.msk $0xff, v14;
	(pc) =	sbr.rel @p0 .LBB2_2-.Ltmp3, $4  }
0x13d: {  	[hbm4b:s4+s2] =	stream.linear.scatter [tilespmem:s10], [sflag:$0x1], $0x2EE0, $0x38;
	[tilespmem:$0x7380] =	vst v63  }
0x13e: {  	_ =	swait.ge [sflag:s7], $0x2EE0  }
0x13f: {  	[sflag:s7] =	ssyncset.done $0x0  }
0x140: {  	[sflag:s7] =	ssyncadd.s32 $0xFFFFD120  }
.LBB2_7:
0x141: {  	_ =	sfence.sel $0x180000  }
0x142: {  	[bflag:$0x0] =	sbarrier.arrive $0xFFFF  }
0x143: {  	p0 =	sne.s32 s1, $0x0;
	_ =	strace $0x90000047  }
0x144: {  	s0 =	sadd.s32 @!p0 $0x100000, s0;
	[bflag:$0x2] =	sbarrier.arrive $0xFFFF  }
0x145: {  	[sflag:s0] =	ssyncadd.tile.s32 @!p0 $0x1;
	_ =	shalt  }
.Lfunc_end2:
_tile_overlayer_lowered:
.L_overlay_start_2:
0x146: {  	(tag) =	ssettag $0x2  }
0x147: {  	s0 =	rddreg [dreg:$0x0];
	s2 =	stileid.u32  }
0x148: {  	s1 =	rddreg [dreg:$0x1];
	p0 =	sne.s32 s2, $0x0  }
0x149: {  	s3 =	rddreg [dreg:$0x2];
	[bflag:$0x3] =	sbarrier.arrive $0xFFFF;
	s2 =	simm.s32 @!p0 $0x1C01  }
0x14a: {  	[timem:s3], [sflag:s2] =	dma.local @!p0 [hbm:s0], s1  }
0x14b: {  	s0 =	simm.s32 @!p0 $0x1  }
0x14c: {  	_ =	swait.ge @!p0 [sflag:s0], s1  }
0x14d: {  	s1 =	ssub.s32 @!p0 $0x0, s1;
	[sflag:s0] =	ssyncset.done @!p0 $0x0  }
0x14e: {  	[sflag:s0] =	ssyncadd.s32 @!p0 s1  }
0x14f: {  	[bflag:$0x3] =	sbarrier.arrive $0xFFFF  }
0x150: {  	_ =	shalt  }

</sc_bundles>
